<compile_context>
chip_gen: v7x
topology: tpu7x:2x2x1
jax: 0.10.2.dev20260603
libtpu: 0.0.44.dev20260713+nightly
codegen_flags: <defaults>
</compile_context>

<pallas_src>
import functools

import jax
import jax.numpy as jnp
from jax import lax
from jax.experimental import pallas as pl
from jax.experimental.pallas import tpu as pltpu
from jax.experimental.pallas import tpu_sc as plsc

_NC = 2
_NS = 16
_NW = _NC * _NS
_NBUF = 8
_ILV = 4
_VPAD = 1024000
_CHUNK = _VPAD // _ILV
_TBLK = 12800


def _retile_body(*refs):
    ins, out = refs[:_ILV], refs[_ILV]
    a = jnp.concatenate([r[...] for r in ins], axis=0)
    n = a.shape[0]
    eye = (lax.broadcasted_iota(jnp.int32, (n, n), 0)
           == lax.broadcasted_iota(jnp.int32, (n, n), 1)).astype(jnp.float32)
    out[...] = lax.dot_general(a, eye, (((0,), (0,)), ((), ())),
                               preferred_element_type=jnp.float32)


def _make_gather_table(tt):
    d_dim, v_dim = tt.shape
    grid = _CHUNK // _TBLK
    last_blk = v_dim // _TBLK
    in_specs = [
        pl.BlockSpec(
            (d_dim, _TBLK),
            functools.partial(
                lambda u_, p: (0, jnp.minimum((_CHUNK // _TBLK) * u_ + p,
                                              last_blk)), u))
        for u in range(_ILV)
    ]
    return pl.pallas_call(
        _retile_body,
        grid=(grid,),
        in_specs=in_specs,
        out_specs=pl.BlockSpec((_TBLK, _ILV * 32), lambda p: (p, 0)),
        out_shape=jax.ShapeDtypeStruct((_CHUNK, _ILV * 32), jnp.float32),
        compiler_params=pltpu.CompilerParams(fuse_transposed_lhs_in_matmul=True),
    )(*([tt] * _ILV))


def _row_sum(rows_ref, s_dim):
    unroll = 8
    assert s_dim % unroll == 0

    def body(i, carry):
        a0, a1, b0, b1 = carry
        r = i * unroll
        for j in range(0, unroll, 2):
            a0 = a0 + rows_ref[r + j, pl.ds(0, 16)]
            a1 = a1 + rows_ref[r + j, pl.ds(16, 16)]
            b0 = b0 + rows_ref[r + j + 1, pl.ds(0, 16)]
            b1 = b1 + rows_ref[r + j + 1, pl.ds(16, 16)]
        return a0, a1, b0, b1

    z = jnp.zeros((16,), jnp.float32)
    a0, a1, b0, b1 = lax.fori_loop(0, s_dim // unroll, body, (z, z, z, z))
    return a0 + b0, a1 + b1


def _gather_sum(x_flat, gtab, b_dim, s_dim, d_dim):
    bpw = b_dim // _NW
    n_full = s_dim // 128
    s_rem = s_dim - n_full * 128
    gsamp = _NBUF
    ngroups = bpw // gsamp
    gidx = gsamp * s_dim
    assert gidx % 16 == 0

    mesh = plsc.VectorSubcoreMesh(
        core_axis_name="c", subcore_axis_name="s",
        num_cores=_NC, num_subcores=_NS)

    def remap_group(idx_v, g):
        def body(i, _):
            v = idx_v[pl.ds(g * gidx + i * 16, 16)]
            m = v * _ILV
            for t in range(1, _ILV):
                m = jnp.where(v >= t * _CHUNK, m - (_ILV * _CHUNK - 1), m)
            idx_v[pl.ds(g * gidx + i * 16, 16)] = m
            return 0

        lax.fori_loop(0, gidx // 16, body, 0)

    def fire(tab_hbm, idx_v, rows, sem, off):
        for f in range(n_full):
            pltpu.async_copy(
                tab_hbm.at[idx_v.at[pl.ds(off + f * 128, 128)]],
                rows.at[pl.ds(f * 128, 128)], sem)
        if s_rem:
            pltpu.async_copy(
                tab_hbm.at[idx_v.at[pl.ds(off + n_full * 128, s_rem)]],
                rows.at[pl.ds(n_full * 128, s_rem)], sem)

    def drain(tab_hbm, idx_v, rows, sem, off):
        for f in range(n_full):
            pltpu.make_async_copy(
                tab_hbm.at[idx_v.at[pl.ds(off + f * 128, 128)]],
                rows.at[pl.ds(f * 128, 128)], sem).wait()
        if s_rem:
            pltpu.make_async_copy(
                tab_hbm.at[idx_v.at[pl.ds(off + n_full * 128, s_rem)]],
                rows.at[pl.ds(n_full * 128, s_rem)], sem).wait()

    scratch = (
        [pltpu.VMEM((bpw * s_dim,), jnp.int32)]
        + [pltpu.VMEM((s_dim, d_dim), jnp.float32) for _ in range(_NBUF)]
        + [pltpu.VMEM((bpw, d_dim), jnp.float32)]
        + [pltpu.SemaphoreType.DMA for _ in range(_NBUF)]
    )

    @functools.partial(
        pl.kernel,
        out_type=jax.ShapeDtypeStruct((b_dim, d_dim), jnp.float32),
        mesh=mesh,
        scratch_types=scratch,
        compiler_params=pltpu.CompilerParams(use_tc_tiling_on_sc=False),
    )
    def k(x_hbm, tab_hbm, out_hbm, idx_v, *rest):
        rows = rest[:_NBUF]
        out_v = rest[_NBUF]
        sems = rest[_NBUF + 1:]
        wid = lax.axis_index("s") * _NC + lax.axis_index("c")
        pltpu.sync_copy(x_hbm.at[pl.ds(wid * (bpw * s_dim), bpw * s_dim)], idx_v)

        remap_group(idx_v, 0)
        for slot in range(_NBUF):
            fire(tab_hbm, idx_v, rows[slot], sems[slot], slot * s_dim)

        def group(g, _):
            @pl.when(g + 1 < ngroups)
            def _():
                remap_group(idx_v, g + 1)

            for slot in range(_NBUF):
                s_loc = g * gsamp + slot
                off = s_loc * s_dim
                drain(tab_hbm, idx_v, rows[slot], sems[slot], off)
                lo, hi = _row_sum(rows[slot], s_dim)

                @pl.when(s_loc + gsamp < bpw)
                def _():
                    fire(tab_hbm, idx_v, rows[slot], sems[slot],
                         off + gsamp * s_dim)

                out_v[s_loc, pl.ds(0, 16)] = lo
                out_v[s_loc, pl.ds(16, 16)] = hi
            return 0

        lax.fori_loop(0, ngroups, group, 0)
        pltpu.sync_copy(out_v, out_hbm.at[pl.ds(wid * bpw, bpw)])

    return k(x_flat, gtab)


def _finish_body(x_ref, se_ref, w_ref, b_ref, logits_ref, doct_ref):
    xv = x_ref[...]
    cnt = jnp.sum((xv != 0).astype(jnp.float32), axis=1, keepdims=True)
    denom = jnp.maximum(cnt, 1.0)
    doc = se_ref[...] / denom
    d = doc.shape[1]
    eye = (lax.broadcasted_iota(jnp.int32, (d, d), 0)
           == lax.broadcasted_iota(jnp.int32, (d, d), 1)).astype(jnp.float32)
    doct_ref[...] = lax.dot_general(eye, doc, (((1,), (1,)), ((), ())),
                                    preferred_element_type=jnp.float32)
    logits_ref[...] = jnp.sum(doc * w_ref[...], axis=1, keepdims=True) + b_ref[...]


def kernel(x, table, W, b):
    b_dim, s_dim = x.shape
    v_dim, d_dim = table.shape
    assert b_dim % (_NW * _NBUF) == 0 and d_dim == 32 and v_dim <= _VPAD

    x = x.astype(jnp.int32)
    gtab = _make_gather_table(table.T)
    sum_emb = _gather_sum(
        x.reshape(-1), gtab.reshape(_VPAD, d_dim), b_dim, s_dim, d_dim)

    logits2d, doc_t = pl.pallas_call(
        _finish_body,
        out_shape=(
            jax.ShapeDtypeStruct((b_dim, 1), jnp.float32),
            jax.ShapeDtypeStruct((d_dim, b_dim), jnp.float32),
        ),
    )(x, sum_emb, W, b.reshape(1, 1))
    return logits2d.reshape(b_dim), doc_t.T

# --- scband reference (transcript-rebuilt; emitter-appended) ---
"""Pipeline reference for scband-simple-classifier-40450001993968 (READ-ONLY COPY).

The authoritative reference and input builder live on the scoring server;
editing this copy changes nothing except your own understanding.
"""

import jax, jax.numpy as jnp
import numpy as np

VOCAB = 1000000
EMBED_DIM = 32
BATCH = 4096
SEQ = 200


def setup_inputs(seed: int = 0) -> dict:
    key = jax.random.key(seed)
    k1, k2, k3 = jax.random.split(key, 3)
    x = jax.random.randint(k1, (BATCH, SEQ), 0, VOCAB)
    table = jax.random.normal(k2, (VOCAB, EMBED_DIM), dtype=jnp.float32) * 0.02
    # padding_idx=0 row is zero-initialized, matching nn.Embedding(padding_idx=0)
    table = table.at[0].set(0.0)
    W = jax.random.normal(k3, (1, EMBED_DIM), dtype=jnp.float32) * 0.05
    b = jnp.zeros((1,), dtype=jnp.float32)
    return {"x": x, "table": table, "W": W, "b": b}


def reference(x, table, W, b):
    # emb = self.embed(x)
    emb = jnp.take(table, x, axis=0)  # [B, S, D]
    # mask = (x != 0).unsqueeze(-1).float()
    mask = (x != 0)[..., None].astype(jnp.float32)  # [B, S, 1]
    # sum_emb = (emb * mask).sum(dim=1)
    sum_emb = jnp.sum(emb * mask, axis=1)  # [B, D]
    # denom = mask.sum(dim=1).clamp(min=1.0)
    denom = jnp.clip(jnp.sum(mask, axis=1), 1.0, None)  # [B, 1]
    doc_emb = sum_emb / denom  # [B, D]
    # logits = self.fc(doc_emb).squeeze(-1)
    logits = (doc_emb @ W.T + b)[..., 0]  # [B]
    return (logits, doc_emb)

if __name__ == "__main__":
    import jax
    _d = setup_inputs()
    print(jax.jit(kernel)(*tuple(_d.values())))

</pallas_src>

<mosaic_0001>
#map = affine_map<(d0, d1) -> (0)>
#map1 = affine_map<(d0, d1) -> (0, 0)>
module attributes {stable_mosaic.version = 14 : i64} {
  func.func @k(%arg0: i32, %arg1: i32, %arg2: memref<819200xi32, #tpu.memory_space<hbm>>, %arg3: memref<1024000x32xf32, #tpu.memory_space<hbm>>, %arg4: memref<4096x32xf32, #tpu.memory_space<hbm>>, %arg5: memref<25600xi32, #tpu.memory_space<vmem>>, %arg6: memref<200x32xf32, #tpu.memory_space<vmem>>, %arg7: memref<200x32xf32, #tpu.memory_space<vmem>>, %arg8: memref<200x32xf32, #tpu.memory_space<vmem>>, %arg9: memref<200x32xf32, #tpu.memory_space<vmem>>, %arg10: memref<200x32xf32, #tpu.memory_space<vmem>>, %arg11: memref<200x32xf32, #tpu.memory_space<vmem>>, %arg12: memref<200x32xf32, #tpu.memory_space<vmem>>, %arg13: memref<200x32xf32, #tpu.memory_space<vmem>>, %arg14: memref<128x32xf32, #tpu.memory_space<vmem>>, %arg15: memref<!tpu.dma_semaphore, #tpu.memory_space<semaphore_mem>>, %arg16: memref<!tpu.dma_semaphore, #tpu.memory_space<semaphore_mem>>, %arg17: memref<!tpu.dma_semaphore, #tpu.memory_space<semaphore_mem>>, %arg18: memref<!tpu.dma_semaphore, #tpu.memory_space<semaphore_mem>>, %arg19: memref<!tpu.dma_semaphore, #tpu.memory_space<semaphore_mem>>, %arg20: memref<!tpu.dma_semaphore, #tpu.memory_space<semaphore_mem>>, %arg21: memref<!tpu.dma_semaphore, #tpu.memory_space<semaphore_mem>>, %arg22: memref<!tpu.dma_semaphore, #tpu.memory_space<semaphore_mem>>) attributes {dimension_semantics = [#tpu.dimension_semantics<core_parallel>, #tpu.dimension_semantics<subcore_parallel>], iteration_bounds = array<i64: 2, 16>, scalar_prefetch = 0 : i64, scratch_operands = 18 : i64, tpu.core_type = #tpu.core_type<sc_vector_subcore>, window_params = [{transform_indices = #map}, {transform_indices = #map1}, {transform_indices = #map1}]} {
    %mul3A = arith.constant 2 : i32
    %mul3A_0 = arith.muli %arg1, %mul3A : i32
    %add3A = arith.addi %mul3A_0, %arg0 : i32
    %mul3A_1 = arith.constant 25600 : i32
    %mul3A_2 = arith.muli %add3A, %mul3A_1 : i32
    "tpu.region"() ({
      %run_scoped3A = tpu.sem_alloc : memref<!tpu.dma_semaphore, #tpu.memory_space<semaphore_mem>>
      %dma_start3A_145 = tpu.memref_slice %arg2[%mul3A_2] : memref<819200xi32, #tpu.memory_space<hbm>> -> memref<25600xi32, #tpu.memory_space<hbm>>
      %dma_start3A_146 = tpu.memref_slice %arg2[%mul3A_2] : memref<819200xi32, #tpu.memory_space<hbm>> -> memref<25600xi32, #tpu.memory_space<hbm>>
      tpu.enqueue_dma source(%dma_start3A_146 : memref<25600xi32, #tpu.memory_space<hbm>>) target(%arg5 : memref<25600xi32, #tpu.memory_space<vmem>>) target_semaphore(%run_scoped3A : memref<!tpu.dma_semaphore, #tpu.memory_space<semaphore_mem>>)
      %dma_wait3A = tpu.memref_slice %arg2[%mul3A_2] : memref<819200xi32, #tpu.memory_space<hbm>> -> memref<25600xi32, #tpu.memory_space<hbm>>
      %dma_wait3A_147 = tpu.memref_slice %arg2[%mul3A_2] : memref<819200xi32, #tpu.memory_space<hbm>> -> memref<25600xi32, #tpu.memory_space<hbm>>
      tpu.wait_dma2 semaphore(%run_scoped3A : memref<!tpu.dma_semaphore, #tpu.memory_space<semaphore_mem>>) src(%dma_wait3A_147 : memref<25600xi32, #tpu.memory_space<hbm>>) dst(%arg5 : memref<25600xi32, #tpu.memory_space<vmem>>)
      tpu.yield
    }) : () -> ()
    %scan3A = arith.constant 0 : i32
    %scan3A_3 = arith.constant 0 : i32
    %scan3A_4 = arith.constant 100 : i32
    %scan3A_5 = arith.addi %scan3A_3, %scan3A_4 : i32
    %scan3A_6 = arith.constant 1 : i32
    %scan3A_7 = scf.for %scan3A_145 = %scan3A_3 to %scan3A_5 step %scan3A_6 iter_args(%scan3A_146 = %scan3A) -> (i32)  : i32 {
      %mul3A_147 = arith.constant 16 : i32
      %mul3A_148 = arith.muli %scan3A_145, %mul3A_147 : i32
      %add3A_149 = arith.constant 0 : i32
      %add3A_150 = arith.addi %add3A_149, %mul3A_148 : i32
      %get3A = arith.index_cast %add3A_150 : i32 to index
      %get3A_151 = tpu.vector_load %arg5[%get3A] {strides = array<i32>} : memref<25600xi32, #tpu.memory_space<vmem>>, vector<16xi32>,
      %get3A_152 = vector.shape_cast %get3A_151 : vector<16xi32> to vector<16xi32>
      %mul3A_153 = arith.constant 4 : i32
      %mul3A_154 = vector.broadcast %mul3A_153 : i32 to vector<16xi32>
      %mul3A_155 = arith.muli %get3A_152, %mul3A_154 : vector<16xi32>
      %ge3A = arith.constant 256000 : i32
      %ge3A_156 = vector.broadcast %ge3A : i32 to vector<16xi32>
      %ge3A_157 = arith.cmpi sge, %get3A_152, %ge3A_156 : vector<16xi32>
      %sub3A = arith.constant 1023999 : i32
      %sub3A_158 = vector.broadcast %sub3A : i32 to vector<16xi32>
      %sub3A_159 = arith.subi %mul3A_155, %sub3A_158 : vector<16xi32>
      %select_n3A = arith.select %ge3A_157, %sub3A_159, %mul3A_155 : vector<16xi1>, vector<16xi32>
      %ge3A_160 = arith.constant 512000 : i32
      %ge3A_161 = vector.broadcast %ge3A_160 : i32 to vector<16xi32>
      %ge3A_162 = arith.cmpi sge, %get3A_152, %ge3A_161 : vector<16xi32>
      %sub3A_163 = arith.constant 1023999 : i32
      %sub3A_164 = vector.broadcast %sub3A_163 : i32 to vector<16xi32>
      %sub3A_165 = arith.subi %select_n3A, %sub3A_164 : vector<16xi32>
      %select_n3A_166 = arith.select %ge3A_162, %sub3A_165, %select_n3A : vector<16xi1>, vector<16xi32>
      %ge3A_167 = arith.constant 768000 : i32
      %ge3A_168 = vector.broadcast %ge3A_167 : i32 to vector<16xi32>
      %ge3A_169 = arith.cmpi sge, %get3A_152, %ge3A_168 : vector<16xi32>
      %sub3A_170 = arith.constant 1023999 : i32
      %sub3A_171 = vector.broadcast %sub3A_170 : i32 to vector<16xi32>
      %sub3A_172 = arith.subi %select_n3A_166, %sub3A_171 : vector<16xi32>
      %select_n3A_173 = arith.select %ge3A_169, %sub3A_172, %select_n3A_166 : vector<16xi1>, vector<16xi32>
      %mul3A_174 = arith.constant 16 : i32
      %mul3A_175 = arith.muli %scan3A_145, %mul3A_174 : i32
      %add3A_176 = arith.constant 0 : i32
      %add3A_177 = arith.addi %add3A_176, %mul3A_175 : i32
      %swap3A = arith.index_cast %add3A_177 : i32 to index
      %swap3A_178 = tpu.vector_load %arg5[%swap3A] {strides = array<i32>} : memref<25600xi32, #tpu.memory_space<vmem>>, vector<16xi32>,
      %swap3A_179 = vector.shape_cast %swap3A_178 : vector<16xi32> to vector<16xi32>
      %swap3A_180 = vector.shape_cast %select_n3A_173 : vector<16xi32> to vector<16xi32>
      tpu.vector_store %arg5[%swap3A], %swap3A_180 {strides = array<i32>} : memref<25600xi32, #tpu.memory_space<vmem>>, vector<16xi32>,
      %scan3A_181 = arith.constant 0 : i32
      scf.yield %scan3A_181 : i32
    }
    %scan3A_8 = arith.constant 100 : i32
    %dma_start3A = arith.constant 0 : i32
    %dma_start3A_9 = arith.constant 0 : i32
    %dma_start3A_10 = tpu.memref_slice %arg6[%dma_start3A, %dma_start3A_9] : memref<200x32xf32, #tpu.memory_space<vmem>> -> memref<128x32xf32, #tpu.memory_space<vmem>>
    %dma_start3A_11 = arith.constant 0 : i32
    %dma_start3A_12 = tpu.memref_slice %arg5[%dma_start3A_11] : memref<25600xi32, #tpu.memory_space<vmem>> -> memref<128xi32, #tpu.memory_space<vmem>>
    %dma_start3A_13 = arith.constant 0 : i32
    %dma_start3A_14 = arith.constant 0 : i32
    %dma_start3A_15 = tpu.memref_slice %arg3[%dma_start3A_13, %dma_start3A_14] : memref<1024000x32xf32, #tpu.memory_space<hbm>> -> memref<1024000x32xf32, #tpu.memory_space<hbm>>
    tpu.enqueue_indirect_dma source(%dma_start3A_15 : memref<1024000x32xf32, #tpu.memory_space<hbm>>) target(%dma_start3A_10 : memref<128x32xf32, #tpu.memory_space<vmem>>) offsets(%dma_start3A_12 : memref<128xi32, #tpu.memory_space<vmem>>) semaphore(%arg15 : memref<!tpu.dma_semaphore, #tpu.memory_space<semaphore_mem>>)
    %dma_start3A_16 = arith.constant 128 : i32
    %dma_start3A_17 = arith.constant 0 : i32
    %dma_start3A_18 = tpu.memref_slice %arg6[%dma_start3A_16, %dma_start3A_17] : memref<200x32xf32, #tpu.memory_space<vmem>> -> memref<72x32xf32, #tpu.memory_space<vmem>>
    %dma_start3A_19 = arith.constant 128 : i32
    %dma_start3A_20 = tpu.memref_slice %arg5[%dma_start3A_19] : memref<25600xi32, #tpu.memory_space<vmem>> -> memref<72xi32, #tpu.memory_space<vmem>>
    %dma_start3A_21 = arith.constant 0 : i32
    %dma_start3A_22 = arith.constant 0 : i32
    %dma_start3A_23 = tpu.memref_slice %arg3[%dma_start3A_21, %dma_start3A_22] : memref<1024000x32xf32, #tpu.memory_space<hbm>> -> memref<1024000x32xf32, #tpu.memory_space<hbm>>
    tpu.enqueue_indirect_dma source(%dma_start3A_23 : memref<1024000x32xf32, #tpu.memory_space<hbm>>) target(%dma_start3A_18 : memref<72x32xf32, #tpu.memory_space<vmem>>) offsets(%dma_start3A_20 : memref<72xi32, #tpu.memory_space<vmem>>) semaphore(%arg15 : memref<!tpu.dma_semaphore, #tpu.memory_space<semaphore_mem>>)
    %dma_start3A_24 = arith.constant 0 : i32
    %dma_start3A_25 = arith.constant 0 : i32
    %dma_start3A_26 = tpu.memref_slice %arg7[%dma_start3A_24, %dma_start3A_25] : memref<200x32xf32, #tpu.memory_space<vmem>> -> memref<128x32xf32, #tpu.memory_space<vmem>>
    %dma_start3A_27 = arith.constant 200 : i32
    %dma_start3A_28 = tpu.memref_slice %arg5[%dma_start3A_27] : memref<25600xi32, #tpu.memory_space<vmem>> -> memref<128xi32, #tpu.memory_space<vmem>>
    %dma_start3A_29 = arith.constant 0 : i32
    %dma_start3A_30 = arith.constant 0 : i32
    %dma_start3A_31 = tpu.memref_slice %arg3[%dma_start3A_29, %dma_start3A_30] : memref<1024000x32xf32, #tpu.memory_space<hbm>> -> memref<1024000x32xf32, #tpu.memory_space<hbm>>
    tpu.enqueue_indirect_dma source(%dma_start3A_31 : memref<1024000x32xf32, #tpu.memory_space<hbm>>) target(%dma_start3A_26 : memref<128x32xf32, #tpu.memory_space<vmem>>) offsets(%dma_start3A_28 : memref<128xi32, #tpu.memory_space<vmem>>) semaphore(%arg16 : memref<!tpu.dma_semaphore, #tpu.memory_space<semaphore_mem>>)
    %dma_start3A_32 = arith.constant 128 : i32
    %dma_start3A_33 = arith.constant 0 : i32
    %dma_start3A_34 = tpu.memref_slice %arg7[%dma_start3A_32, %dma_start3A_33] : memref<200x32xf32, #tpu.memory_space<vmem>> -> memref<72x32xf32, #tpu.memory_space<vmem>>
    %dma_start3A_35 = arith.constant 328 : i32
    %dma_start3A_36 = tpu.memref_slice %arg5[%dma_start3A_35] : memref<25600xi32, #tpu.memory_space<vmem>> -> memref<72xi32, #tpu.memory_space<vmem>>
    %dma_start3A_37 = arith.constant 0 : i32
    %dma_start3A_38 = arith.constant 0 : i32
    %dma_start3A_39 = tpu.memref_slice %arg3[%dma_start3A_37, %dma_start3A_38] : memref<1024000x32xf32, #tpu.memory_space<hbm>> -> memref<1024000x32xf32, #tpu.memory_space<hbm>>
    tpu.enqueue_indirect_dma source(%dma_start3A_39 : memref<1024000x32xf32, #tpu.memory_space<hbm>>) target(%dma_start3A_34 : memref<72x32xf32, #tpu.memory_space<vmem>>) offsets(%dma_start3A_36 : memref<72xi32, #tpu.memory_space<vmem>>) semaphore(%arg16 : memref<!tpu.dma_semaphore, #tpu.memory_space<semaphore_mem>>)
    %dma_start3A_40 = arith.constant 0 : i32
    %dma_start3A_41 = arith.constant 0 : i32
    %dma_start3A_42 = tpu.memref_slice %arg8[%dma_start3A_40, %dma_start3A_41] : memref<200x32xf32, #tpu.memory_space<vmem>> -> memref<128x32xf32, #tpu.memory_space<vmem>>
    %dma_start3A_43 = arith.constant 400 : i32
    %dma_start3A_44 = tpu.memref_slice %arg5[%dma_start3A_43] : memref<25600xi32, #tpu.memory_space<vmem>> -> memref<128xi32, #tpu.memory_space<vmem>>
    %dma_start3A_45 = arith.constant 0 : i32
    %dma_start3A_46 = arith.constant 0 : i32
    %dma_start3A_47 = tpu.memref_slice %arg3[%dma_start3A_45, %dma_start3A_46] : memref<1024000x32xf32, #tpu.memory_space<hbm>> -> memref<1024000x32xf32, #tpu.memory_space<hbm>>
    tpu.enqueue_indirect_dma source(%dma_start3A_47 : memref<1024000x32xf32, #tpu.memory_space<hbm>>) target(%dma_start3A_42 : memref<128x32xf32, #tpu.memory_space<vmem>>) offsets(%dma_start3A_44 : memref<128xi32, #tpu.memory_space<vmem>>) semaphore(%arg17 : memref<!tpu.dma_semaphore, #tpu.memory_space<semaphore_mem>>)
    %dma_start3A_48 = arith.constant 128 : i32
    %dma_start3A_49 = arith.constant 0 : i32
    %dma_start3A_50 = tpu.memref_slice %arg8[%dma_start3A_48, %dma_start3A_49] : memref<200x32xf32, #tpu.memory_space<vmem>> -> memref<72x32xf32, #tpu.memory_space<vmem>>
    %dma_start3A_51 = arith.constant 528 : i32
    %dma_start3A_52 = tpu.memref_slice %arg5[%dma_start3A_51] : memref<25600xi32, #tpu.memory_space<vmem>> -> memref<72xi32, #tpu.memory_space<vmem>>
    %dma_start3A_53 = arith.constant 0 : i32
    %dma_start3A_54 = arith.constant 0 : i32
    %dma_start3A_55 = tpu.memref_slice %arg3[%dma_start3A_53, %dma_start3A_54] : memref<1024000x32xf32, #tpu.memory_space<hbm>> -> memref<1024000x32xf32, #tpu.memory_space<hbm>>
    tpu.enqueue_indirect_dma source(%dma_start3A_55 : memref<1024000x32xf32, #tpu.memory_space<hbm>>) target(%dma_start3A_50 : memref<72x32xf32, #tpu.memory_space<vmem>>) offsets(%dma_start3A_52 : memref<72xi32, #tpu.memory_space<vmem>>) semaphore(%arg17 : memref<!tpu.dma_semaphore, #tpu.memory_space<semaphore_mem>>)
    %dma_start3A_56 = arith.constant 0 : i32
    %dma_start3A_57 = arith.constant 0 : i32
    %dma_start3A_58 = tpu.memref_slice %arg9[%dma_start3A_56, %dma_start3A_57] : memref<200x32xf32, #tpu.memory_space<vmem>> -> memref<128x32xf32, #tpu.memory_space<vmem>>
    %dma_start3A_59 = arith.constant 600 : i32
    %dma_start3A_60 = tpu.memref_slice %arg5[%dma_start3A_59] : memref<25600xi32, #tpu.memory_space<vmem>> -> memref<128xi32, #tpu.memory_space<vmem>>
    %dma_start3A_61 = arith.constant 0 : i32
    %dma_start3A_62 = arith.constant 0 : i32
    %dma_start3A_63 = tpu.memref_slice %arg3[%dma_start3A_61, %dma_start3A_62] : memref<1024000x32xf32, #tpu.memory_space<hbm>> -> memref<1024000x32xf32, #tpu.memory_space<hbm>>
    tpu.enqueue_indirect_dma source(%dma_start3A_63 : memref<1024000x32xf32, #tpu.memory_space<hbm>>) target(%dma_start3A_58 : memref<128x32xf32, #tpu.memory_space<vmem>>) offsets(%dma_start3A_60 : memref<128xi32, #tpu.memory_space<vmem>>) semaphore(%arg18 : memref<!tpu.dma_semaphore, #tpu.memory_space<semaphore_mem>>)
    %dma_start3A_64 = arith.constant 128 : i32
    %dma_start3A_65 = arith.constant 0 : i32
    %dma_start3A_66 = tpu.memref_slice %arg9[%dma_start3A_64, %dma_start3A_65] : memref<200x32xf32, #tpu.memory_space<vmem>> -> memref<72x32xf32, #tpu.memory_space<vmem>>
    %dma_start3A_67 = arith.constant 728 : i32
    %dma_start3A_68 = tpu.memref_slice %arg5[%dma_start3A_67] : memref<25600xi32, #tpu.memory_space<vmem>> -> memref<72xi32, #tpu.memory_space<vmem>>
    %dma_start3A_69 = arith.constant 0 : i32
    %dma_start3A_70 = arith.constant 0 : i32
    %dma_start3A_71 = tpu.memref_slice %arg3[%dma_start3A_69, %dma_start3A_70] : memref<1024000x32xf32, #tpu.memory_space<hbm>> -> memref<1024000x32xf32, #tpu.memory_space<hbm>>
    tpu.enqueue_indirect_dma source(%dma_start3A_71 : memref<1024000x32xf32, #tpu.memory_space<hbm>>) target(%dma_start3A_66 : memref<72x32xf32, #tpu.memory_space<vmem>>) offsets(%dma_start3A_68 : memref<72xi32, #tpu.memory_space<vmem>>) semaphore(%arg18 : memref<!tpu.dma_semaphore, #tpu.memory_space<semaphore_mem>>)
    %dma_start3A_72 = arith.constant 0 : i32
    %dma_start3A_73 = arith.constant 0 : i32
    %dma_start3A_74 = tpu.memref_slice %arg10[%dma_start3A_72, %dma_start3A_73] : memref<200x32xf32, #tpu.memory_space<vmem>> -> memref<128x32xf32, #tpu.memory_space<vmem>>
    %dma_start3A_75 = arith.constant 800 : i32
    %dma_start3A_76 = tpu.memref_slice %arg5[%dma_start3A_75] : memref<25600xi32, #tpu.memory_space<vmem>> -> memref<128xi32, #tpu.memory_space<vmem>>
    %dma_start3A_77 = arith.constant 0 : i32
    %dma_start3A_78 = arith.constant 0 : i32
    %dma_start3A_79 = tpu.memref_slice %arg3[%dma_start3A_77, %dma_start3A_78] : memref<1024000x32xf32, #tpu.memory_space<hbm>> -> memref<1024000x32xf32, #tpu.memory_space<hbm>>
    tpu.enqueue_indirect_dma source(%dma_start3A_79 : memref<1024000x32xf32, #tpu.memory_space<hbm>>) target(%dma_start3A_74 : memref<128x32xf32, #tpu.memory_space<vmem>>) offsets(%dma_start3A_76 : memref<128xi32, #tpu.memory_space<vmem>>) semaphore(%arg19 : memref<!tpu.dma_semaphore, #tpu.memory_space<semaphore_mem>>)
    %dma_start3A_80 = arith.constant 128 : i32
    %dma_start3A_81 = arith.constant 0 : i32
    %dma_start3A_82 = tpu.memref_slice %arg10[%dma_start3A_80, %dma_start3A_81] : memref<200x32xf32, #tpu.memory_space<vmem>> -> memref<72x32xf32, #tpu.memory_space<vmem>>
    %dma_start3A_83 = arith.constant 928 : i32
    %dma_start3A_84 = tpu.memref_slice %arg5[%dma_start3A_83] : memref<25600xi32, #tpu.memory_space<vmem>> -> memref<72xi32, #tpu.memory_space<vmem>>
    %dma_start3A_85 = arith.constant 0 : i32
    %dma_start3A_86 = arith.constant 0 : i32
    %dma_start3A_87 = tpu.memref_slice %arg3[%dma_start3A_85, %dma_start3A_86] : memref<1024000x32xf32, #tpu.memory_space<hbm>> -> memref<1024000x32xf32, #tpu.memory_space<hbm>>
    tpu.enqueue_indirect_dma source(%dma_start3A_87 : memref<1024000x32xf32, #tpu.memory_space<hbm>>) target(%dma_start3A_82 : memref<72x32xf32, #tpu.memory_space<vmem>>) offsets(%dma_start3A_84 : memref<72xi32, #tpu.memory_space<vmem>>) semaphore(%arg19 : memref<!tpu.dma_semaphore, #tpu.memory_space<semaphore_mem>>)
    %dma_start3A_88 = arith.constant 0 : i32
    %dma_start3A_89 = arith.constant 0 : i32
    %dma_start3A_90 = tpu.memref_slice %arg11[%dma_start3A_88, %dma_start3A_89] : memref<200x32xf32, #tpu.memory_space<vmem>> -> memref<128x32xf32, #tpu.memory_space<vmem>>
    %dma_start3A_91 = arith.constant 1000 : i32
    %dma_start3A_92 = tpu.memref_slice %arg5[%dma_start3A_91] : memref<25600xi32, #tpu.memory_space<vmem>> -> memref<128xi32, #tpu.memory_space<vmem>>
    %dma_start3A_93 = arith.constant 0 : i32
    %dma_start3A_94 = arith.constant 0 : i32
    %dma_start3A_95 = tpu.memref_slice %arg3[%dma_start3A_93, %dma_start3A_94] : memref<1024000x32xf32, #tpu.memory_space<hbm>> -> memref<1024000x32xf32, #tpu.memory_space<hbm>>
    tpu.enqueue_indirect_dma source(%dma_start3A_95 : memref<1024000x32xf32, #tpu.memory_space<hbm>>) target(%dma_start3A_90 : memref<128x32xf32, #tpu.memory_space<vmem>>) offsets(%dma_start3A_92 : memref<128xi32, #tpu.memory_space<vmem>>) semaphore(%arg20 : memref<!tpu.dma_semaphore, #tpu.memory_space<semaphore_mem>>)
    %dma_start3A_96 = arith.constant 128 : i32
    %dma_start3A_97 = arith.constant 0 : i32
    %dma_start3A_98 = tpu.memref_slice %arg11[%dma_start3A_96, %dma_start3A_97] : memref<200x32xf32, #tpu.memory_space<vmem>> -> memref<72x32xf32, #tpu.memory_space<vmem>>
    %dma_start3A_99 = arith.constant 1128 : i32
    %dma_start3A_100 = tpu.memref_slice %arg5[%dma_start3A_99] : memref<25600xi32, #tpu.memory_space<vmem>> -> memref<72xi32, #tpu.memory_space<vmem>>
    %dma_start3A_101 = arith.constant 0 : i32
    %dma_start3A_102 = arith.constant 0 : i32
    %dma_start3A_103 = tpu.memref_slice %arg3[%dma_start3A_101, %dma_start3A_102] : memref<1024000x32xf32, #tpu.memory_space<hbm>> -> memref<1024000x32xf32, #tpu.memory_space<hbm>>
    tpu.enqueue_indirect_dma source(%dma_start3A_103 : memref<1024000x32xf32, #tpu.memory_space<hbm>>) target(%dma_start3A_98 : memref<72x32xf32, #tpu.memory_space<vmem>>) offsets(%dma_start3A_100 : memref<72xi32, #tpu.memory_space<vmem>>) semaphore(%arg20 : memref<!tpu.dma_semaphore, #tpu.memory_space<semaphore_mem>>)
    %dma_start3A_104 = arith.constant 0 : i32
    %dma_start3A_105 = arith.constant 0 : i32
    %dma_start3A_106 = tpu.memref_slice %arg12[%dma_start3A_104, %dma_start3A_105] : memref<200x32xf32, #tpu.memory_space<vmem>> -> memref<128x32xf32, #tpu.memory_space<vmem>>
    %dma_start3A_107 = arith.constant 1200 : i32
    %dma_start3A_108 = tpu.memref_slice %arg5[%dma_start3A_107] : memref<25600xi32, #tpu.memory_space<vmem>> -> memref<128xi32, #tpu.memory_space<vmem>>
    %dma_start3A_109 = arith.constant 0 : i32
    %dma_start3A_110 = arith.constant 0 : i32
    %dma_start3A_111 = tpu.memref_slice %arg3[%dma_start3A_109, %dma_start3A_110] : memref<1024000x32xf32, #tpu.memory_space<hbm>> -> memref<1024000x32xf32, #tpu.memory_space<hbm>>
    tpu.enqueue_indirect_dma source(%dma_start3A_111 : memref<1024000x32xf32, #tpu.memory_space<hbm>>) target(%dma_start3A_106 : memref<128x32xf32, #tpu.memory_space<vmem>>) offsets(%dma_start3A_108 : memref<128xi32, #tpu.memory_space<vmem>>) semaphore(%arg21 : memref<!tpu.dma_semaphore, #tpu.memory_space<semaphore_mem>>)
    %dma_start3A_112 = arith.constant 128 : i32
    %dma_start3A_113 = arith.constant 0 : i32
    %dma_start3A_114 = tpu.memref_slice %arg12[%dma_start3A_112, %dma_start3A_113] : memref<200x32xf32, #tpu.memory_space<vmem>> -> memref<72x32xf32, #tpu.memory_space<vmem>>
    %dma_start3A_115 = arith.constant 1328 : i32
    %dma_start3A_116 = tpu.memref_slice %arg5[%dma_start3A_115] : memref<25600xi32, #tpu.memory_space<vmem>> -> memref<72xi32, #tpu.memory_space<vmem>>
    %dma_start3A_117 = arith.constant 0 : i32
    %dma_start3A_118 = arith.constant 0 : i32
    %dma_start3A_119 = tpu.memref_slice %arg3[%dma_start3A_117, %dma_start3A_118] : memref<1024000x32xf32, #tpu.memory_space<hbm>> -> memref<1024000x32xf32, #tpu.memory_space<hbm>>
    tpu.enqueue_indirect_dma source(%dma_start3A_119 : memref<1024000x32xf32, #tpu.memory_space<hbm>>) target(%dma_start3A_114 : memref<72x32xf32, #tpu.memory_space<vmem>>) offsets(%dma_start3A_116 : memref<72xi32, #tpu.memory_space<vmem>>) semaphore(%arg21 : memref<!tpu.dma_semaphore, #tpu.memory_space<semaphore_mem>>)
    %dma_start3A_120 = arith.constant 0 : i32
    %dma_start3A_121 = arith.constant 0 : i32
    %dma_start3A_122 = tpu.memref_slice %arg13[%dma_start3A_120, %dma_start3A_121] : memref<200x32xf32, #tpu.memory_space<vmem>> -> memref<128x32xf32, #tpu.memory_space<vmem>>
    %dma_start3A_123 = arith.constant 1400 : i32
    %dma_start3A_124 = tpu.memref_slice %arg5[%dma_start3A_123] : memref<25600xi32, #tpu.memory_space<vmem>> -> memref<128xi32, #tpu.memory_space<vmem>>
    %dma_start3A_125 = arith.constant 0 : i32
    %dma_start3A_126 = arith.constant 0 : i32
    %dma_start3A_127 = tpu.memref_slice %arg3[%dma_start3A_125, %dma_start3A_126] : memref<1024000x32xf32, #tpu.memory_space<hbm>> -> memref<1024000x32xf32, #tpu.memory_space<hbm>>
    tpu.enqueue_indirect_dma source(%dma_start3A_127 : memref<1024000x32xf32, #tpu.memory_space<hbm>>) target(%dma_start3A_122 : memref<128x32xf32, #tpu.memory_space<vmem>>) offsets(%dma_start3A_124 : memref<128xi32, #tpu.memory_space<vmem>>) semaphore(%arg22 : memref<!tpu.dma_semaphore, #tpu.memory_space<semaphore_mem>>)
    %dma_start3A_128 = arith.constant 128 : i32
    %dma_start3A_129 = arith.constant 0 : i32
    %dma_start3A_130 = tpu.memref_slice %arg13[%dma_start3A_128, %dma_start3A_129] : memref<200x32xf32, #tpu.memory_space<vmem>> -> memref<72x32xf32, #tpu.memory_space<vmem>>
    %dma_start3A_131 = arith.constant 1528 : i32
    %dma_start3A_132 = tpu.memref_slice %arg5[%dma_start3A_131] : memref<25600xi32, #tpu.memory_space<vmem>> -> memref<72xi32, #tpu.memory_space<vmem>>
    %dma_start3A_133 = arith.constant 0 : i32
    %dma_start3A_134 = arith.constant 0 : i32
    %dma_start3A_135 = tpu.memref_slice %arg3[%dma_start3A_133, %dma_start3A_134] : memref<1024000x32xf32, #tpu.memory_space<hbm>> -> memref<1024000x32xf32, #tpu.memory_space<hbm>>
    tpu.enqueue_indirect_dma source(%dma_start3A_135 : memref<1024000x32xf32, #tpu.memory_space<hbm>>) target(%dma_start3A_130 : memref<72x32xf32, #tpu.memory_space<vmem>>) offsets(%dma_start3A_132 : memref<72xi32, #tpu.memory_space<vmem>>) semaphore(%arg22 : memref<!tpu.dma_semaphore, #tpu.memory_space<semaphore_mem>>)
    %scan3A_136 = arith.constant 0 : i32
    %scan3A_137 = arith.constant 0 : i32
    %scan3A_138 = arith.constant 16 : i32
    %scan3A_139 = arith.addi %scan3A_137, %scan3A_138 : i32
    %scan3A_140 = arith.constant 1 : i32
    %scan3A_141 = scf.for %scan3A_145 = %scan3A_137 to %scan3A_139 step %scan3A_140 iter_args(%scan3A_146 = %scan3A_136) -> (i32)  : i32 {
      %add3A_147 = arith.constant 1 : i32
      %add3A_148 = arith.addi %scan3A_145, %add3A_147 : i32
      %lt3A = arith.constant 16 : i32
      %lt3A_149 = arith.cmpi slt, %add3A_148, %lt3A : i32
      %convert_element_type3A = arith.extui %lt3A_149 : i1 to i32
      %cond3A = arith.constant 0 : i32
      %cond3A_150 = arith.cmpi ne, %convert_element_type3A, %cond3A : i32
      scf.if %cond3A_150 {
        %add3A_557 = arith.constant 1 : i32
        %add3A_558 = arith.addi %scan3A_145, %add3A_557 : i32
        %scan3A_559 = arith.constant 0 : i32
        %scan3A_560 = arith.constant 0 : i32
        %scan3A_561 = arith.constant 100 : i32
        %scan3A_562 = arith.addi %scan3A_560, %scan3A_561 : i32
        %scan3A_563 = arith.constant 1 : i32
        %scan3A_564 = scf.for %scan3A_566 = %scan3A_560 to %scan3A_562 step %scan3A_563 iter_args(%scan3A_567 = %scan3A_559) -> (i32)  : i32 {
          %mul3A_568 = arith.constant 1600 : i32
          %mul3A_569 = arith.muli %add3A_558, %mul3A_568 : i32
          %mul3A_570 = arith.constant 16 : i32
          %mul3A_571 = arith.muli %scan3A_566, %mul3A_570 : i32
          %add3A_572 = arith.addi %mul3A_569, %mul3A_571 : i32
          %get3A = arith.index_cast %add3A_572 : i32 to index
          %get3A_573 = tpu.vector_load %arg5[%get3A] {strides = array<i32>} : memref<25600xi32, #tpu.memory_space<vmem>>, vector<16xi32>,
          %get3A_574 = vector.shape_cast %get3A_573 : vector<16xi32> to vector<16xi32>
          %mul3A_575 = arith.constant 4 : i32
          %mul3A_576 = vector.broadcast %mul3A_575 : i32 to vector<16xi32>
          %mul3A_577 = arith.muli %get3A_574, %mul3A_576 : vector<16xi32>
          %ge3A = arith.constant 256000 : i32
          %ge3A_578 = vector.broadcast %ge3A : i32 to vector<16xi32>
          %ge3A_579 = arith.cmpi sge, %get3A_574, %ge3A_578 : vector<16xi32>
          %sub3A = arith.constant 1023999 : i32
          %sub3A_580 = vector.broadcast %sub3A : i32 to vector<16xi32>
          %sub3A_581 = arith.subi %mul3A_577, %sub3A_580 : vector<16xi32>
          %select_n3A = arith.select %ge3A_579, %sub3A_581, %mul3A_577 : vector<16xi1>, vector<16xi32>
          %ge3A_582 = arith.constant 512000 : i32
          %ge3A_583 = vector.broadcast %ge3A_582 : i32 to vector<16xi32>
          %ge3A_584 = arith.cmpi sge, %get3A_574, %ge3A_583 : vector<16xi32>
          %sub3A_585 = arith.constant 1023999 : i32
          %sub3A_586 = vector.broadcast %sub3A_585 : i32 to vector<16xi32>
          %sub3A_587 = arith.subi %select_n3A, %sub3A_586 : vector<16xi32>
          %select_n3A_588 = arith.select %ge3A_584, %sub3A_587, %select_n3A : vector<16xi1>, vector<16xi32>
          %ge3A_589 = arith.constant 768000 : i32
          %ge3A_590 = vector.broadcast %ge3A_589 : i32 to vector<16xi32>
          %ge3A_591 = arith.cmpi sge, %get3A_574, %ge3A_590 : vector<16xi32>
          %sub3A_592 = arith.constant 1023999 : i32
          %sub3A_593 = vector.broadcast %sub3A_592 : i32 to vector<16xi32>
          %sub3A_594 = arith.subi %select_n3A_588, %sub3A_593 : vector<16xi32>
          %select_n3A_595 = arith.select %ge3A_591, %sub3A_594, %select_n3A_588 : vector<16xi1>, vector<16xi32>
          %mul3A_596 = arith.constant 1600 : i32
          %mul3A_597 = arith.muli %add3A_558, %mul3A_596 : i32
          %mul3A_598 = arith.constant 16 : i32
          %mul3A_599 = arith.muli %scan3A_566, %mul3A_598 : i32
          %add3A_600 = arith.addi %mul3A_597, %mul3A_599 : i32
          %swap3A_601 = arith.index_cast %add3A_600 : i32 to index
          %swap3A_602 = tpu.vector_load %arg5[%swap3A_601] {strides = array<i32>} : memref<25600xi32, #tpu.memory_space<vmem>>, vector<16xi32>,
          %swap3A_603 = vector.shape_cast %swap3A_602 : vector<16xi32> to vector<16xi32>
          %swap3A_604 = vector.shape_cast %select_n3A_595 : vector<16xi32> to vector<16xi32>
          tpu.vector_store %arg5[%swap3A_601], %swap3A_604 {strides = array<i32>} : memref<25600xi32, #tpu.memory_space<vmem>>, vector<16xi32>,
          %scan3A_605 = arith.constant 0 : i32
          scf.yield %scan3A_605 : i32
        }
        %scan3A_565 = arith.constant 100 : i32
      } else {
      }
      %mul3A_151 = arith.constant 8 : i32
      %mul3A_152 = arith.muli %scan3A_145, %mul3A_151 : i32
      %add3A_153 = arith.constant 0 : i32
      %add3A_154 = arith.addi %mul3A_152, %add3A_153 : i32
      %mul3A_155 = arith.constant 200 : i32
      %mul3A_156 = arith.muli %add3A_154, %mul3A_155 : i32
      %add3A_157 = arith.constant 0 : i32
      %add3A_158 = arith.addi %mul3A_156, %add3A_157 : i32
      %dma_wait3A = arith.constant 0 : i32
      %dma_wait3A_159 = arith.constant 0 : i32
      %dma_wait3A_160 = tpu.memref_slice %arg6[%dma_wait3A, %dma_wait3A_159] : memref<200x32xf32, #tpu.memory_space<vmem>> -> memref<128x32xf32, #tpu.memory_space<vmem>>
      %dma_wait3A_161 = tpu.memref_slice %arg5[%add3A_158] : memref<25600xi32, #tpu.memory_space<vmem>> -> memref<128xi32, #tpu.memory_space<vmem>>
      %dma_wait3A_162 = arith.constant 0 : i32
      %dma_wait3A_163 = arith.constant 0 : i32
      %dma_wait3A_164 = tpu.memref_slice %arg3[%dma_wait3A_162, %dma_wait3A_163] : memref<1024000x32xf32, #tpu.memory_space<hbm>> -> memref<1024000x32xf32, #tpu.memory_space<hbm>>
      tpu.wait_indirect_dma semaphore(%arg15 : memref<!tpu.dma_semaphore, #tpu.memory_space<semaphore_mem>>) src(%dma_wait3A_164 : memref<1024000x32xf32, #tpu.memory_space<hbm>>) dst(%dma_wait3A_160 : memref<128x32xf32, #tpu.memory_space<vmem>>)
      %add3A_165 = arith.constant 128 : i32
      %add3A_166 = arith.addi %mul3A_156, %add3A_165 : i32
      %dma_wait3A_167 = arith.constant 128 : i32
      %dma_wait3A_168 = arith.constant 0 : i32
      %dma_wait3A_169 = tpu.memref_slice %arg6[%dma_wait3A_167, %dma_wait3A_168] : memref<200x32xf32, #tpu.memory_space<vmem>> -> memref<72x32xf32, #tpu.memory_space<vmem>>
      %dma_wait3A_170 = tpu.memref_slice %arg5[%add3A_166] : memref<25600xi32, #tpu.memory_space<vmem>> -> memref<72xi32, #tpu.memory_space<vmem>>
      %dma_wait3A_171 = arith.constant 0 : i32
      %dma_wait3A_172 = arith.constant 0 : i32
      %dma_wait3A_173 = tpu.memref_slice %arg3[%dma_wait3A_171, %dma_wait3A_172] : memref<1024000x32xf32, #tpu.memory_space<hbm>> -> memref<1024000x32xf32, #tpu.memory_space<hbm>>
      tpu.wait_indirect_dma semaphore(%arg15 : memref<!tpu.dma_semaphore, #tpu.memory_space<semaphore_mem>>) src(%dma_wait3A_173 : memref<1024000x32xf32, #tpu.memory_space<hbm>>) dst(%dma_wait3A_169 : memref<72x32xf32, #tpu.memory_space<vmem>>)
      %broadcast_in_dim3A = arith.constant 0.000000e+00 : f32
      %broadcast_in_dim3A_174 = vector.broadcast %broadcast_in_dim3A : f32 to vector<16xf32>
      %scan3A_175 = arith.constant 0 : i32
      %scan3A_176 = arith.constant 25 : i32
      %scan3A_177 = arith.addi %scan3A_175, %scan3A_176 : i32
      %scan3A_178 = arith.constant 1 : i32
      %scan3A_179:4 = scf.for %scan3A_557 = %scan3A_175 to %scan3A_177 step %scan3A_178 iter_args(%scan3A_558 = %broadcast_in_dim3A_174, %scan3A_559 = %broadcast_in_dim3A_174, %scan3A_560 = %broadcast_in_dim3A_174, %scan3A_561 = %broadcast_in_dim3A_174) -> (vector<16xf32>, vector<16xf32>, vector<16xf32>, vector<16xf32>)  : i32 {
        %mul3A_562 = arith.constant 8 : i32
        %mul3A_563 = arith.muli %scan3A_557, %mul3A_562 : i32
        %add3A_564 = arith.constant 0 : i32
        %add3A_565 = arith.addi %mul3A_563, %add3A_564 : i32
        %get3A = arith.index_cast %add3A_565 : i32 to index
        %get3A_566 = arith.constant 0 : index
        %get3A_567 = tpu.vector_load %arg6[%get3A, %get3A_566] {strides = array<i32>} : memref<200x32xf32, #tpu.memory_space<vmem>>, vector<1x16xf32>,
        %get3A_568 = vector.shape_cast %get3A_567 : vector<1x16xf32> to vector<16xf32>
        %add3A_569 = arith.addf %scan3A_558, %get3A_568 : vector<16xf32>
        %add3A_570 = arith.constant 0 : i32
        %add3A_571 = arith.addi %mul3A_563, %add3A_570 : i32
        %get3A_572 = arith.index_cast %add3A_571 : i32 to index
        %get3A_573 = arith.constant 16 : index
        %get3A_574 = tpu.vector_load %arg6[%get3A_572, %get3A_573] {strides = array<i32>} : memref<200x32xf32, #tpu.memory_space<vmem>>, vector<1x16xf32>,
        %get3A_575 = vector.shape_cast %get3A_574 : vector<1x16xf32> to vector<16xf32>
        %add3A_576 = arith.addf %scan3A_559, %get3A_575 : vector<16xf32>
        %add3A_577 = arith.constant 0 : i32
        %add3A_578 = arith.addi %mul3A_563, %add3A_577 : i32
        %add3A_579 = arith.constant 1 : i32
        %add3A_580 = arith.addi %add3A_578, %add3A_579 : i32
        %get3A_581 = arith.index_cast %add3A_580 : i32 to index
        %get3A_582 = arith.constant 0 : index
        %get3A_583 = tpu.vector_load %arg6[%get3A_581, %get3A_582] {strides = array<i32>} : memref<200x32xf32, #tpu.memory_space<vmem>>, vector<1x16xf32>,
        %get3A_584 = vector.shape_cast %get3A_583 : vector<1x16xf32> to vector<16xf32>
        %add3A_585 = arith.addf %scan3A_560, %get3A_584 : vector<16xf32>
        %add3A_586 = arith.constant 0 : i32
        %add3A_587 = arith.addi %mul3A_563, %add3A_586 : i32
        %add3A_588 = arith.constant 1 : i32
        %add3A_589 = arith.addi %add3A_587, %add3A_588 : i32
        %get3A_590 = arith.index_cast %add3A_589 : i32 to index
        %get3A_591 = arith.constant 16 : index
        %get3A_592 = tpu.vector_load %arg6[%get3A_590, %get3A_591] {strides = array<i32>} : memref<200x32xf32, #tpu.memory_space<vmem>>, vector<1x16xf32>,
        %get3A_593 = vector.shape_cast %get3A_592 : vector<1x16xf32> to vector<16xf32>
        %add3A_594 = arith.addf %scan3A_561, %get3A_593 : vector<16xf32>
        %add3A_595 = arith.constant 2 : i32
        %add3A_596 = arith.addi %mul3A_563, %add3A_595 : i32
        %get3A_597 = arith.index_cast %add3A_596 : i32 to index
        %get3A_598 = arith.constant 0 : index
        %get3A_599 = tpu.vector_load %arg6[%get3A_597, %get3A_598] {strides = array<i32>} : memref<200x32xf32, #tpu.memory_space<vmem>>, vector<1x16xf32>,
        %get3A_600 = vector.shape_cast %get3A_599 : vector<1x16xf32> to vector<16xf32>
        %add3A_601 = arith.addf %add3A_569, %get3A_600 : vector<16xf32>
        %add3A_602 = arith.constant 2 : i32
        %add3A_603 = arith.addi %mul3A_563, %add3A_602 : i32
        %get3A_604 = arith.index_cast %add3A_603 : i32 to index
        %get3A_605 = arith.constant 16 : index
        %get3A_606 = tpu.vector_load %arg6[%get3A_604, %get3A_605] {strides = array<i32>} : memref<200x32xf32, #tpu.memory_space<vmem>>, vector<1x16xf32>,
        %get3A_607 = vector.shape_cast %get3A_606 : vector<1x16xf32> to vector<16xf32>
        %add3A_608 = arith.addf %add3A_576, %get3A_607 : vector<16xf32>
        %add3A_609 = arith.constant 2 : i32
        %add3A_610 = arith.addi %mul3A_563, %add3A_609 : i32
        %add3A_611 = arith.constant 1 : i32
        %add3A_612 = arith.addi %add3A_610, %add3A_611 : i32
        %get3A_613 = arith.index_cast %add3A_612 : i32 to index
        %get3A_614 = arith.constant 0 : index
        %get3A_615 = tpu.vector_load %arg6[%get3A_613, %get3A_614] {strides = array<i32>} : memref<200x32xf32, #tpu.memory_space<vmem>>, vector<1x16xf32>,
        %get3A_616 = vector.shape_cast %get3A_615 : vector<1x16xf32> to vector<16xf32>
        %add3A_617 = arith.addf %add3A_585, %get3A_616 : vector<16xf32>
        %add3A_618 = arith.constant 2 : i32
        %add3A_619 = arith.addi %mul3A_563, %add3A_618 : i32
        %add3A_620 = arith.constant 1 : i32
        %add3A_621 = arith.addi %add3A_619, %add3A_620 : i32
        %get3A_622 = arith.index_cast %add3A_621 : i32 to index
        %get3A_623 = arith.constant 16 : index
        %get3A_624 = tpu.vector_load %arg6[%get3A_622, %get3A_623] {strides = array<i32>} : memref<200x32xf32, #tpu.memory_space<vmem>>, vector<1x16xf32>,
        %get3A_625 = vector.shape_cast %get3A_624 : vector<1x16xf32> to vector<16xf32>
        %add3A_626 = arith.addf %add3A_594, %get3A_625 : vector<16xf32>
        %add3A_627 = arith.constant 4 : i32
        %add3A_628 = arith.addi %mul3A_563, %add3A_627 : i32
        %get3A_629 = arith.index_cast %add3A_628 : i32 to index
        %get3A_630 = arith.constant 0 : index
        %get3A_631 = tpu.vector_load %arg6[%get3A_629, %get3A_630] {strides = array<i32>} : memref<200x32xf32, #tpu.memory_space<vmem>>, vector<1x16xf32>,
        %get3A_632 = vector.shape_cast %get3A_631 : vector<1x16xf32> to vector<16xf32>
        %add3A_633 = arith.addf %add3A_601, %get3A_632 : vector<16xf32>
        %add3A_634 = arith.constant 4 : i32
        %add3A_635 = arith.addi %mul3A_563, %add3A_634 : i32
        %get3A_636 = arith.index_cast %add3A_635 : i32 to index
        %get3A_637 = arith.constant 16 : index
        %get3A_638 = tpu.vector_load %arg6[%get3A_636, %get3A_637] {strides = array<i32>} : memref<200x32xf32, #tpu.memory_space<vmem>>, vector<1x16xf32>,
        %get3A_639 = vector.shape_cast %get3A_638 : vector<1x16xf32> to vector<16xf32>
        %add3A_640 = arith.addf %add3A_608, %get3A_639 : vector<16xf32>
        %add3A_641 = arith.constant 4 : i32
        %add3A_642 = arith.addi %mul3A_563, %add3A_641 : i32
        %add3A_643 = arith.constant 1 : i32
        %add3A_644 = arith.addi %add3A_642, %add3A_643 : i32
        %get3A_645 = arith.index_cast %add3A_644 : i32 to index
        %get3A_646 = arith.constant 0 : index
        %get3A_647 = tpu.vector_load %arg6[%get3A_645, %get3A_646] {strides = array<i32>} : memref<200x32xf32, #tpu.memory_space<vmem>>, vector<1x16xf32>,
        %get3A_648 = vector.shape_cast %get3A_647 : vector<1x16xf32> to vector<16xf32>
        %add3A_649 = arith.addf %add3A_617, %get3A_648 : vector<16xf32>
        %add3A_650 = arith.constant 4 : i32
        %add3A_651 = arith.addi %mul3A_563, %add3A_650 : i32
        %add3A_652 = arith.constant 1 : i32
        %add3A_653 = arith.addi %add3A_651, %add3A_652 : i32
        %get3A_654 = arith.index_cast %add3A_653 : i32 to index
        %get3A_655 = arith.constant 16 : index
        %get3A_656 = tpu.vector_load %arg6[%get3A_654, %get3A_655] {strides = array<i32>} : memref<200x32xf32, #tpu.memory_space<vmem>>, vector<1x16xf32>,
        %get3A_657 = vector.shape_cast %get3A_656 : vector<1x16xf32> to vector<16xf32>
        %add3A_658 = arith.addf %add3A_626, %get3A_657 : vector<16xf32>
        %add3A_659 = arith.constant 6 : i32
        %add3A_660 = arith.addi %mul3A_563, %add3A_659 : i32
        %get3A_661 = arith.index_cast %add3A_660 : i32 to index
        %get3A_662 = arith.constant 0 : index
        %get3A_663 = tpu.vector_load %arg6[%get3A_661, %get3A_662] {strides = array<i32>} : memref<200x32xf32, #tpu.memory_space<vmem>>, vector<1x16xf32>,
        %get3A_664 = vector.shape_cast %get3A_663 : vector<1x16xf32> to vector<16xf32>
        %add3A_665 = arith.addf %add3A_633, %get3A_664 : vector<16xf32>
        %add3A_666 = arith.constant 6 : i32
        %add3A_667 = arith.addi %mul3A_563, %add3A_666 : i32
        %get3A_668 = arith.index_cast %add3A_667 : i32 to index
        %get3A_669 = arith.constant 16 : index
        %get3A_670 = tpu.vector_load %arg6[%get3A_668, %get3A_669] {strides = array<i32>} : memref<200x32xf32, #tpu.memory_space<vmem>>, vector<1x16xf32>,
        %get3A_671 = vector.shape_cast %get3A_670 : vector<1x16xf32> to vector<16xf32>
        %add3A_672 = arith.addf %add3A_640, %get3A_671 : vector<16xf32>
        %add3A_673 = arith.constant 6 : i32
        %add3A_674 = arith.addi %mul3A_563, %add3A_673 : i32
        %add3A_675 = arith.constant 1 : i32
        %add3A_676 = arith.addi %add3A_674, %add3A_675 : i32
        %get3A_677 = arith.index_cast %add3A_676 : i32 to index
        %get3A_678 = arith.constant 0 : index
        %get3A_679 = tpu.vector_load %arg6[%get3A_677, %get3A_678] {strides = array<i32>} : memref<200x32xf32, #tpu.memory_space<vmem>>, vector<1x16xf32>,
        %get3A_680 = vector.shape_cast %get3A_679 : vector<1x16xf32> to vector<16xf32>
        %add3A_681 = arith.addf %add3A_649, %get3A_680 : vector<16xf32>
        %add3A_682 = arith.constant 6 : i32
        %add3A_683 = arith.addi %mul3A_563, %add3A_682 : i32
        %add3A_684 = arith.constant 1 : i32
        %add3A_685 = arith.addi %add3A_683, %add3A_684 : i32
        %get3A_686 = arith.index_cast %add3A_685 : i32 to index
        %get3A_687 = arith.constant 16 : index
        %get3A_688 = tpu.vector_load %arg6[%get3A_686, %get3A_687] {strides = array<i32>} : memref<200x32xf32, #tpu.memory_space<vmem>>, vector<1x16xf32>,
        %get3A_689 = vector.shape_cast %get3A_688 : vector<1x16xf32> to vector<16xf32>
        %add3A_690 = arith.addf %add3A_658, %get3A_689 : vector<16xf32>
        scf.yield %add3A_665, %add3A_672, %add3A_681, %add3A_690 : vector<16xf32>, vector<16xf32>, vector<16xf32>, vector<16xf32>
      }
      %scan3A_180 = arith.constant 25 : i32
      %add3A_181 = arith.addf %scan3A_179#0, %scan3A_179#2 : vector<16xf32>
      %add3A_182 = arith.addf %scan3A_179#1, %scan3A_179#3 : vector<16xf32>
      %add3A_183 = arith.constant 8 : i32
      %add3A_184 = arith.addi %add3A_154, %add3A_183 : i32
      %lt3A_185 = arith.constant 128 : i32
      %lt3A_186 = arith.cmpi slt, %add3A_184, %lt3A_185 : i32
      %convert_element_type3A_187 = arith.extui %lt3A_186 : i1 to i32
      %cond3A_188 = arith.constant 0 : i32
      %cond3A_189 = arith.cmpi ne, %convert_element_type3A_187, %cond3A_188 : i32
      scf.if %cond3A_189 {
        %add3A_557 = arith.constant 1600 : i32
        %add3A_558 = arith.addi %mul3A_156, %add3A_557 : i32
        %add3A_559 = arith.constant 0 : i32
        %add3A_560 = arith.addi %add3A_558, %add3A_559 : i32
        %dma_start3A_561 = arith.constant 0 : i32
        %dma_start3A_562 = arith.constant 0 : i32
        %dma_start3A_563 = tpu.memref_slice %arg6[%dma_start3A_561, %dma_start3A_562] : memref<200x32xf32, #tpu.memory_space<vmem>> -> memref<128x32xf32, #tpu.memory_space<vmem>>
        %dma_start3A_564 = tpu.memref_slice %arg5[%add3A_560] : memref<25600xi32, #tpu.memory_space<vmem>> -> memref<128xi32, #tpu.memory_space<vmem>>
        %dma_start3A_565 = arith.constant 0 : i32
        %dma_start3A_566 = arith.constant 0 : i32
        %dma_start3A_567 = tpu.memref_slice %arg3[%dma_start3A_565, %dma_start3A_566] : memref<1024000x32xf32, #tpu.memory_space<hbm>> -> memref<1024000x32xf32, #tpu.memory_space<hbm>>
        tpu.enqueue_indirect_dma source(%dma_start3A_567 : memref<1024000x32xf32, #tpu.memory_space<hbm>>) target(%dma_start3A_563 : memref<128x32xf32, #tpu.memory_space<vmem>>) offsets(%dma_start3A_564 : memref<128xi32, #tpu.memory_space<vmem>>) semaphore(%arg15 : memref<!tpu.dma_semaphore, #tpu.memory_space<semaphore_mem>>)
        %add3A_568 = arith.constant 128 : i32
        %add3A_569 = arith.addi %add3A_558, %add3A_568 : i32
        %dma_start3A_570 = arith.constant 128 : i32
        %dma_start3A_571 = arith.constant 0 : i32
        %dma_start3A_572 = tpu.memref_slice %arg6[%dma_start3A_570, %dma_start3A_571] : memref<200x32xf32, #tpu.memory_space<vmem>> -> memref<72x32xf32, #tpu.memory_space<vmem>>
        %dma_start3A_573 = tpu.memref_slice %arg5[%add3A_569] : memref<25600xi32, #tpu.memory_space<vmem>> -> memref<72xi32, #tpu.memory_space<vmem>>
        %dma_start3A_574 = arith.constant 0 : i32
        %dma_start3A_575 = arith.constant 0 : i32
        %dma_start3A_576 = tpu.memref_slice %arg3[%dma_start3A_574, %dma_start3A_575] : memref<1024000x32xf32, #tpu.memory_space<hbm>> -> memref<1024000x32xf32, #tpu.memory_space<hbm>>
        tpu.enqueue_indirect_dma source(%dma_start3A_576 : memref<1024000x32xf32, #tpu.memory_space<hbm>>) target(%dma_start3A_572 : memref<72x32xf32, #tpu.memory_space<vmem>>) offsets(%dma_start3A_573 : memref<72xi32, #tpu.memory_space<vmem>>) semaphore(%arg15 : memref<!tpu.dma_semaphore, #tpu.memory_space<semaphore_mem>>)
      } else {
      }
      %swap3A = arith.index_cast %add3A_154 : i32 to index
      %swap3A_190 = arith.constant 0 : index
      %swap3A_191 = tpu.vector_load %arg14[%swap3A, %swap3A_190] {strides = array<i32>} : memref<128x32xf32, #tpu.memory_space<vmem>>, vector<1x16xf32>,
      %swap3A_192 = vector.shape_cast %swap3A_191 : vector<1x16xf32> to vector<16xf32>
      %swap3A_193 = vector.shape_cast %add3A_181 : vector<16xf32> to vector<1x16xf32>
      tpu.vector_store %arg14[%swap3A, %swap3A_190], %swap3A_193 {strides = array<i32>} : memref<128x32xf32, #tpu.memory_space<vmem>>, vector<1x16xf32>,
      %swap3A_194 = arith.index_cast %add3A_154 : i32 to index
      %swap3A_195 = arith.constant 16 : index
      %swap3A_196 = tpu.vector_load %arg14[%swap3A_194, %swap3A_195] {strides = array<i32>} : memref<128x32xf32, #tpu.memory_space<vmem>>, vector<1x16xf32>,
      %swap3A_197 = vector.shape_cast %swap3A_196 : vector<1x16xf32> to vector<16xf32>
      %swap3A_198 = vector.shape_cast %add3A_182 : vector<16xf32> to vector<1x16xf32>
      tpu.vector_store %arg14[%swap3A_194, %swap3A_195], %swap3A_198 {strides = array<i32>} : memref<128x32xf32, #tpu.memory_space<vmem>>, vector<1x16xf32>,
      %mul3A_199 = arith.constant 8 : i32
      %mul3A_200 = arith.muli %scan3A_145, %mul3A_199 : i32
      %add3A_201 = arith.constant 1 : i32
      %add3A_202 = arith.addi %mul3A_200, %add3A_201 : i32
      %mul3A_203 = arith.constant 200 : i32
      %mul3A_204 = arith.muli %add3A_202, %mul3A_203 : i32
      %add3A_205 = arith.constant 0 : i32
      %add3A_206 = arith.addi %mul3A_204, %add3A_205 : i32
      %dma_wait3A_207 = arith.constant 0 : i32
      %dma_wait3A_208 = arith.constant 0 : i32
      %dma_wait3A_209 = tpu.memref_slice %arg7[%dma_wait3A_207, %dma_wait3A_208] : memref<200x32xf32, #tpu.memory_space<vmem>> -> memref<128x32xf32, #tpu.memory_space<vmem>>
      %dma_wait3A_210 = tpu.memref_slice %arg5[%add3A_206] : memref<25600xi32, #tpu.memory_space<vmem>> -> memref<128xi32, #tpu.memory_space<vmem>>
      %dma_wait3A_211 = arith.constant 0 : i32
      %dma_wait3A_212 = arith.constant 0 : i32
      %dma_wait3A_213 = tpu.memref_slice %arg3[%dma_wait3A_211, %dma_wait3A_212] : memref<1024000x32xf32, #tpu.memory_space<hbm>> -> memref<1024000x32xf32, #tpu.memory_space<hbm>>
      tpu.wait_indirect_dma semaphore(%arg16 : memref<!tpu.dma_semaphore, #tpu.memory_space<semaphore_mem>>) src(%dma_wait3A_213 : memref<1024000x32xf32, #tpu.memory_space<hbm>>) dst(%dma_wait3A_209 : memref<128x32xf32, #tpu.memory_space<vmem>>)
      %add3A_214 = arith.constant 128 : i32
      %add3A_215 = arith.addi %mul3A_204, %add3A_214 : i32
      %dma_wait3A_216 = arith.constant 128 : i32
      %dma_wait3A_217 = arith.constant 0 : i32
      %dma_wait3A_218 = tpu.memref_slice %arg7[%dma_wait3A_216, %dma_wait3A_217] : memref<200x32xf32, #tpu.memory_space<vmem>> -> memref<72x32xf32, #tpu.memory_space<vmem>>
      %dma_wait3A_219 = tpu.memref_slice %arg5[%add3A_215] : memref<25600xi32, #tpu.memory_space<vmem>> -> memref<72xi32, #tpu.memory_space<vmem>>
      %dma_wait3A_220 = arith.constant 0 : i32
      %dma_wait3A_221 = arith.constant 0 : i32
      %dma_wait3A_222 = tpu.memref_slice %arg3[%dma_wait3A_220, %dma_wait3A_221] : memref<1024000x32xf32, #tpu.memory_space<hbm>> -> memref<1024000x32xf32, #tpu.memory_space<hbm>>
      tpu.wait_indirect_dma semaphore(%arg16 : memref<!tpu.dma_semaphore, #tpu.memory_space<semaphore_mem>>) src(%dma_wait3A_222 : memref<1024000x32xf32, #tpu.memory_space<hbm>>) dst(%dma_wait3A_218 : memref<72x32xf32, #tpu.memory_space<vmem>>)
      %broadcast_in_dim3A_223 = arith.constant 0.000000e+00 : f32
      %broadcast_in_dim3A_224 = vector.broadcast %broadcast_in_dim3A_223 : f32 to vector<16xf32>
      %scan3A_225 = arith.constant 0 : i32
      %scan3A_226 = arith.constant 25 : i32
      %scan3A_227 = arith.addi %scan3A_225, %scan3A_226 : i32
      %scan3A_228 = arith.constant 1 : i32
      %scan3A_229:4 = scf.for %scan3A_557 = %scan3A_225 to %scan3A_227 step %scan3A_228 iter_args(%scan3A_558 = %broadcast_in_dim3A_224, %scan3A_559 = %broadcast_in_dim3A_224, %scan3A_560 = %broadcast_in_dim3A_224, %scan3A_561 = %broadcast_in_dim3A_224) -> (vector<16xf32>, vector<16xf32>, vector<16xf32>, vector<16xf32>)  : i32 {
        %mul3A_562 = arith.constant 8 : i32
        %mul3A_563 = arith.muli %scan3A_557, %mul3A_562 : i32
        %add3A_564 = arith.constant 0 : i32
        %add3A_565 = arith.addi %mul3A_563, %add3A_564 : i32
        %get3A = arith.index_cast %add3A_565 : i32 to index
        %get3A_566 = arith.constant 0 : index
        %get3A_567 = tpu.vector_load %arg7[%get3A, %get3A_566] {strides = array<i32>} : memref<200x32xf32, #tpu.memory_space<vmem>>, vector<1x16xf32>,
        %get3A_568 = vector.shape_cast %get3A_567 : vector<1x16xf32> to vector<16xf32>
        %add3A_569 = arith.addf %scan3A_558, %get3A_568 : vector<16xf32>
        %add3A_570 = arith.constant 0 : i32
        %add3A_571 = arith.addi %mul3A_563, %add3A_570 : i32
        %get3A_572 = arith.index_cast %add3A_571 : i32 to index
        %get3A_573 = arith.constant 16 : index
        %get3A_574 = tpu.vector_load %arg7[%get3A_572, %get3A_573] {strides = array<i32>} : memref<200x32xf32, #tpu.memory_space<vmem>>, vector<1x16xf32>,
        %get3A_575 = vector.shape_cast %get3A_574 : vector<1x16xf32> to vector<16xf32>
        %add3A_576 = arith.addf %scan3A_559, %get3A_575 : vector<16xf32>
        %add3A_577 = arith.constant 0 : i32
        %add3A_578 = arith.addi %mul3A_563, %add3A_577 : i32
        %add3A_579 = arith.constant 1 : i32
        %add3A_580 = arith.addi %add3A_578, %add3A_579 : i32
        %get3A_581 = arith.index_cast %add3A_580 : i32 to index
        %get3A_582 = arith.constant 0 : index
        %get3A_583 = tpu.vector_load %arg7[%get3A_581, %get3A_582] {strides = array<i32>} : memref<200x32xf32, #tpu.memory_space<vmem>>, vector<1x16xf32>,
        %get3A_584 = vector.shape_cast %get3A_583 : vector<1x16xf32> to vector<16xf32>
        %add3A_585 = arith.addf %scan3A_560, %get3A_584 : vector<16xf32>
        %add3A_586 = arith.constant 0 : i32
        %add3A_587 = arith.addi %mul3A_563, %add3A_586 : i32
        %add3A_588 = arith.constant 1 : i32
        %add3A_589 = arith.addi %add3A_587, %add3A_588 : i32
        %get3A_590 = arith.index_cast %add3A_589 : i32 to index
        %get3A_591 = arith.constant 16 : index
        %get3A_592 = tpu.vector_load %arg7[%get3A_590, %get3A_591] {strides = array<i32>} : memref<200x32xf32, #tpu.memory_space<vmem>>, vector<1x16xf32>,
        %get3A_593 = vector.shape_cast %get3A_592 : vector<1x16xf32> to vector<16xf32>
        %add3A_594 = arith.addf %scan3A_561, %get3A_593 : vector<16xf32>
        %add3A_595 = arith.constant 2 : i32
        %add3A_596 = arith.addi %mul3A_563, %add3A_595 : i32
        %get3A_597 = arith.index_cast %add3A_596 : i32 to index
        %get3A_598 = arith.constant 0 : index
        %get3A_599 = tpu.vector_load %arg7[%get3A_597, %get3A_598] {strides = array<i32>} : memref<200x32xf32, #tpu.memory_space<vmem>>, vector<1x16xf32>,
        %get3A_600 = vector.shape_cast %get3A_599 : vector<1x16xf32> to vector<16xf32>
        %add3A_601 = arith.addf %add3A_569, %get3A_600 : vector<16xf32>
        %add3A_602 = arith.constant 2 : i32
        %add3A_603 = arith.addi %mul3A_563, %add3A_602 : i32
        %get3A_604 = arith.index_cast %add3A_603 : i32 to index
        %get3A_605 = arith.constant 16 : index
        %get3A_606 = tpu.vector_load %arg7[%get3A_604, %get3A_605] {strides = array<i32>} : memref<200x32xf32, #tpu.memory_space<vmem>>, vector<1x16xf32>,
        %get3A_607 = vector.shape_cast %get3A_606 : vector<1x16xf32> to vector<16xf32>
        %add3A_608 = arith.addf %add3A_576, %get3A_607 : vector<16xf32>
        %add3A_609 = arith.constant 2 : i32
        %add3A_610 = arith.addi %mul3A_563, %add3A_609 : i32
        %add3A_611 = arith.constant 1 : i32
        %add3A_612 = arith.addi %add3A_610, %add3A_611 : i32
        %get3A_613 = arith.index_cast %add3A_612 : i32 to index
        %get3A_614 = arith.constant 0 : index
        %get3A_615 = tpu.vector_load %arg7[%get3A_613, %get3A_614] {strides = array<i32>} : memref<200x32xf32, #tpu.memory_space<vmem>>, vector<1x16xf32>,
        %get3A_616 = vector.shape_cast %get3A_615 : vector<1x16xf32> to vector<16xf32>
        %add3A_617 = arith.addf %add3A_585, %get3A_616 : vector<16xf32>
        %add3A_618 = arith.constant 2 : i32
        %add3A_619 = arith.addi %mul3A_563, %add3A_618 : i32
        %add3A_620 = arith.constant 1 : i32
        %add3A_621 = arith.addi %add3A_619, %add3A_620 : i32
        %get3A_622 = arith.index_cast %add3A_621 : i32 to index
        %get3A_623 = arith.constant 16 : index
        %get3A_624 = tpu.vector_load %arg7[%get3A_622, %get3A_623] {strides = array<i32>} : memref<200x32xf32, #tpu.memory_space<vmem>>, vector<1x16xf32>,
        %get3A_625 = vector.shape_cast %get3A_624 : vector<1x16xf32> to vector<16xf32>
        %add3A_626 = arith.addf %add3A_594, %get3A_625 : vector<16xf32>
        %add3A_627 = arith.constant 4 : i32
        %add3A_628 = arith.addi %mul3A_563, %add3A_627 : i32
        %get3A_629 = arith.index_cast %add3A_628 : i32 to index
        %get3A_630 = arith.constant 0 : index
        %get3A_631 = tpu.vector_load %arg7[%get3A_629, %get3A_630] {strides = array<i32>} : memref<200x32xf32, #tpu.memory_space<vmem>>, vector<1x16xf32>,
        %get3A_632 = vector.shape_cast %get3A_631 : vector<1x16xf32> to vector<16xf32>
        %add3A_633 = arith.addf %add3A_601, %get3A_632 : vector<16xf32>
        %add3A_634 = arith.constant 4 : i32
        %add3A_635 = arith.addi %mul3A_563, %add3A_634 : i32
        %get3A_636 = arith.index_cast %add3A_635 : i32 to index
        %get3A_637 = arith.constant 16 : index
        %get3A_638 = tpu.vector_load %arg7[%get3A_636, %get3A_637] {strides = array<i32>} : memref<200x32xf32, #tpu.memory_space<vmem>>, vector<1x16xf32>,
        %get3A_639 = vector.shape_cast %get3A_638 : vector<1x16xf32> to vector<16xf32>
        %add3A_640 = arith.addf %add3A_608, %get3A_639 : vector<16xf32>
        %add3A_641 = arith.constant 4 : i32
        %add3A_642 = arith.addi %mul3A_563, %add3A_641 : i32
        %add3A_643 = arith.constant 1 : i32
        %add3A_644 = arith.addi %add3A_642, %add3A_643 : i32
        %get3A_645 = arith.index_cast %add3A_644 : i32 to index
        %get3A_646 = arith.constant 0 : index
        %get3A_647 = tpu.vector_load %arg7[%get3A_645, %get3A_646] {strides = array<i32>} : memref<200x32xf32, #tpu.memory_space<vmem>>, vector<1x16xf32>,
        %get3A_648 = vector.shape_cast %get3A_647 : vector<1x16xf32> to vector<16xf32>
        %add3A_649 = arith.addf %add3A_617, %get3A_648 : vector<16xf32>
        %add3A_650 = arith.constant 4 : i32
        %add3A_651 = arith.addi %mul3A_563, %add3A_650 : i32
        %add3A_652 = arith.constant 1 : i32
        %add3A_653 = arith.addi %add3A_651, %add3A_652 : i32
        %get3A_654 = arith.index_cast %add3A_653 : i32 to index
        %get3A_655 = arith.constant 16 : index
        %get3A_656 = tpu.vector_load %arg7[%get3A_654, %get3A_655] {strides = array<i32>} : memref<200x32xf32, #tpu.memory_space<vmem>>, vector<1x16xf32>,
        %get3A_657 = vector.shape_cast %get3A_656 : vector<1x16xf32> to vector<16xf32>
        %add3A_658 = arith.addf %add3A_626, %get3A_657 : vector<16xf32>
        %add3A_659 = arith.constant 6 : i32
        %add3A_660 = arith.addi %mul3A_563, %add3A_659 : i32
        %get3A_661 = arith.index_cast %add3A_660 : i32 to index
        %get3A_662 = arith.constant 0 : index
        %get3A_663 = tpu.vector_load %arg7[%get3A_661, %get3A_662] {strides = array<i32>} : memref<200x32xf32, #tpu.memory_space<vmem>>, vector<1x16xf32>,
        %get3A_664 = vector.shape_cast %get3A_663 : vector<1x16xf32> to vector<16xf32>
        %add3A_665 = arith.addf %add3A_633, %get3A_664 : vector<16xf32>
        %add3A_666 = arith.constant 6 : i32
        %add3A_667 = arith.addi %mul3A_563, %add3A_666 : i32
        %get3A_668 = arith.index_cast %add3A_667 : i32 to index
        %get3A_669 = arith.constant 16 : index
        %get3A_670 = tpu.vector_load %arg7[%get3A_668, %get3A_669] {strides = array<i32>} : memref<200x32xf32, #tpu.memory_space<vmem>>, vector<1x16xf32>,
        %get3A_671 = vector.shape_cast %get3A_670 : vector<1x16xf32> to vector<16xf32>
        %add3A_672 = arith.addf %add3A_640, %get3A_671 : vector<16xf32>
        %add3A_673 = arith.constant 6 : i32
        %add3A_674 = arith.addi %mul3A_563, %add3A_673 : i32
        %add3A_675 = arith.constant 1 : i32
        %add3A_676 = arith.addi %add3A_674, %add3A_675 : i32
        %get3A_677 = arith.index_cast %add3A_676 : i32 to index
        %get3A_678 = arith.constant 0 : index
        %get3A_679 = tpu.vector_load %arg7[%get3A_677, %get3A_678] {strides = array<i32>} : memref<200x32xf32, #tpu.memory_space<vmem>>, vector<1x16xf32>,
        %get3A_680 = vector.shape_cast %get3A_679 : vector<1x16xf32> to vector<16xf32>
        %add3A_681 = arith.addf %add3A_649, %get3A_680 : vector<16xf32>
        %add3A_682 = arith.constant 6 : i32
        %add3A_683 = arith.addi %mul3A_563, %add3A_682 : i32
        %add3A_684 = arith.constant 1 : i32
        %add3A_685 = arith.addi %add3A_683, %add3A_684 : i32
        %get3A_686 = arith.index_cast %add3A_685 : i32 to index
        %get3A_687 = arith.constant 16 : index
        %get3A_688 = tpu.vector_load %arg7[%get3A_686, %get3A_687] {strides = array<i32>} : memref<200x32xf32, #tpu.memory_space<vmem>>, vector<1x16xf32>,
        %get3A_689 = vector.shape_cast %get3A_688 : vector<1x16xf32> to vector<16xf32>
        %add3A_690 = arith.addf %add3A_658, %get3A_689 : vector<16xf32>
        scf.yield %add3A_665, %add3A_672, %add3A_681, %add3A_690 : vector<16xf32>, vector<16xf32>, vector<16xf32>, vector<16xf32>
      }
      %scan3A_230 = arith.constant 25 : i32
      %add3A_231 = arith.addf %scan3A_229#0, %scan3A_229#2 : vector<16xf32>
      %add3A_232 = arith.addf %scan3A_229#1, %scan3A_229#3 : vector<16xf32>
      %add3A_233 = arith.constant 8 : i32
      %add3A_234 = arith.addi %add3A_202, %add3A_233 : i32
      %lt3A_235 = arith.constant 128 : i32
      %lt3A_236 = arith.cmpi slt, %add3A_234, %lt3A_235 : i32
      %convert_element_type3A_237 = arith.extui %lt3A_236 : i1 to i32
      %cond3A_238 = arith.constant 0 : i32
      %cond3A_239 = arith.cmpi ne, %convert_element_type3A_237, %cond3A_238 : i32
      scf.if %cond3A_239 {
        %add3A_557 = arith.constant 1600 : i32
        %add3A_558 = arith.addi %mul3A_204, %add3A_557 : i32
        %add3A_559 = arith.constant 0 : i32
        %add3A_560 = arith.addi %add3A_558, %add3A_559 : i32
        %dma_start3A_561 = arith.constant 0 : i32
        %dma_start3A_562 = arith.constant 0 : i32
        %dma_start3A_563 = tpu.memref_slice %arg7[%dma_start3A_561, %dma_start3A_562] : memref<200x32xf32, #tpu.memory_space<vmem>> -> memref<128x32xf32, #tpu.memory_space<vmem>>
        %dma_start3A_564 = tpu.memref_slice %arg5[%add3A_560] : memref<25600xi32, #tpu.memory_space<vmem>> -> memref<128xi32, #tpu.memory_space<vmem>>
        %dma_start3A_565 = arith.constant 0 : i32
        %dma_start3A_566 = arith.constant 0 : i32
        %dma_start3A_567 = tpu.memref_slice %arg3[%dma_start3A_565, %dma_start3A_566] : memref<1024000x32xf32, #tpu.memory_space<hbm>> -> memref<1024000x32xf32, #tpu.memory_space<hbm>>
        tpu.enqueue_indirect_dma source(%dma_start3A_567 : memref<1024000x32xf32, #tpu.memory_space<hbm>>) target(%dma_start3A_563 : memref<128x32xf32, #tpu.memory_space<vmem>>) offsets(%dma_start3A_564 : memref<128xi32, #tpu.memory_space<vmem>>) semaphore(%arg16 : memref<!tpu.dma_semaphore, #tpu.memory_space<semaphore_mem>>)
        %add3A_568 = arith.constant 128 : i32
        %add3A_569 = arith.addi %add3A_558, %add3A_568 : i32
        %dma_start3A_570 = arith.constant 128 : i32
        %dma_start3A_571 = arith.constant 0 : i32
        %dma_start3A_572 = tpu.memref_slice %arg7[%dma_start3A_570, %dma_start3A_571] : memref<200x32xf32, #tpu.memory_space<vmem>> -> memref<72x32xf32, #tpu.memory_space<vmem>>
        %dma_start3A_573 = tpu.memref_slice %arg5[%add3A_569] : memref<25600xi32, #tpu.memory_space<vmem>> -> memref<72xi32, #tpu.memory_space<vmem>>
        %dma_start3A_574 = arith.constant 0 : i32
        %dma_start3A_575 = arith.constant 0 : i32
        %dma_start3A_576 = tpu.memref_slice %arg3[%dma_start3A_574, %dma_start3A_575] : memref<1024000x32xf32, #tpu.memory_space<hbm>> -> memref<1024000x32xf32, #tpu.memory_space<hbm>>
        tpu.enqueue_indirect_dma source(%dma_start3A_576 : memref<1024000x32xf32, #tpu.memory_space<hbm>>) target(%dma_start3A_572 : memref<72x32xf32, #tpu.memory_space<vmem>>) offsets(%dma_start3A_573 : memref<72xi32, #tpu.memory_space<vmem>>) semaphore(%arg16 : memref<!tpu.dma_semaphore, #tpu.memory_space<semaphore_mem>>)
      } else {
      }
      %swap3A_240 = arith.index_cast %add3A_202 : i32 to index
      %swap3A_241 = arith.constant 0 : index
      %swap3A_242 = tpu.vector_load %arg14[%swap3A_240, %swap3A_241] {strides = array<i32>} : memref<128x32xf32, #tpu.memory_space<vmem>>, vector<1x16xf32>,
      %swap3A_243 = vector.shape_cast %swap3A_242 : vector<1x16xf32> to vector<16xf32>
      %swap3A_244 = vector.shape_cast %add3A_231 : vector<16xf32> to vector<1x16xf32>
      tpu.vector_store %arg14[%swap3A_240, %swap3A_241], %swap3A_244 {strides = array<i32>} : memref<128x32xf32, #tpu.memory_space<vmem>>, vector<1x16xf32>,
      %swap3A_245 = arith.index_cast %add3A_202 : i32 to index
      %swap3A_246 = arith.constant 16 : index
      %swap3A_247 = tpu.vector_load %arg14[%swap3A_245, %swap3A_246] {strides = array<i32>} : memref<128x32xf32, #tpu.memory_space<vmem>>, vector<1x16xf32>,
      %swap3A_248 = vector.shape_cast %swap3A_247 : vector<1x16xf32> to vector<16xf32>
      %swap3A_249 = vector.shape_cast %add3A_232 : vector<16xf32> to vector<1x16xf32>
      tpu.vector_store %arg14[%swap3A_245, %swap3A_246], %swap3A_249 {strides = array<i32>} : memref<128x32xf32, #tpu.memory_space<vmem>>, vector<1x16xf32>,
      %mul3A_250 = arith.constant 8 : i32
      %mul3A_251 = arith.muli %scan3A_145, %mul3A_250 : i32
      %add3A_252 = arith.constant 2 : i32
      %add3A_253 = arith.addi %mul3A_251, %add3A_252 : i32
      %mul3A_254 = arith.constant 200 : i32
      %mul3A_255 = arith.muli %add3A_253, %mul3A_254 : i32
      %add3A_256 = arith.constant 0 : i32
      %add3A_257 = arith.addi %mul3A_255, %add3A_256 : i32
      %dma_wait3A_258 = arith.constant 0 : i32
      %dma_wait3A_259 = arith.constant 0 : i32
      %dma_wait3A_260 = tpu.memref_slice %arg8[%dma_wait3A_258, %dma_wait3A_259] : memref<200x32xf32, #tpu.memory_space<vmem>> -> memref<128x32xf32, #tpu.memory_space<vmem>>
      %dma_wait3A_261 = tpu.memref_slice %arg5[%add3A_257] : memref<25600xi32, #tpu.memory_space<vmem>> -> memref<128xi32, #tpu.memory_space<vmem>>
      %dma_wait3A_262 = arith.constant 0 : i32
      %dma_wait3A_263 = arith.constant 0 : i32
      %dma_wait3A_264 = tpu.memref_slice %arg3[%dma_wait3A_262, %dma_wait3A_263] : memref<1024000x32xf32, #tpu.memory_space<hbm>> -> memref<1024000x32xf32, #tpu.memory_space<hbm>>
      tpu.wait_indirect_dma semaphore(%arg17 : memref<!tpu.dma_semaphore, #tpu.memory_space<semaphore_mem>>) src(%dma_wait3A_264 : memref<1024000x32xf32, #tpu.memory_space<hbm>>) dst(%dma_wait3A_260 : memref<128x32xf32, #tpu.memory_space<vmem>>)
      %add3A_265 = arith.constant 128 : i32
      %add3A_266 = arith.addi %mul3A_255, %add3A_265 : i32
      %dma_wait3A_267 = arith.constant 128 : i32
      %dma_wait3A_268 = arith.constant 0 : i32
      %dma_wait3A_269 = tpu.memref_slice %arg8[%dma_wait3A_267, %dma_wait3A_268] : memref<200x32xf32, #tpu.memory_space<vmem>> -> memref<72x32xf32, #tpu.memory_space<vmem>>
      %dma_wait3A_270 = tpu.memref_slice %arg5[%add3A_266] : memref<25600xi32, #tpu.memory_space<vmem>> -> memref<72xi32, #tpu.memory_space<vmem>>
      %dma_wait3A_271 = arith.constant 0 : i32
      %dma_wait3A_272 = arith.constant 0 : i32
      %dma_wait3A_273 = tpu.memref_slice %arg3[%dma_wait3A_271, %dma_wait3A_272] : memref<1024000x32xf32, #tpu.memory_space<hbm>> -> memref<1024000x32xf32, #tpu.memory_space<hbm>>
      tpu.wait_indirect_dma semaphore(%arg17 : memref<!tpu.dma_semaphore, #tpu.memory_space<semaphore_mem>>) src(%dma_wait3A_273 : memref<1024000x32xf32, #tpu.memory_space<hbm>>) dst(%dma_wait3A_269 : memref<72x32xf32, #tpu.memory_space<vmem>>)
      %broadcast_in_dim3A_274 = arith.constant 0.000000e+00 : f32
      %broadcast_in_dim3A_275 = vector.broadcast %broadcast_in_dim3A_274 : f32 to vector<16xf32>
      %scan3A_276 = arith.constant 0 : i32
      %scan3A_277 = arith.constant 25 : i32
      %scan3A_278 = arith.addi %scan3A_276, %scan3A_277 : i32
      %scan3A_279 = arith.constant 1 : i32
      %scan3A_280:4 = scf.for %scan3A_557 = %scan3A_276 to %scan3A_278 step %scan3A_279 iter_args(%scan3A_558 = %broadcast_in_dim3A_275, %scan3A_559 = %broadcast_in_dim3A_275, %scan3A_560 = %broadcast_in_dim3A_275, %scan3A_561 = %broadcast_in_dim3A_275) -> (vector<16xf32>, vector<16xf32>, vector<16xf32>, vector<16xf32>)  : i32 {
        %mul3A_562 = arith.constant 8 : i32
        %mul3A_563 = arith.muli %scan3A_557, %mul3A_562 : i32
        %add3A_564 = arith.constant 0 : i32
        %add3A_565 = arith.addi %mul3A_563, %add3A_564 : i32
        %get3A = arith.index_cast %add3A_565 : i32 to index
        %get3A_566 = arith.constant 0 : index
        %get3A_567 = tpu.vector_load %arg8[%get3A, %get3A_566] {strides = array<i32>} : memref<200x32xf32, #tpu.memory_space<vmem>>, vector<1x16xf32>,
        %get3A_568 = vector.shape_cast %get3A_567 : vector<1x16xf32> to vector<16xf32>
        %add3A_569 = arith.addf %scan3A_558, %get3A_568 : vector<16xf32>
        %add3A_570 = arith.constant 0 : i32
        %add3A_571 = arith.addi %mul3A_563, %add3A_570 : i32
        %get3A_572 = arith.index_cast %add3A_571 : i32 to index
        %get3A_573 = arith.constant 16 : index
        %get3A_574 = tpu.vector_load %arg8[%get3A_572, %get3A_573] {strides = array<i32>} : memref<200x32xf32, #tpu.memory_space<vmem>>, vector<1x16xf32>,
        %get3A_575 = vector.shape_cast %get3A_574 : vector<1x16xf32> to vector<16xf32>
        %add3A_576 = arith.addf %scan3A_559, %get3A_575 : vector<16xf32>
        %add3A_577 = arith.constant 0 : i32
        %add3A_578 = arith.addi %mul3A_563, %add3A_577 : i32
        %add3A_579 = arith.constant 1 : i32
        %add3A_580 = arith.addi %add3A_578, %add3A_579 : i32
        %get3A_581 = arith.index_cast %add3A_580 : i32 to index
        %get3A_582 = arith.constant 0 : index
        %get3A_583 = tpu.vector_load %arg8[%get3A_581, %get3A_582] {strides = array<i32>} : memref<200x32xf32, #tpu.memory_space<vmem>>, vector<1x16xf32>,
        %get3A_584 = vector.shape_cast %get3A_583 : vector<1x16xf32> to vector<16xf32>
        %add3A_585 = arith.addf %scan3A_560, %get3A_584 : vector<16xf32>
        %add3A_586 = arith.constant 0 : i32
        %add3A_587 = arith.addi %mul3A_563, %add3A_586 : i32
        %add3A_588 = arith.constant 1 : i32
        %add3A_589 = arith.addi %add3A_587, %add3A_588 : i32
        %get3A_590 = arith.index_cast %add3A_589 : i32 to index
        %get3A_591 = arith.constant 16 : index
        %get3A_592 = tpu.vector_load %arg8[%get3A_590, %get3A_591] {strides = array<i32>} : memref<200x32xf32, #tpu.memory_space<vmem>>, vector<1x16xf32>,
        %get3A_593 = vector.shape_cast %get3A_592 : vector<1x16xf32> to vector<16xf32>
        %add3A_594 = arith.addf %scan3A_561, %get3A_593 : vector<16xf32>
        %add3A_595 = arith.constant 2 : i32
        %add3A_596 = arith.addi %mul3A_563, %add3A_595 : i32
        %get3A_597 = arith.index_cast %add3A_596 : i32 to index
        %get3A_598 = arith.constant 0 : index
        %get3A_599 = tpu.vector_load %arg8[%get3A_597, %get3A_598] {strides = array<i32>} : memref<200x32xf32, #tpu.memory_space<vmem>>, vector<1x16xf32>,
        %get3A_600 = vector.shape_cast %get3A_599 : vector<1x16xf32> to vector<16xf32>
        %add3A_601 = arith.addf %add3A_569, %get3A_600 : vector<16xf32>
        %add3A_602 = arith.constant 2 : i32
        %add3A_603 = arith.addi %mul3A_563, %add3A_602 : i32
        %get3A_604 = arith.index_cast %add3A_603 : i32 to index
        %get3A_605 = arith.constant 16 : index
        %get3A_606 = tpu.vector_load %arg8[%get3A_604, %get3A_605] {strides = array<i32>} : memref<200x32xf32, #tpu.memory_space<vmem>>, vector<1x16xf32>,
        %get3A_607 = vector.shape_cast %get3A_606 : vector<1x16xf32> to vector<16xf32>
        %add3A_608 = arith.addf %add3A_576, %get3A_607 : vector<16xf32>
        %add3A_609 = arith.constant 2 : i32
        %add3A_610 = arith.addi %mul3A_563, %add3A_609 : i32
        %add3A_611 = arith.constant 1 : i32
        %add3A_612 = arith.addi %add3A_610, %add3A_611 : i32
        %get3A_613 = arith.index_cast %add3A_612 : i32 to index
        %get3A_614 = arith.constant 0 : index
        %get3A_615 = tpu.vector_load %arg8[%get3A_613, %get3A_614] {strides = array<i32>} : memref<200x32xf32, #tpu.memory_space<vmem>>, vector<1x16xf32>,
        %get3A_616 = vector.shape_cast %get3A_615 : vector<1x16xf32> to vector<16xf32>
        %add3A_617 = arith.addf %add3A_585, %get3A_616 : vector<16xf32>
        %add3A_618 = arith.constant 2 : i32
        %add3A_619 = arith.addi %mul3A_563, %add3A_618 : i32
        %add3A_620 = arith.constant 1 : i32
        %add3A_621 = arith.addi %add3A_619, %add3A_620 : i32
        %get3A_622 = arith.index_cast %add3A_621 : i32 to index
        %get3A_623 = arith.constant 16 : index
        %get3A_624 = tpu.vector_load %arg8[%get3A_622, %get3A_623] {strides = array<i32>} : memref<200x32xf32, #tpu.memory_space<vmem>>, vector<1x16xf32>,
        %get3A_625 = vector.shape_cast %get3A_624 : vector<1x16xf32> to vector<16xf32>
        %add3A_626 = arith.addf %add3A_594, %get3A_625 : vector<16xf32>
        %add3A_627 = arith.constant 4 : i32
        %add3A_628 = arith.addi %mul3A_563, %add3A_627 : i32
        %get3A_629 = arith.index_cast %add3A_628 : i32 to index
        %get3A_630 = arith.constant 0 : index
        %get3A_631 = tpu.vector_load %arg8[%get3A_629, %get3A_630] {strides = array<i32>} : memref<200x32xf32, #tpu.memory_space<vmem>>, vector<1x16xf32>,
        %get3A_632 = vector.shape_cast %get3A_631 : vector<1x16xf32> to vector<16xf32>
        %add3A_633 = arith.addf %add3A_601, %get3A_632 : vector<16xf32>
        %add3A_634 = arith.constant 4 : i32
        %add3A_635 = arith.addi %mul3A_563, %add3A_634 : i32
        %get3A_636 = arith.index_cast %add3A_635 : i32 to index
        %get3A_637 = arith.constant 16 : index
        %get3A_638 = tpu.vector_load %arg8[%get3A_636, %get3A_637] {strides = array<i32>} : memref<200x32xf32, #tpu.memory_space<vmem>>, vector<1x16xf32>,
        %get3A_639 = vector.shape_cast %get3A_638 : vector<1x16xf32> to vector<16xf32>
        %add3A_640 = arith.addf %add3A_608, %get3A_639 : vector<16xf32>
        %add3A_641 = arith.constant 4 : i32
        %add3A_642 = arith.addi %mul3A_563, %add3A_641 : i32
        %add3A_643 = arith.constant 1 : i32
        %add3A_644 = arith.addi %add3A_642, %add3A_643 : i32
        %get3A_645 = arith.index_cast %add3A_644 : i32 to index
        %get3A_646 = arith.constant 0 : index
        %get3A_647 = tpu.vector_load %arg8[%get3A_645, %get3A_646] {strides = array<i32>} : memref<200x32xf32, #tpu.memory_space<vmem>>, vector<1x16xf32>,
        %get3A_648 = vector.shape_cast %get3A_647 : vector<1x16xf32> to vector<16xf32>
        %add3A_649 = arith.addf %add3A_617, %get3A_648 : vector<16xf32>
        %add3A_650 = arith.constant 4 : i32
        %add3A_651 = arith.addi %mul3A_563, %add3A_650 : i32
        %add3A_652 = arith.constant 1 : i32
        %add3A_653 = arith.addi %add3A_651, %add3A_652 : i32
        %get3A_654 = arith.index_cast %add3A_653 : i32 to index
        %get3A_655 = arith.constant 16 : index
        %get3A_656 = tpu.vector_load %arg8[%get3A_654, %get3A_655] {strides = array<i32>} : memref<200x32xf32, #tpu.memory_space<vmem>>, vector<1x16xf32>,
        %get3A_657 = vector.shape_cast %get3A_656 : vector<1x16xf32> to vector<16xf32>
        %add3A_658 = arith.addf %add3A_626, %get3A_657 : vector<16xf32>
        %add3A_659 = arith.constant 6 : i32
        %add3A_660 = arith.addi %mul3A_563, %add3A_659 : i32
        %get3A_661 = arith.index_cast %add3A_660 : i32 to index
        %get3A_662 = arith.constant 0 : index
        %get3A_663 = tpu.vector_load %arg8[%get3A_661, %get3A_662] {strides = array<i32>} : memref<200x32xf32, #tpu.memory_space<vmem>>, vector<1x16xf32>,
        %get3A_664 = vector.shape_cast %get3A_663 : vector<1x16xf32> to vector<16xf32>
        %add3A_665 = arith.addf %add3A_633, %get3A_664 : vector<16xf32>
        %add3A_666 = arith.constant 6 : i32
        %add3A_667 = arith.addi %mul3A_563, %add3A_666 : i32
        %get3A_668 = arith.index_cast %add3A_667 : i32 to index
        %get3A_669 = arith.constant 16 : index
        %get3A_670 = tpu.vector_load %arg8[%get3A_668, %get3A_669] {strides = array<i32>} : memref<200x32xf32, #tpu.memory_space<vmem>>, vector<1x16xf32>,
        %get3A_671 = vector.shape_cast %get3A_670 : vector<1x16xf32> to vector<16xf32>
        %add3A_672 = arith.addf %add3A_640, %get3A_671 : vector<16xf32>
        %add3A_673 = arith.constant 6 : i32
        %add3A_674 = arith.addi %mul3A_563, %add3A_673 : i32
        %add3A_675 = arith.constant 1 : i32
        %add3A_676 = arith.addi %add3A_674, %add3A_675 : i32
        %get3A_677 = arith.index_cast %add3A_676 : i32 to index
        %get3A_678 = arith.constant 0 : index
        %get3A_679 = tpu.vector_load %arg8[%get3A_677, %get3A_678] {strides = array<i32>} : memref<200x32xf32, #tpu.memory_space<vmem>>, vector<1x16xf32>,
        %get3A_680 = vector.shape_cast %get3A_679 : vector<1x16xf32> to vector<16xf32>
        %add3A_681 = arith.addf %add3A_649, %get3A_680 : vector<16xf32>
        %add3A_682 = arith.constant 6 : i32
        %add3A_683 = arith.addi %mul3A_563, %add3A_682 : i32
        %add3A_684 = arith.constant 1 : i32
        %add3A_685 = arith.addi %add3A_683, %add3A_684 : i32
        %get3A_686 = arith.index_cast %add3A_685 : i32 to index
        %get3A_687 = arith.constant 16 : index
        %get3A_688 = tpu.vector_load %arg8[%get3A_686, %get3A_687] {strides = array<i32>} : memref<200x32xf32, #tpu.memory_space<vmem>>, vector<1x16xf32>,
        %get3A_689 = vector.shape_cast %get3A_688 : vector<1x16xf32> to vector<16xf32>
        %add3A_690 = arith.addf %add3A_658, %get3A_689 : vector<16xf32>
        scf.yield %add3A_665, %add3A_672, %add3A_681, %add3A_690 : vector<16xf32>, vector<16xf32>, vector<16xf32>, vector<16xf32>
      }
      %scan3A_281 = arith.constant 25 : i32
      %add3A_282 = arith.addf %scan3A_280#0, %scan3A_280#2 : vector<16xf32>
      %add3A_283 = arith.addf %scan3A_280#1, %scan3A_280#3 : vector<16xf32>
      %add3A_284 = arith.constant 8 : i32
      %add3A_285 = arith.addi %add3A_253, %add3A_284 : i32
      %lt3A_286 = arith.constant 128 : i32
      %lt3A_287 = arith.cmpi slt, %add3A_285, %lt3A_286 : i32
      %convert_element_type3A_288 = arith.extui %lt3A_287 : i1 to i32
      %cond3A_289 = arith.constant 0 : i32
      %cond3A_290 = arith.cmpi ne, %convert_element_type3A_288, %cond3A_289 : i32
      scf.if %cond3A_290 {
        %add3A_557 = arith.constant 1600 : i32
        %add3A_558 = arith.addi %mul3A_255, %add3A_557 : i32
        %add3A_559 = arith.constant 0 : i32
        %add3A_560 = arith.addi %add3A_558, %add3A_559 : i32
        %dma_start3A_561 = arith.constant 0 : i32
        %dma_start3A_562 = arith.constant 0 : i32
        %dma_start3A_563 = tpu.memref_slice %arg8[%dma_start3A_561, %dma_start3A_562] : memref<200x32xf32, #tpu.memory_space<vmem>> -> memref<128x32xf32, #tpu.memory_space<vmem>>
        %dma_start3A_564 = tpu.memref_slice %arg5[%add3A_560] : memref<25600xi32, #tpu.memory_space<vmem>> -> memref<128xi32, #tpu.memory_space<vmem>>
        %dma_start3A_565 = arith.constant 0 : i32
        %dma_start3A_566 = arith.constant 0 : i32
        %dma_start3A_567 = tpu.memref_slice %arg3[%dma_start3A_565, %dma_start3A_566] : memref<1024000x32xf32, #tpu.memory_space<hbm>> -> memref<1024000x32xf32, #tpu.memory_space<hbm>>
        tpu.enqueue_indirect_dma source(%dma_start3A_567 : memref<1024000x32xf32, #tpu.memory_space<hbm>>) target(%dma_start3A_563 : memref<128x32xf32, #tpu.memory_space<vmem>>) offsets(%dma_start3A_564 : memref<128xi32, #tpu.memory_space<vmem>>) semaphore(%arg17 : memref<!tpu.dma_semaphore, #tpu.memory_space<semaphore_mem>>)
        %add3A_568 = arith.constant 128 : i32
        %add3A_569 = arith.addi %add3A_558, %add3A_568 : i32
        %dma_start3A_570 = arith.constant 128 : i32
        %dma_start3A_571 = arith.constant 0 : i32
        %dma_start3A_572 = tpu.memref_slice %arg8[%dma_start3A_570, %dma_start3A_571] : memref<200x32xf32, #tpu.memory_space<vmem>> -> memref<72x32xf32, #tpu.memory_space<vmem>>
        %dma_start3A_573 = tpu.memref_slice %arg5[%add3A_569] : memref<25600xi32, #tpu.memory_space<vmem>> -> memref<72xi32, #tpu.memory_space<vmem>>
        %dma_start3A_574 = arith.constant 0 : i32
        %dma_start3A_575 = arith.constant 0 : i32
        %dma_start3A_576 = tpu.memref_slice %arg3[%dma_start3A_574, %dma_start3A_575] : memref<1024000x32xf32, #tpu.memory_space<hbm>> -> memref<1024000x32xf32, #tpu.memory_space<hbm>>
        tpu.enqueue_indirect_dma source(%dma_start3A_576 : memref<1024000x32xf32, #tpu.memory_space<hbm>>) target(%dma_start3A_572 : memref<72x32xf32, #tpu.memory_space<vmem>>) offsets(%dma_start3A_573 : memref<72xi32, #tpu.memory_space<vmem>>) semaphore(%arg17 : memref<!tpu.dma_semaphore, #tpu.memory_space<semaphore_mem>>)
      } else {
      }
      %swap3A_291 = arith.index_cast %add3A_253 : i32 to index
      %swap3A_292 = arith.constant 0 : index
      %swap3A_293 = tpu.vector_load %arg14[%swap3A_291, %swap3A_292] {strides = array<i32>} : memref<128x32xf32, #tpu.memory_space<vmem>>, vector<1x16xf32>,
      %swap3A_294 = vector.shape_cast %swap3A_293 : vector<1x16xf32> to vector<16xf32>
      %swap3A_295 = vector.shape_cast %add3A_282 : vector<16xf32> to vector<1x16xf32>
      tpu.vector_store %arg14[%swap3A_291, %swap3A_292], %swap3A_295 {strides = array<i32>} : memref<128x32xf32, #tpu.memory_space<vmem>>, vector<1x16xf32>,
      %swap3A_296 = arith.index_cast %add3A_253 : i32 to index
      %swap3A_297 = arith.constant 16 : index
      %swap3A_298 = tpu.vector_load %arg14[%swap3A_296, %swap3A_297] {strides = array<i32>} : memref<128x32xf32, #tpu.memory_space<vmem>>, vector<1x16xf32>,
      %swap3A_299 = vector.shape_cast %swap3A_298 : vector<1x16xf32> to vector<16xf32>
      %swap3A_300 = vector.shape_cast %add3A_283 : vector<16xf32> to vector<1x16xf32>
      tpu.vector_store %arg14[%swap3A_296, %swap3A_297], %swap3A_300 {strides = array<i32>} : memref<128x32xf32, #tpu.memory_space<vmem>>, vector<1x16xf32>,
      %mul3A_301 = arith.constant 8 : i32
      %mul3A_302 = arith.muli %scan3A_145, %mul3A_301 : i32
      %add3A_303 = arith.constant 3 : i32
      %add3A_304 = arith.addi %mul3A_302, %add3A_303 : i32
      %mul3A_305 = arith.constant 200 : i32
      %mul3A_306 = arith.muli %add3A_304, %mul3A_305 : i32
      %add3A_307 = arith.constant 0 : i32
      %add3A_308 = arith.addi %mul3A_306, %add3A_307 : i32
      %dma_wait3A_309 = arith.constant 0 : i32
      %dma_wait3A_310 = arith.constant 0 : i32
      %dma_wait3A_311 = tpu.memref_slice %arg9[%dma_wait3A_309, %dma_wait3A_310] : memref<200x32xf32, #tpu.memory_space<vmem>> -> memref<128x32xf32, #tpu.memory_space<vmem>>
      %dma_wait3A_312 = tpu.memref_slice %arg5[%add3A_308] : memref<25600xi32, #tpu.memory_space<vmem>> -> memref<128xi32, #tpu.memory_space<vmem>>
      %dma_wait3A_313 = arith.constant 0 : i32
      %dma_wait3A_314 = arith.constant 0 : i32
      %dma_wait3A_315 = tpu.memref_slice %arg3[%dma_wait3A_313, %dma_wait3A_314] : memref<1024000x32xf32, #tpu.memory_space<hbm>> -> memref<1024000x32xf32, #tpu.memory_space<hbm>>
      tpu.wait_indirect_dma semaphore(%arg18 : memref<!tpu.dma_semaphore, #tpu.memory_space<semaphore_mem>>) src(%dma_wait3A_315 : memref<1024000x32xf32, #tpu.memory_space<hbm>>) dst(%dma_wait3A_311 : memref<128x32xf32, #tpu.memory_space<vmem>>)
      %add3A_316 = arith.constant 128 : i32
      %add3A_317 = arith.addi %mul3A_306, %add3A_316 : i32
      %dma_wait3A_318 = arith.constant 128 : i32
      %dma_wait3A_319 = arith.constant 0 : i32
      %dma_wait3A_320 = tpu.memref_slice %arg9[%dma_wait3A_318, %dma_wait3A_319] : memref<200x32xf32, #tpu.memory_space<vmem>> -> memref<72x32xf32, #tpu.memory_space<vmem>>
      %dma_wait3A_321 = tpu.memref_slice %arg5[%add3A_317] : memref<25600xi32, #tpu.memory_space<vmem>> -> memref<72xi32, #tpu.memory_space<vmem>>
      %dma_wait3A_322 = arith.constant 0 : i32
      %dma_wait3A_323 = arith.constant 0 : i32
      %dma_wait3A_324 = tpu.memref_slice %arg3[%dma_wait3A_322, %dma_wait3A_323] : memref<1024000x32xf32, #tpu.memory_space<hbm>> -> memref<1024000x32xf32, #tpu.memory_space<hbm>>
      tpu.wait_indirect_dma semaphore(%arg18 : memref<!tpu.dma_semaphore, #tpu.memory_space<semaphore_mem>>) src(%dma_wait3A_324 : memref<1024000x32xf32, #tpu.memory_space<hbm>>) dst(%dma_wait3A_320 : memref<72x32xf32, #tpu.memory_space<vmem>>)
      %broadcast_in_dim3A_325 = arith.constant 0.000000e+00 : f32
      %broadcast_in_dim3A_326 = vector.broadcast %broadcast_in_dim3A_325 : f32 to vector<16xf32>
      %scan3A_327 = arith.constant 0 : i32
      %scan3A_328 = arith.constant 25 : i32
      %scan3A_329 = arith.addi %scan3A_327, %scan3A_328 : i32
      %scan3A_330 = arith.constant 1 : i32
      %scan3A_331:4 = scf.for %scan3A_557 = %scan3A_327 to %scan3A_329 step %scan3A_330 iter_args(%scan3A_558 = %broadcast_in_dim3A_326, %scan3A_559 = %broadcast_in_dim3A_326, %scan3A_560 = %broadcast_in_dim3A_326, %scan3A_561 = %broadcast_in_dim3A_326) -> (vector<16xf32>, vector<16xf32>, vector<16xf32>, vector<16xf32>)  : i32 {
        %mul3A_562 = arith.constant 8 : i32
        %mul3A_563 = arith.muli %scan3A_557, %mul3A_562 : i32
        %add3A_564 = arith.constant 0 : i32
        %add3A_565 = arith.addi %mul3A_563, %add3A_564 : i32
        %get3A = arith.index_cast %add3A_565 : i32 to index
        %get3A_566 = arith.constant 0 : index
        %get3A_567 = tpu.vector_load %arg9[%get3A, %get3A_566] {strides = array<i32>} : memref<200x32xf32, #tpu.memory_space<vmem>>, vector<1x16xf32>,
        %get3A_568 = vector.shape_cast %get3A_567 : vector<1x16xf32> to vector<16xf32>
        %add3A_569 = arith.addf %scan3A_558, %get3A_568 : vector<16xf32>
        %add3A_570 = arith.constant 0 : i32
        %add3A_571 = arith.addi %mul3A_563, %add3A_570 : i32
        %get3A_572 = arith.index_cast %add3A_571 : i32 to index
        %get3A_573 = arith.constant 16 : index
        %get3A_574 = tpu.vector_load %arg9[%get3A_572, %get3A_573] {strides = array<i32>} : memref<200x32xf32, #tpu.memory_space<vmem>>, vector<1x16xf32>,
        %get3A_575 = vector.shape_cast %get3A_574 : vector<1x16xf32> to vector<16xf32>
        %add3A_576 = arith.addf %scan3A_559, %get3A_575 : vector<16xf32>
        %add3A_577 = arith.constant 0 : i32
        %add3A_578 = arith.addi %mul3A_563, %add3A_577 : i32
        %add3A_579 = arith.constant 1 : i32
        %add3A_580 = arith.addi %add3A_578, %add3A_579 : i32
        %get3A_581 = arith.index_cast %add3A_580 : i32 to index
        %get3A_582 = arith.constant 0 : index
        %get3A_583 = tpu.vector_load %arg9[%get3A_581, %get3A_582] {strides = array<i32>} : memref<200x32xf32, #tpu.memory_space<vmem>>, vector<1x16xf32>,
        %get3A_584 = vector.shape_cast %get3A_583 : vector<1x16xf32> to vector<16xf32>
        %add3A_585 = arith.addf %scan3A_560, %get3A_584 : vector<16xf32>
        %add3A_586 = arith.constant 0 : i32
        %add3A_587 = arith.addi %mul3A_563, %add3A_586 : i32
        %add3A_588 = arith.constant 1 : i32
        %add3A_589 = arith.addi %add3A_587, %add3A_588 : i32
        %get3A_590 = arith.index_cast %add3A_589 : i32 to index
        %get3A_591 = arith.constant 16 : index
        %get3A_592 = tpu.vector_load %arg9[%get3A_590, %get3A_591] {strides = array<i32>} : memref<200x32xf32, #tpu.memory_space<vmem>>, vector<1x16xf32>,
        %get3A_593 = vector.shape_cast %get3A_592 : vector<1x16xf32> to vector<16xf32>
        %add3A_594 = arith.addf %scan3A_561, %get3A_593 : vector<16xf32>
        %add3A_595 = arith.constant 2 : i32
        %add3A_596 = arith.addi %mul3A_563, %add3A_595 : i32
        %get3A_597 = arith.index_cast %add3A_596 : i32 to index
        %get3A_598 = arith.constant 0 : index
        %get3A_599 = tpu.vector_load %arg9[%get3A_597, %get3A_598] {strides = array<i32>} : memref<200x32xf32, #tpu.memory_space<vmem>>, vector<1x16xf32>,
        %get3A_600 = vector.shape_cast %get3A_599 : vector<1x16xf32> to vector<16xf32>
        %add3A_601 = arith.addf %add3A_569, %get3A_600 : vector<16xf32>
        %add3A_602 = arith.constant 2 : i32
        %add3A_603 = arith.addi %mul3A_563, %add3A_602 : i32
        %get3A_604 = arith.index_cast %add3A_603 : i32 to index
        %get3A_605 = arith.constant 16 : index
        %get3A_606 = tpu.vector_load %arg9[%get3A_604, %get3A_605] {strides = array<i32>} : memref<200x32xf32, #tpu.memory_space<vmem>>, vector<1x16xf32>,
        %get3A_607 = vector.shape_cast %get3A_606 : vector<1x16xf32> to vector<16xf32>
        %add3A_608 = arith.addf %add3A_576, %get3A_607 : vector<16xf32>
        %add3A_609 = arith.constant 2 : i32
        %add3A_610 = arith.addi %mul3A_563, %add3A_609 : i32
        %add3A_611 = arith.constant 1 : i32
        %add3A_612 = arith.addi %add3A_610, %add3A_611 : i32
        %get3A_613 = arith.index_cast %add3A_612 : i32 to index
        %get3A_614 = arith.constant 0 : index
        %get3A_615 = tpu.vector_load %arg9[%get3A_613, %get3A_614] {strides = array<i32>} : memref<200x32xf32, #tpu.memory_space<vmem>>, vector<1x16xf32>,
        %get3A_616 = vector.shape_cast %get3A_615 : vector<1x16xf32> to vector<16xf32>
        %add3A_617 = arith.addf %add3A_585, %get3A_616 : vector<16xf32>
        %add3A_618 = arith.constant 2 : i32
        %add3A_619 = arith.addi %mul3A_563, %add3A_618 : i32
        %add3A_620 = arith.constant 1 : i32
        %add3A_621 = arith.addi %add3A_619, %add3A_620 : i32
        %get3A_622 = arith.index_cast %add3A_621 : i32 to index
        %get3A_623 = arith.constant 16 : index
        %get3A_624 = tpu.vector_load %arg9[%get3A_622, %get3A_623] {strides = array<i32>} : memref<200x32xf32, #tpu.memory_space<vmem>>, vector<1x16xf32>,
        %get3A_625 = vector.shape_cast %get3A_624 : vector<1x16xf32> to vector<16xf32>
        %add3A_626 = arith.addf %add3A_594, %get3A_625 : vector<16xf32>
        %add3A_627 = arith.constant 4 : i32
        %add3A_628 = arith.addi %mul3A_563, %add3A_627 : i32
        %get3A_629 = arith.index_cast %add3A_628 : i32 to index
        %get3A_630 = arith.constant 0 : index
        %get3A_631 = tpu.vector_load %arg9[%get3A_629, %get3A_630] {strides = array<i32>} : memref<200x32xf32, #tpu.memory_space<vmem>>, vector<1x16xf32>,
        %get3A_632 = vector.shape_cast %get3A_631 : vector<1x16xf32> to vector<16xf32>
        %add3A_633 = arith.addf %add3A_601, %get3A_632 : vector<16xf32>
        %add3A_634 = arith.constant 4 : i32
        %add3A_635 = arith.addi %mul3A_563, %add3A_634 : i32
        %get3A_636 = arith.index_cast %add3A_635 : i32 to index
        %get3A_637 = arith.constant 16 : index
        %get3A_638 = tpu.vector_load %arg9[%get3A_636, %get3A_637] {strides = array<i32>} : memref<200x32xf32, #tpu.memory_space<vmem>>, vector<1x16xf32>,
        %get3A_639 = vector.shape_cast %get3A_638 : vector<1x16xf32> to vector<16xf32>
        %add3A_640 = arith.addf %add3A_608, %get3A_639 : vector<16xf32>
        %add3A_641 = arith.constant 4 : i32
        %add3A_642 = arith.addi %mul3A_563, %add3A_641 : i32
        %add3A_643 = arith.constant 1 : i32
        %add3A_644 = arith.addi %add3A_642, %add3A_643 : i32
        %get3A_645 = arith.index_cast %add3A_644 : i32 to index
        %get3A_646 = arith.constant 0 : index
        %get3A_647 = tpu.vector_load %arg9[%get3A_645, %get3A_646] {strides = array<i32>} : memref<200x32xf32, #tpu.memory_space<vmem>>, vector<1x16xf32>,
        %get3A_648 = vector.shape_cast %get3A_647 : vector<1x16xf32> to vector<16xf32>
        %add3A_649 = arith.addf %add3A_617, %get3A_648 : vector<16xf32>
        %add3A_650 = arith.constant 4 : i32
        %add3A_651 = arith.addi %mul3A_563, %add3A_650 : i32
        %add3A_652 = arith.constant 1 : i32
        %add3A_653 = arith.addi %add3A_651, %add3A_652 : i32
        %get3A_654 = arith.index_cast %add3A_653 : i32 to index
        %get3A_655 = arith.constant 16 : index
        %get3A_656 = tpu.vector_load %arg9[%get3A_654, %get3A_655] {strides = array<i32>} : memref<200x32xf32, #tpu.memory_space<vmem>>, vector<1x16xf32>,
        %get3A_657 = vector.shape_cast %get3A_656 : vector<1x16xf32> to vector<16xf32>
        %add3A_658 = arith.addf %add3A_626, %get3A_657 : vector<16xf32>
        %add3A_659 = arith.constant 6 : i32
        %add3A_660 = arith.addi %mul3A_563, %add3A_659 : i32
        %get3A_661 = arith.index_cast %add3A_660 : i32 to index
        %get3A_662 = arith.constant 0 : index
        %get3A_663 = tpu.vector_load %arg9[%get3A_661, %get3A_662] {strides = array<i32>} : memref<200x32xf32, #tpu.memory_space<vmem>>, vector<1x16xf32>,
        %get3A_664 = vector.shape_cast %get3A_663 : vector<1x16xf32> to vector<16xf32>
        %add3A_665 = arith.addf %add3A_633, %get3A_664 : vector<16xf32>
        %add3A_666 = arith.constant 6 : i32
        %add3A_667 = arith.addi %mul3A_563, %add3A_666 : i32
        %get3A_668 = arith.index_cast %add3A_667 : i32 to index
        %get3A_669 = arith.constant 16 : index
        %get3A_670 = tpu.vector_load %arg9[%get3A_668, %get3A_669] {strides = array<i32>} : memref<200x32xf32, #tpu.memory_space<vmem>>, vector<1x16xf32>,
        %get3A_671 = vector.shape_cast %get3A_670 : vector<1x16xf32> to vector<16xf32>
        %add3A_672 = arith.addf %add3A_640, %get3A_671 : vector<16xf32>
        %add3A_673 = arith.constant 6 : i32
        %add3A_674 = arith.addi %mul3A_563, %add3A_673 : i32
        %add3A_675 = arith.constant 1 : i32
        %add3A_676 = arith.addi %add3A_674, %add3A_675 : i32
        %get3A_677 = arith.index_cast %add3A_676 : i32 to index
        %get3A_678 = arith.constant 0 : index
        %get3A_679 = tpu.vector_load %arg9[%get3A_677, %get3A_678] {strides = array<i32>} : memref<200x32xf32, #tpu.memory_space<vmem>>, vector<1x16xf32>,
        %get3A_680 = vector.shape_cast %get3A_679 : vector<1x16xf32> to vector<16xf32>
        %add3A_681 = arith.addf %add3A_649, %get3A_680 : vector<16xf32>
        %add3A_682 = arith.constant 6 : i32
        %add3A_683 = arith.addi %mul3A_563, %add3A_682 : i32
        %add3A_684 = arith.constant 1 : i32
        %add3A_685 = arith.addi %add3A_683, %add3A_684 : i32
        %get3A_686 = arith.index_cast %add3A_685 : i32 to index
        %get3A_687 = arith.constant 16 : index
        %get3A_688 = tpu.vector_load %arg9[%get3A_686, %get3A_687] {strides = array<i32>} : memref<200x32xf32, #tpu.memory_space<vmem>>, vector<1x16xf32>,
        %get3A_689 = vector.shape_cast %get3A_688 : vector<1x16xf32> to vector<16xf32>
        %add3A_690 = arith.addf %add3A_658, %get3A_689 : vector<16xf32>
        scf.yield %add3A_665, %add3A_672, %add3A_681, %add3A_690 : vector<16xf32>, vector<16xf32>, vector<16xf32>, vector<16xf32>
      }
      %scan3A_332 = arith.constant 25 : i32
      %add3A_333 = arith.addf %scan3A_331#0, %scan3A_331#2 : vector<16xf32>
      %add3A_334 = arith.addf %scan3A_331#1, %scan3A_331#3 : vector<16xf32>
      %add3A_335 = arith.constant 8 : i32
      %add3A_336 = arith.addi %add3A_304, %add3A_335 : i32
      %lt3A_337 = arith.constant 128 : i32
      %lt3A_338 = arith.cmpi slt, %add3A_336, %lt3A_337 : i32
      %convert_element_type3A_339 = arith.extui %lt3A_338 : i1 to i32
      %cond3A_340 = arith.constant 0 : i32
      %cond3A_341 = arith.cmpi ne, %convert_element_type3A_339, %cond3A_340 : i32
      scf.if %cond3A_341 {
        %add3A_557 = arith.constant 1600 : i32
        %add3A_558 = arith.addi %mul3A_306, %add3A_557 : i32
        %add3A_559 = arith.constant 0 : i32
        %add3A_560 = arith.addi %add3A_558, %add3A_559 : i32
        %dma_start3A_561 = arith.constant 0 : i32
        %dma_start3A_562 = arith.constant 0 : i32
        %dma_start3A_563 = tpu.memref_slice %arg9[%dma_start3A_561, %dma_start3A_562] : memref<200x32xf32, #tpu.memory_space<vmem>> -> memref<128x32xf32, #tpu.memory_space<vmem>>
        %dma_start3A_564 = tpu.memref_slice %arg5[%add3A_560] : memref<25600xi32, #tpu.memory_space<vmem>> -> memref<128xi32, #tpu.memory_space<vmem>>
        %dma_start3A_565 = arith.constant 0 : i32
        %dma_start3A_566 = arith.constant 0 : i32
        %dma_start3A_567 = tpu.memref_slice %arg3[%dma_start3A_565, %dma_start3A_566] : memref<1024000x32xf32, #tpu.memory_space<hbm>> -> memref<1024000x32xf32, #tpu.memory_space<hbm>>
        tpu.enqueue_indirect_dma source(%dma_start3A_567 : memref<1024000x32xf32, #tpu.memory_space<hbm>>) target(%dma_start3A_563 : memref<128x32xf32, #tpu.memory_space<vmem>>) offsets(%dma_start3A_564 : memref<128xi32, #tpu.memory_space<vmem>>) semaphore(%arg18 : memref<!tpu.dma_semaphore, #tpu.memory_space<semaphore_mem>>)
        %add3A_568 = arith.constant 128 : i32
        %add3A_569 = arith.addi %add3A_558, %add3A_568 : i32
        %dma_start3A_570 = arith.constant 128 : i32
        %dma_start3A_571 = arith.constant 0 : i32
        %dma_start3A_572 = tpu.memref_slice %arg9[%dma_start3A_570, %dma_start3A_571] : memref<200x32xf32, #tpu.memory_space<vmem>> -> memref<72x32xf32, #tpu.memory_space<vmem>>
        %dma_start3A_573 = tpu.memref_slice %arg5[%add3A_569] : memref<25600xi32, #tpu.memory_space<vmem>> -> memref<72xi32, #tpu.memory_space<vmem>>
        %dma_start3A_574 = arith.constant 0 : i32
        %dma_start3A_575 = arith.constant 0 : i32
        %dma_start3A_576 = tpu.memref_slice %arg3[%dma_start3A_574, %dma_start3A_575] : memref<1024000x32xf32, #tpu.memory_space<hbm>> -> memref<1024000x32xf32, #tpu.memory_space<hbm>>
        tpu.enqueue_indirect_dma source(%dma_start3A_576 : memref<1024000x32xf32, #tpu.memory_space<hbm>>) target(%dma_start3A_572 : memref<72x32xf32, #tpu.memory_space<vmem>>) offsets(%dma_start3A_573 : memref<72xi32, #tpu.memory_space<vmem>>) semaphore(%arg18 : memref<!tpu.dma_semaphore, #tpu.memory_space<semaphore_mem>>)
      } else {
      }
      %swap3A_342 = arith.index_cast %add3A_304 : i32 to index
      %swap3A_343 = arith.constant 0 : index
      %swap3A_344 = tpu.vector_load %arg14[%swap3A_342, %swap3A_343] {strides = array<i32>} : memref<128x32xf32, #tpu.memory_space<vmem>>, vector<1x16xf32>,
      %swap3A_345 = vector.shape_cast %swap3A_344 : vector<1x16xf32> to vector<16xf32>
      %swap3A_346 = vector.shape_cast %add3A_333 : vector<16xf32> to vector<1x16xf32>
      tpu.vector_store %arg14[%swap3A_342, %swap3A_343], %swap3A_346 {strides = array<i32>} : memref<128x32xf32, #tpu.memory_space<vmem>>, vector<1x16xf32>,
      %swap3A_347 = arith.index_cast %add3A_304 : i32 to index
      %swap3A_348 = arith.constant 16 : index
      %swap3A_349 = tpu.vector_load %arg14[%swap3A_347, %swap3A_348] {strides = array<i32>} : memref<128x32xf32, #tpu.memory_space<vmem>>, vector<1x16xf32>,
      %swap3A_350 = vector.shape_cast %swap3A_349 : vector<1x16xf32> to vector<16xf32>
      %swap3A_351 = vector.shape_cast %add3A_334 : vector<16xf32> to vector<1x16xf32>
      tpu.vector_store %arg14[%swap3A_347, %swap3A_348], %swap3A_351 {strides = array<i32>} : memref<128x32xf32, #tpu.memory_space<vmem>>, vector<1x16xf32>,
      %mul3A_352 = arith.constant 8 : i32
      %mul3A_353 = arith.muli %scan3A_145, %mul3A_352 : i32
      %add3A_354 = arith.constant 4 : i32
      %add3A_355 = arith.addi %mul3A_353, %add3A_354 : i32
      %mul3A_356 = arith.constant 200 : i32
      %mul3A_357 = arith.muli %add3A_355, %mul3A_356 : i32
      %add3A_358 = arith.constant 0 : i32
      %add3A_359 = arith.addi %mul3A_357, %add3A_358 : i32
      %dma_wait3A_360 = arith.constant 0 : i32
      %dma_wait3A_361 = arith.constant 0 : i32
      %dma_wait3A_362 = tpu.memref_slice %arg10[%dma_wait3A_360, %dma_wait3A_361] : memref<200x32xf32, #tpu.memory_space<vmem>> -> memref<128x32xf32, #tpu.memory_space<vmem>>
      %dma_wait3A_363 = tpu.memref_slice %arg5[%add3A_359] : memref<25600xi32, #tpu.memory_space<vmem>> -> memref<128xi32, #tpu.memory_space<vmem>>
      %dma_wait3A_364 = arith.constant 0 : i32
      %dma_wait3A_365 = arith.constant 0 : i32
      %dma_wait3A_366 = tpu.memref_slice %arg3[%dma_wait3A_364, %dma_wait3A_365] : memref<1024000x32xf32, #tpu.memory_space<hbm>> -> memref<1024000x32xf32, #tpu.memory_space<hbm>>
      tpu.wait_indirect_dma semaphore(%arg19 : memref<!tpu.dma_semaphore, #tpu.memory_space<semaphore_mem>>) src(%dma_wait3A_366 : memref<1024000x32xf32, #tpu.memory_space<hbm>>) dst(%dma_wait3A_362 : memref<128x32xf32, #tpu.memory_space<vmem>>)
      %add3A_367 = arith.constant 128 : i32
      %add3A_368 = arith.addi %mul3A_357, %add3A_367 : i32
      %dma_wait3A_369 = arith.constant 128 : i32
      %dma_wait3A_370 = arith.constant 0 : i32
      %dma_wait3A_371 = tpu.memref_slice %arg10[%dma_wait3A_369, %dma_wait3A_370] : memref<200x32xf32, #tpu.memory_space<vmem>> -> memref<72x32xf32, #tpu.memory_space<vmem>>
      %dma_wait3A_372 = tpu.memref_slice %arg5[%add3A_368] : memref<25600xi32, #tpu.memory_space<vmem>> -> memref<72xi32, #tpu.memory_space<vmem>>
      %dma_wait3A_373 = arith.constant 0 : i32
      %dma_wait3A_374 = arith.constant 0 : i32
      %dma_wait3A_375 = tpu.memref_slice %arg3[%dma_wait3A_373, %dma_wait3A_374] : memref<1024000x32xf32, #tpu.memory_space<hbm>> -> memref<1024000x32xf32, #tpu.memory_space<hbm>>
      tpu.wait_indirect_dma semaphore(%arg19 : memref<!tpu.dma_semaphore, #tpu.memory_space<semaphore_mem>>) src(%dma_wait3A_375 : memref<1024000x32xf32, #tpu.memory_space<hbm>>) dst(%dma_wait3A_371 : memref<72x32xf32, #tpu.memory_space<vmem>>)
      %broadcast_in_dim3A_376 = arith.constant 0.000000e+00 : f32
      %broadcast_in_dim3A_377 = vector.broadcast %broadcast_in_dim3A_376 : f32 to vector<16xf32>
      %scan3A_378 = arith.constant 0 : i32
      %scan3A_379 = arith.constant 25 : i32
      %scan3A_380 = arith.addi %scan3A_378, %scan3A_379 : i32
      %scan3A_381 = arith.constant 1 : i32
      %scan3A_382:4 = scf.for %scan3A_557 = %scan3A_378 to %scan3A_380 step %scan3A_381 iter_args(%scan3A_558 = %broadcast_in_dim3A_377, %scan3A_559 = %broadcast_in_dim3A_377, %scan3A_560 = %broadcast_in_dim3A_377, %scan3A_561 = %broadcast_in_dim3A_377) -> (vector<16xf32>, vector<16xf32>, vector<16xf32>, vector<16xf32>)  : i32 {
        %mul3A_562 = arith.constant 8 : i32
        %mul3A_563 = arith.muli %scan3A_557, %mul3A_562 : i32
        %add3A_564 = arith.constant 0 : i32
        %add3A_565 = arith.addi %mul3A_563, %add3A_564 : i32
        %get3A = arith.index_cast %add3A_565 : i32 to index
        %get3A_566 = arith.constant 0 : index
        %get3A_567 = tpu.vector_load %arg10[%get3A, %get3A_566] {strides = array<i32>} : memref<200x32xf32, #tpu.memory_space<vmem>>, vector<1x16xf32>,
        %get3A_568 = vector.shape_cast %get3A_567 : vector<1x16xf32> to vector<16xf32>
        %add3A_569 = arith.addf %scan3A_558, %get3A_568 : vector<16xf32>
        %add3A_570 = arith.constant 0 : i32
        %add3A_571 = arith.addi %mul3A_563, %add3A_570 : i32
        %get3A_572 = arith.index_cast %add3A_571 : i32 to index
        %get3A_573 = arith.constant 16 : index
        %get3A_574 = tpu.vector_load %arg10[%get3A_572, %get3A_573] {strides = array<i32>} : memref<200x32xf32, #tpu.memory_space<vmem>>, vector<1x16xf32>,
        %get3A_575 = vector.shape_cast %get3A_574 : vector<1x16xf32> to vector<16xf32>
        %add3A_576 = arith.addf %scan3A_559, %get3A_575 : vector<16xf32>
        %add3A_577 = arith.constant 0 : i32
        %add3A_578 = arith.addi %mul3A_563, %add3A_577 : i32
        %add3A_579 = arith.constant 1 : i32
        %add3A_580 = arith.addi %add3A_578, %add3A_579 : i32
        %get3A_581 = arith.index_cast %add3A_580 : i32 to index
        %get3A_582 = arith.constant 0 : index
        %get3A_583 = tpu.vector_load %arg10[%get3A_581, %get3A_582] {strides = array<i32>} : memref<200x32xf32, #tpu.memory_space<vmem>>, vector<1x16xf32>,
        %get3A_584 = vector.shape_cast %get3A_583 : vector<1x16xf32> to vector<16xf32>
        %add3A_585 = arith.addf %scan3A_560, %get3A_584 : vector<16xf32>
        %add3A_586 = arith.constant 0 : i32
        %add3A_587 = arith.addi %mul3A_563, %add3A_586 : i32
        %add3A_588 = arith.constant 1 : i32
        %add3A_589 = arith.addi %add3A_587, %add3A_588 : i32
        %get3A_590 = arith.index_cast %add3A_589 : i32 to index
        %get3A_591 = arith.constant 16 : index
        %get3A_592 = tpu.vector_load %arg10[%get3A_590, %get3A_591] {strides = array<i32>} : memref<200x32xf32, #tpu.memory_space<vmem>>, vector<1x16xf32>,
        %get3A_593 = vector.shape_cast %get3A_592 : vector<1x16xf32> to vector<16xf32>
        %add3A_594 = arith.addf %scan3A_561, %get3A_593 : vector<16xf32>
        %add3A_595 = arith.constant 2 : i32
        %add3A_596 = arith.addi %mul3A_563, %add3A_595 : i32
        %get3A_597 = arith.index_cast %add3A_596 : i32 to index
        %get3A_598 = arith.constant 0 : index
        %get3A_599 = tpu.vector_load %arg10[%get3A_597, %get3A_598] {strides = array<i32>} : memref<200x32xf32, #tpu.memory_space<vmem>>, vector<1x16xf32>,
        %get3A_600 = vector.shape_cast %get3A_599 : vector<1x16xf32> to vector<16xf32>
        %add3A_601 = arith.addf %add3A_569, %get3A_600 : vector<16xf32>
        %add3A_602 = arith.constant 2 : i32
        %add3A_603 = arith.addi %mul3A_563, %add3A_602 : i32
        %get3A_604 = arith.index_cast %add3A_603 : i32 to index
        %get3A_605 = arith.constant 16 : index
        %get3A_606 = tpu.vector_load %arg10[%get3A_604, %get3A_605] {strides = array<i32>} : memref<200x32xf32, #tpu.memory_space<vmem>>, vector<1x16xf32>,
        %get3A_607 = vector.shape_cast %get3A_606 : vector<1x16xf32> to vector<16xf32>
        %add3A_608 = arith.addf %add3A_576, %get3A_607 : vector<16xf32>
        %add3A_609 = arith.constant 2 : i32
        %add3A_610 = arith.addi %mul3A_563, %add3A_609 : i32
        %add3A_611 = arith.constant 1 : i32
        %add3A_612 = arith.addi %add3A_610, %add3A_611 : i32
        %get3A_613 = arith.index_cast %add3A_612 : i32 to index
        %get3A_614 = arith.constant 0 : index
        %get3A_615 = tpu.vector_load %arg10[%get3A_613, %get3A_614] {strides = array<i32>} : memref<200x32xf32, #tpu.memory_space<vmem>>, vector<1x16xf32>,
        %get3A_616 = vector.shape_cast %get3A_615 : vector<1x16xf32> to vector<16xf32>
        %add3A_617 = arith.addf %add3A_585, %get3A_616 : vector<16xf32>
        %add3A_618 = arith.constant 2 : i32
        %add3A_619 = arith.addi %mul3A_563, %add3A_618 : i32
        %add3A_620 = arith.constant 1 : i32
        %add3A_621 = arith.addi %add3A_619, %add3A_620 : i32
        %get3A_622 = arith.index_cast %add3A_621 : i32 to index
        %get3A_623 = arith.constant 16 : index
        %get3A_624 = tpu.vector_load %arg10[%get3A_622, %get3A_623] {strides = array<i32>} : memref<200x32xf32, #tpu.memory_space<vmem>>, vector<1x16xf32>,
        %get3A_625 = vector.shape_cast %get3A_624 : vector<1x16xf32> to vector<16xf32>
        %add3A_626 = arith.addf %add3A_594, %get3A_625 : vector<16xf32>
        %add3A_627 = arith.constant 4 : i32
        %add3A_628 = arith.addi %mul3A_563, %add3A_627 : i32
        %get3A_629 = arith.index_cast %add3A_628 : i32 to index
        %get3A_630 = arith.constant 0 : index
        %get3A_631 = tpu.vector_load %arg10[%get3A_629, %get3A_630] {strides = array<i32>} : memref<200x32xf32, #tpu.memory_space<vmem>>, vector<1x16xf32>,
        %get3A_632 = vector.shape_cast %get3A_631 : vector<1x16xf32> to vector<16xf32>
        %add3A_633 = arith.addf %add3A_601, %get3A_632 : vector<16xf32>
        %add3A_634 = arith.constant 4 : i32
        %add3A_635 = arith.addi %mul3A_563, %add3A_634 : i32
        %get3A_636 = arith.index_cast %add3A_635 : i32 to index
        %get3A_637 = arith.constant 16 : index
        %get3A_638 = tpu.vector_load %arg10[%get3A_636, %get3A_637] {strides = array<i32>} : memref<200x32xf32, #tpu.memory_space<vmem>>, vector<1x16xf32>,
        %get3A_639 = vector.shape_cast %get3A_638 : vector<1x16xf32> to vector<16xf32>
        %add3A_640 = arith.addf %add3A_608, %get3A_639 : vector<16xf32>
        %add3A_641 = arith.constant 4 : i32
        %add3A_642 = arith.addi %mul3A_563, %add3A_641 : i32
        %add3A_643 = arith.constant 1 : i32
        %add3A_644 = arith.addi %add3A_642, %add3A_643 : i32
        %get3A_645 = arith.index_cast %add3A_644 : i32 to index
        %get3A_646 = arith.constant 0 : index
        %get3A_647 = tpu.vector_load %arg10[%get3A_645, %get3A_646] {strides = array<i32>} : memref<200x32xf32, #tpu.memory_space<vmem>>, vector<1x16xf32>,
        %get3A_648 = vector.shape_cast %get3A_647 : vector<1x16xf32> to vector<16xf32>
        %add3A_649 = arith.addf %add3A_617, %get3A_648 : vector<16xf32>
        %add3A_650 = arith.constant 4 : i32
        %add3A_651 = arith.addi %mul3A_563, %add3A_650 : i32
        %add3A_652 = arith.constant 1 : i32
        %add3A_653 = arith.addi %add3A_651, %add3A_652 : i32
        %get3A_654 = arith.index_cast %add3A_653 : i32 to index
        %get3A_655 = arith.constant 16 : index
        %get3A_656 = tpu.vector_load %arg10[%get3A_654, %get3A_655] {strides = array<i32>} : memref<200x32xf32, #tpu.memory_space<vmem>>, vector<1x16xf32>,
        %get3A_657 = vector.shape_cast %get3A_656 : vector<1x16xf32> to vector<16xf32>
        %add3A_658 = arith.addf %add3A_626, %get3A_657 : vector<16xf32>
        %add3A_659 = arith.constant 6 : i32
        %add3A_660 = arith.addi %mul3A_563, %add3A_659 : i32
        %get3A_661 = arith.index_cast %add3A_660 : i32 to index
        %get3A_662 = arith.constant 0 : index
        %get3A_663 = tpu.vector_load %arg10[%get3A_661, %get3A_662] {strides = array<i32>} : memref<200x32xf32, #tpu.memory_space<vmem>>, vector<1x16xf32>,
        %get3A_664 = vector.shape_cast %get3A_663 : vector<1x16xf32> to vector<16xf32>
        %add3A_665 = arith.addf %add3A_633, %get3A_664 : vector<16xf32>
        %add3A_666 = arith.constant 6 : i32
        %add3A_667 = arith.addi %mul3A_563, %add3A_666 : i32
        %get3A_668 = arith.index_cast %add3A_667 : i32 to index
        %get3A_669 = arith.constant 16 : index
        %get3A_670 = tpu.vector_load %arg10[%get3A_668, %get3A_669] {strides = array<i32>} : memref<200x32xf32, #tpu.memory_space<vmem>>, vector<1x16xf32>,
        %get3A_671 = vector.shape_cast %get3A_670 : vector<1x16xf32> to vector<16xf32>
        %add3A_672 = arith.addf %add3A_640, %get3A_671 : vector<16xf32>
        %add3A_673 = arith.constant 6 : i32
        %add3A_674 = arith.addi %mul3A_563, %add3A_673 : i32
        %add3A_675 = arith.constant 1 : i32
        %add3A_676 = arith.addi %add3A_674, %add3A_675 : i32
        %get3A_677 = arith.index_cast %add3A_676 : i32 to index
        %get3A_678 = arith.constant 0 : index
        %get3A_679 = tpu.vector_load %arg10[%get3A_677, %get3A_678] {strides = array<i32>} : memref<200x32xf32, #tpu.memory_space<vmem>>, vector<1x16xf32>,
        %get3A_680 = vector.shape_cast %get3A_679 : vector<1x16xf32> to vector<16xf32>
        %add3A_681 = arith.addf %add3A_649, %get3A_680 : vector<16xf32>
        %add3A_682 = arith.constant 6 : i32
        %add3A_683 = arith.addi %mul3A_563, %add3A_682 : i32
        %add3A_684 = arith.constant 1 : i32
        %add3A_685 = arith.addi %add3A_683, %add3A_684 : i32
        %get3A_686 = arith.index_cast %add3A_685 : i32 to index
        %get3A_687 = arith.constant 16 : index
        %get3A_688 = tpu.vector_load %arg10[%get3A_686, %get3A_687] {strides = array<i32>} : memref<200x32xf32, #tpu.memory_space<vmem>>, vector<1x16xf32>,
        %get3A_689 = vector.shape_cast %get3A_688 : vector<1x16xf32> to vector<16xf32>
        %add3A_690 = arith.addf %add3A_658, %get3A_689 : vector<16xf32>
        scf.yield %add3A_665, %add3A_672, %add3A_681, %add3A_690 : vector<16xf32>, vector<16xf32>, vector<16xf32>, vector<16xf32>
      }
      %scan3A_383 = arith.constant 25 : i32
      %add3A_384 = arith.addf %scan3A_382#0, %scan3A_382#2 : vector<16xf32>
      %add3A_385 = arith.addf %scan3A_382#1, %scan3A_382#3 : vector<16xf32>
      %add3A_386 = arith.constant 8 : i32
      %add3A_387 = arith.addi %add3A_355, %add3A_386 : i32
      %lt3A_388 = arith.constant 128 : i32
      %lt3A_389 = arith.cmpi slt, %add3A_387, %lt3A_388 : i32
      %convert_element_type3A_390 = arith.extui %lt3A_389 : i1 to i32
      %cond3A_391 = arith.constant 0 : i32
      %cond3A_392 = arith.cmpi ne, %convert_element_type3A_390, %cond3A_391 : i32
      scf.if %cond3A_392 {
        %add3A_557 = arith.constant 1600 : i32
        %add3A_558 = arith.addi %mul3A_357, %add3A_557 : i32
        %add3A_559 = arith.constant 0 : i32
        %add3A_560 = arith.addi %add3A_558, %add3A_559 : i32
        %dma_start3A_561 = arith.constant 0 : i32
        %dma_start3A_562 = arith.constant 0 : i32
        %dma_start3A_563 = tpu.memref_slice %arg10[%dma_start3A_561, %dma_start3A_562] : memref<200x32xf32, #tpu.memory_space<vmem>> -> memref<128x32xf32, #tpu.memory_space<vmem>>
        %dma_start3A_564 = tpu.memref_slice %arg5[%add3A_560] : memref<25600xi32, #tpu.memory_space<vmem>> -> memref<128xi32, #tpu.memory_space<vmem>>
        %dma_start3A_565 = arith.constant 0 : i32
        %dma_start3A_566 = arith.constant 0 : i32
        %dma_start3A_567 = tpu.memref_slice %arg3[%dma_start3A_565, %dma_start3A_566] : memref<1024000x32xf32, #tpu.memory_space<hbm>> -> memref<1024000x32xf32, #tpu.memory_space<hbm>>
        tpu.enqueue_indirect_dma source(%dma_start3A_567 : memref<1024000x32xf32, #tpu.memory_space<hbm>>) target(%dma_start3A_563 : memref<128x32xf32, #tpu.memory_space<vmem>>) offsets(%dma_start3A_564 : memref<128xi32, #tpu.memory_space<vmem>>) semaphore(%arg19 : memref<!tpu.dma_semaphore, #tpu.memory_space<semaphore_mem>>)
        %add3A_568 = arith.constant 128 : i32
        %add3A_569 = arith.addi %add3A_558, %add3A_568 : i32
        %dma_start3A_570 = arith.constant 128 : i32
        %dma_start3A_571 = arith.constant 0 : i32
        %dma_start3A_572 = tpu.memref_slice %arg10[%dma_start3A_570, %dma_start3A_571] : memref<200x32xf32, #tpu.memory_space<vmem>> -> memref<72x32xf32, #tpu.memory_space<vmem>>
        %dma_start3A_573 = tpu.memref_slice %arg5[%add3A_569] : memref<25600xi32, #tpu.memory_space<vmem>> -> memref<72xi32, #tpu.memory_space<vmem>>
        %dma_start3A_574 = arith.constant 0 : i32
        %dma_start3A_575 = arith.constant 0 : i32
        %dma_start3A_576 = tpu.memref_slice %arg3[%dma_start3A_574, %dma_start3A_575] : memref<1024000x32xf32, #tpu.memory_space<hbm>> -> memref<1024000x32xf32, #tpu.memory_space<hbm>>
        tpu.enqueue_indirect_dma source(%dma_start3A_576 : memref<1024000x32xf32, #tpu.memory_space<hbm>>) target(%dma_start3A_572 : memref<72x32xf32, #tpu.memory_space<vmem>>) offsets(%dma_start3A_573 : memref<72xi32, #tpu.memory_space<vmem>>) semaphore(%arg19 : memref<!tpu.dma_semaphore, #tpu.memory_space<semaphore_mem>>)
      } else {
      }
      %swap3A_393 = arith.index_cast %add3A_355 : i32 to index
      %swap3A_394 = arith.constant 0 : index
      %swap3A_395 = tpu.vector_load %arg14[%swap3A_393, %swap3A_394] {strides = array<i32>} : memref<128x32xf32, #tpu.memory_space<vmem>>, vector<1x16xf32>,
      %swap3A_396 = vector.shape_cast %swap3A_395 : vector<1x16xf32> to vector<16xf32>
      %swap3A_397 = vector.shape_cast %add3A_384 : vector<16xf32> to vector<1x16xf32>
      tpu.vector_store %arg14[%swap3A_393, %swap3A_394], %swap3A_397 {strides = array<i32>} : memref<128x32xf32, #tpu.memory_space<vmem>>, vector<1x16xf32>,
      %swap3A_398 = arith.index_cast %add3A_355 : i32 to index
      %swap3A_399 = arith.constant 16 : index
      %swap3A_400 = tpu.vector_load %arg14[%swap3A_398, %swap3A_399] {strides = array<i32>} : memref<128x32xf32, #tpu.memory_space<vmem>>, vector<1x16xf32>,
      %swap3A_401 = vector.shape_cast %swap3A_400 : vector<1x16xf32> to vector<16xf32>
      %swap3A_402 = vector.shape_cast %add3A_385 : vector<16xf32> to vector<1x16xf32>
      tpu.vector_store %arg14[%swap3A_398, %swap3A_399], %swap3A_402 {strides = array<i32>} : memref<128x32xf32, #tpu.memory_space<vmem>>, vector<1x16xf32>,
      %mul3A_403 = arith.constant 8 : i32
      %mul3A_404 = arith.muli %scan3A_145, %mul3A_403 : i32
      %add3A_405 = arith.constant 5 : i32
      %add3A_406 = arith.addi %mul3A_404, %add3A_405 : i32
      %mul3A_407 = arith.constant 200 : i32
      %mul3A_408 = arith.muli %add3A_406, %mul3A_407 : i32
      %add3A_409 = arith.constant 0 : i32
      %add3A_410 = arith.addi %mul3A_408, %add3A_409 : i32
      %dma_wait3A_411 = arith.constant 0 : i32
      %dma_wait3A_412 = arith.constant 0 : i32
      %dma_wait3A_413 = tpu.memref_slice %arg11[%dma_wait3A_411, %dma_wait3A_412] : memref<200x32xf32, #tpu.memory_space<vmem>> -> memref<128x32xf32, #tpu.memory_space<vmem>>
      %dma_wait3A_414 = tpu.memref_slice %arg5[%add3A_410] : memref<25600xi32, #tpu.memory_space<vmem>> -> memref<128xi32, #tpu.memory_space<vmem>>
      %dma_wait3A_415 = arith.constant 0 : i32
      %dma_wait3A_416 = arith.constant 0 : i32
      %dma_wait3A_417 = tpu.memref_slice %arg3[%dma_wait3A_415, %dma_wait3A_416] : memref<1024000x32xf32, #tpu.memory_space<hbm>> -> memref<1024000x32xf32, #tpu.memory_space<hbm>>
      tpu.wait_indirect_dma semaphore(%arg20 : memref<!tpu.dma_semaphore, #tpu.memory_space<semaphore_mem>>) src(%dma_wait3A_417 : memref<1024000x32xf32, #tpu.memory_space<hbm>>) dst(%dma_wait3A_413 : memref<128x32xf32, #tpu.memory_space<vmem>>)
      %add3A_418 = arith.constant 128 : i32
      %add3A_419 = arith.addi %mul3A_408, %add3A_418 : i32
      %dma_wait3A_420 = arith.constant 128 : i32
      %dma_wait3A_421 = arith.constant 0 : i32
      %dma_wait3A_422 = tpu.memref_slice %arg11[%dma_wait3A_420, %dma_wait3A_421] : memref<200x32xf32, #tpu.memory_space<vmem>> -> memref<72x32xf32, #tpu.memory_space<vmem>>
      %dma_wait3A_423 = tpu.memref_slice %arg5[%add3A_419] : memref<25600xi32, #tpu.memory_space<vmem>> -> memref<72xi32, #tpu.memory_space<vmem>>
      %dma_wait3A_424 = arith.constant 0 : i32
      %dma_wait3A_425 = arith.constant 0 : i32
      %dma_wait3A_426 = tpu.memref_slice %arg3[%dma_wait3A_424, %dma_wait3A_425] : memref<1024000x32xf32, #tpu.memory_space<hbm>> -> memref<1024000x32xf32, #tpu.memory_space<hbm>>
      tpu.wait_indirect_dma semaphore(%arg20 : memref<!tpu.dma_semaphore, #tpu.memory_space<semaphore_mem>>) src(%dma_wait3A_426 : memref<1024000x32xf32, #tpu.memory_space<hbm>>) dst(%dma_wait3A_422 : memref<72x32xf32, #tpu.memory_space<vmem>>)
      %broadcast_in_dim3A_427 = arith.constant 0.000000e+00 : f32
      %broadcast_in_dim3A_428 = vector.broadcast %broadcast_in_dim3A_427 : f32 to vector<16xf32>
      %scan3A_429 = arith.constant 0 : i32
      %scan3A_430 = arith.constant 25 : i32
      %scan3A_431 = arith.addi %scan3A_429, %scan3A_430 : i32
      %scan3A_432 = arith.constant 1 : i32
      %scan3A_433:4 = scf.for %scan3A_557 = %scan3A_429 to %scan3A_431 step %scan3A_432 iter_args(%scan3A_558 = %broadcast_in_dim3A_428, %scan3A_559 = %broadcast_in_dim3A_428, %scan3A_560 = %broadcast_in_dim3A_428, %scan3A_561 = %broadcast_in_dim3A_428) -> (vector<16xf32>, vector<16xf32>, vector<16xf32>, vector<16xf32>)  : i32 {
        %mul3A_562 = arith.constant 8 : i32
        %mul3A_563 = arith.muli %scan3A_557, %mul3A_562 : i32
        %add3A_564 = arith.constant 0 : i32
        %add3A_565 = arith.addi %mul3A_563, %add3A_564 : i32
        %get3A = arith.index_cast %add3A_565 : i32 to index
        %get3A_566 = arith.constant 0 : index
        %get3A_567 = tpu.vector_load %arg11[%get3A, %get3A_566] {strides = array<i32>} : memref<200x32xf32, #tpu.memory_space<vmem>>, vector<1x16xf32>,
        %get3A_568 = vector.shape_cast %get3A_567 : vector<1x16xf32> to vector<16xf32>
        %add3A_569 = arith.addf %scan3A_558, %get3A_568 : vector<16xf32>
        %add3A_570 = arith.constant 0 : i32
        %add3A_571 = arith.addi %mul3A_563, %add3A_570 : i32
        %get3A_572 = arith.index_cast %add3A_571 : i32 to index
        %get3A_573 = arith.constant 16 : index
        %get3A_574 = tpu.vector_load %arg11[%get3A_572, %get3A_573] {strides = array<i32>} : memref<200x32xf32, #tpu.memory_space<vmem>>, vector<1x16xf32>,
        %get3A_575 = vector.shape_cast %get3A_574 : vector<1x16xf32> to vector<16xf32>
        %add3A_576 = arith.addf %scan3A_559, %get3A_575 : vector<16xf32>
        %add3A_577 = arith.constant 0 : i32
        %add3A_578 = arith.addi %mul3A_563, %add3A_577 : i32
        %add3A_579 = arith.constant 1 : i32
        %add3A_580 = arith.addi %add3A_578, %add3A_579 : i32
        %get3A_581 = arith.index_cast %add3A_580 : i32 to index
        %get3A_582 = arith.constant 0 : index
        %get3A_583 = tpu.vector_load %arg11[%get3A_581, %get3A_582] {strides = array<i32>} : memref<200x32xf32, #tpu.memory_space<vmem>>, vector<1x16xf32>,
        %get3A_584 = vector.shape_cast %get3A_583 : vector<1x16xf32> to vector<16xf32>
        %add3A_585 = arith.addf %scan3A_560, %get3A_584 : vector<16xf32>
        %add3A_586 = arith.constant 0 : i32
        %add3A_587 = arith.addi %mul3A_563, %add3A_586 : i32
        %add3A_588 = arith.constant 1 : i32
        %add3A_589 = arith.addi %add3A_587, %add3A_588 : i32
        %get3A_590 = arith.index_cast %add3A_589 : i32 to index
        %get3A_591 = arith.constant 16 : index
        %get3A_592 = tpu.vector_load %arg11[%get3A_590, %get3A_591] {strides = array<i32>} : memref<200x32xf32, #tpu.memory_space<vmem>>, vector<1x16xf32>,
        %get3A_593 = vector.shape_cast %get3A_592 : vector<1x16xf32> to vector<16xf32>
        %add3A_594 = arith.addf %scan3A_561, %get3A_593 : vector<16xf32>
        %add3A_595 = arith.constant 2 : i32
        %add3A_596 = arith.addi %mul3A_563, %add3A_595 : i32
        %get3A_597 = arith.index_cast %add3A_596 : i32 to index
        %get3A_598 = arith.constant 0 : index
        %get3A_599 = tpu.vector_load %arg11[%get3A_597, %get3A_598] {strides = array<i32>} : memref<200x32xf32, #tpu.memory_space<vmem>>, vector<1x16xf32>,
        %get3A_600 = vector.shape_cast %get3A_599 : vector<1x16xf32> to vector<16xf32>
        %add3A_601 = arith.addf %add3A_569, %get3A_600 : vector<16xf32>
        %add3A_602 = arith.constant 2 : i32
        %add3A_603 = arith.addi %mul3A_563, %add3A_602 : i32
        %get3A_604 = arith.index_cast %add3A_603 : i32 to index
        %get3A_605 = arith.constant 16 : index
        %get3A_606 = tpu.vector_load %arg11[%get3A_604, %get3A_605] {strides = array<i32>} : memref<200x32xf32, #tpu.memory_space<vmem>>, vector<1x16xf32>,
        %get3A_607 = vector.shape_cast %get3A_606 : vector<1x16xf32> to vector<16xf32>
        %add3A_608 = arith.addf %add3A_576, %get3A_607 : vector<16xf32>
        %add3A_609 = arith.constant 2 : i32
        %add3A_610 = arith.addi %mul3A_563, %add3A_609 : i32
        %add3A_611 = arith.constant 1 : i32
        %add3A_612 = arith.addi %add3A_610, %add3A_611 : i32
        %get3A_613 = arith.index_cast %add3A_612 : i32 to index
        %get3A_614 = arith.constant 0 : index
        %get3A_615 = tpu.vector_load %arg11[%get3A_613, %get3A_614] {strides = array<i32>} : memref<200x32xf32, #tpu.memory_space<vmem>>, vector<1x16xf32>,
        %get3A_616 = vector.shape_cast %get3A_615 : vector<1x16xf32> to vector<16xf32>
        %add3A_617 = arith.addf %add3A_585, %get3A_616 : vector<16xf32>
        %add3A_618 = arith.constant 2 : i32
        %add3A_619 = arith.addi %mul3A_563, %add3A_618 : i32
        %add3A_620 = arith.constant 1 : i32
        %add3A_621 = arith.addi %add3A_619, %add3A_620 : i32
        %get3A_622 = arith.index_cast %add3A_621 : i32 to index
        %get3A_623 = arith.constant 16 : index
        %get3A_624 = tpu.vector_load %arg11[%get3A_622, %get3A_623] {strides = array<i32>} : memref<200x32xf32, #tpu.memory_space<vmem>>, vector<1x16xf32>,
        %get3A_625 = vector.shape_cast %get3A_624 : vector<1x16xf32> to vector<16xf32>
        %add3A_626 = arith.addf %add3A_594, %get3A_625 : vector<16xf32>
        %add3A_627 = arith.constant 4 : i32
        %add3A_628 = arith.addi %mul3A_563, %add3A_627 : i32
        %get3A_629 = arith.index_cast %add3A_628 : i32 to index
        %get3A_630 = arith.constant 0 : index
        %get3A_631 = tpu.vector_load %arg11[%get3A_629, %get3A_630] {strides = array<i32>} : memref<200x32xf32, #tpu.memory_space<vmem>>, vector<1x16xf32>,
        %get3A_632 = vector.shape_cast %get3A_631 : vector<1x16xf32> to vector<16xf32>
        %add3A_633 = arith.addf %add3A_601, %get3A_632 : vector<16xf32>
        %add3A_634 = arith.constant 4 : i32
        %add3A_635 = arith.addi %mul3A_563, %add3A_634 : i32
        %get3A_636 = arith.index_cast %add3A_635 : i32 to index
        %get3A_637 = arith.constant 16 : index
        %get3A_638 = tpu.vector_load %arg11[%get3A_636, %get3A_637] {strides = array<i32>} : memref<200x32xf32, #tpu.memory_space<vmem>>, vector<1x16xf32>,
        %get3A_639 = vector.shape_cast %get3A_638 : vector<1x16xf32> to vector<16xf32>
        %add3A_640 = arith.addf %add3A_608, %get3A_639 : vector<16xf32>
        %add3A_641 = arith.constant 4 : i32
        %add3A_642 = arith.addi %mul3A_563, %add3A_641 : i32
        %add3A_643 = arith.constant 1 : i32
        %add3A_644 = arith.addi %add3A_642, %add3A_643 : i32
        %get3A_645 = arith.index_cast %add3A_644 : i32 to index
        %get3A_646 = arith.constant 0 : index
        %get3A_647 = tpu.vector_load %arg11[%get3A_645, %get3A_646] {strides = array<i32>} : memref<200x32xf32, #tpu.memory_space<vmem>>, vector<1x16xf32>,
        %get3A_648 = vector.shape_cast %get3A_647 : vector<1x16xf32> to vector<16xf32>
        %add3A_649 = arith.addf %add3A_617, %get3A_648 : vector<16xf32>
        %add3A_650 = arith.constant 4 : i32
        %add3A_651 = arith.addi %mul3A_563, %add3A_650 : i32
        %add3A_652 = arith.constant 1 : i32
        %add3A_653 = arith.addi %add3A_651, %add3A_652 : i32
        %get3A_654 = arith.index_cast %add3A_653 : i32 to index
        %get3A_655 = arith.constant 16 : index
        %get3A_656 = tpu.vector_load %arg11[%get3A_654, %get3A_655] {strides = array<i32>} : memref<200x32xf32, #tpu.memory_space<vmem>>, vector<1x16xf32>,
        %get3A_657 = vector.shape_cast %get3A_656 : vector<1x16xf32> to vector<16xf32>
        %add3A_658 = arith.addf %add3A_626, %get3A_657 : vector<16xf32>
        %add3A_659 = arith.constant 6 : i32
        %add3A_660 = arith.addi %mul3A_563, %add3A_659 : i32
        %get3A_661 = arith.index_cast %add3A_660 : i32 to index
        %get3A_662 = arith.constant 0 : index
        %get3A_663 = tpu.vector_load %arg11[%get3A_661, %get3A_662] {strides = array<i32>} : memref<200x32xf32, #tpu.memory_space<vmem>>, vector<1x16xf32>,
        %get3A_664 = vector.shape_cast %get3A_663 : vector<1x16xf32> to vector<16xf32>
        %add3A_665 = arith.addf %add3A_633, %get3A_664 : vector<16xf32>
        %add3A_666 = arith.constant 6 : i32
        %add3A_667 = arith.addi %mul3A_563, %add3A_666 : i32
        %get3A_668 = arith.index_cast %add3A_667 : i32 to index
        %get3A_669 = arith.constant 16 : index
        %get3A_670 = tpu.vector_load %arg11[%get3A_668, %get3A_669] {strides = array<i32>} : memref<200x32xf32, #tpu.memory_space<vmem>>, vector<1x16xf32>,
        %get3A_671 = vector.shape_cast %get3A_670 : vector<1x16xf32> to vector<16xf32>
        %add3A_672 = arith.addf %add3A_640, %get3A_671 : vector<16xf32>
        %add3A_673 = arith.constant 6 : i32
        %add3A_674 = arith.addi %mul3A_563, %add3A_673 : i32
        %add3A_675 = arith.constant 1 : i32
        %add3A_676 = arith.addi %add3A_674, %add3A_675 : i32
        %get3A_677 = arith.index_cast %add3A_676 : i32 to index
        %get3A_678 = arith.constant 0 : index
        %get3A_679 = tpu.vector_load %arg11[%get3A_677, %get3A_678] {strides = array<i32>} : memref<200x32xf32, #tpu.memory_space<vmem>>, vector<1x16xf32>,
        %get3A_680 = vector.shape_cast %get3A_679 : vector<1x16xf32> to vector<16xf32>
        %add3A_681 = arith.addf %add3A_649, %get3A_680 : vector<16xf32>
        %add3A_682 = arith.constant 6 : i32
        %add3A_683 = arith.addi %mul3A_563, %add3A_682 : i32
        %add3A_684 = arith.constant 1 : i32
        %add3A_685 = arith.addi %add3A_683, %add3A_684 : i32
        %get3A_686 = arith.index_cast %add3A_685 : i32 to index
        %get3A_687 = arith.constant 16 : index
        %get3A_688 = tpu.vector_load %arg11[%get3A_686, %get3A_687] {strides = array<i32>} : memref<200x32xf32, #tpu.memory_space<vmem>>, vector<1x16xf32>,
        %get3A_689 = vector.shape_cast %get3A_688 : vector<1x16xf32> to vector<16xf32>
        %add3A_690 = arith.addf %add3A_658, %get3A_689 : vector<16xf32>
        scf.yield %add3A_665, %add3A_672, %add3A_681, %add3A_690 : vector<16xf32>, vector<16xf32>, vector<16xf32>, vector<16xf32>
      }
      %scan3A_434 = arith.constant 25 : i32
      %add3A_435 = arith.addf %scan3A_433#0, %scan3A_433#2 : vector<16xf32>
      %add3A_436 = arith.addf %scan3A_433#1, %scan3A_433#3 : vector<16xf32>
      %add3A_437 = arith.constant 8 : i32
      %add3A_438 = arith.addi %add3A_406, %add3A_437 : i32
      %lt3A_439 = arith.constant 128 : i32
      %lt3A_440 = arith.cmpi slt, %add3A_438, %lt3A_439 : i32
      %convert_element_type3A_441 = arith.extui %lt3A_440 : i1 to i32
      %cond3A_442 = arith.constant 0 : i32
      %cond3A_443 = arith.cmpi ne, %convert_element_type3A_441, %cond3A_442 : i32
      scf.if %cond3A_443 {
        %add3A_557 = arith.constant 1600 : i32
        %add3A_558 = arith.addi %mul3A_408, %add3A_557 : i32
        %add3A_559 = arith.constant 0 : i32
        %add3A_560 = arith.addi %add3A_558, %add3A_559 : i32
        %dma_start3A_561 = arith.constant 0 : i32
        %dma_start3A_562 = arith.constant 0 : i32
        %dma_start3A_563 = tpu.memref_slice %arg11[%dma_start3A_561, %dma_start3A_562] : memref<200x32xf32, #tpu.memory_space<vmem>> -> memref<128x32xf32, #tpu.memory_space<vmem>>
        %dma_start3A_564 = tpu.memref_slice %arg5[%add3A_560] : memref<25600xi32, #tpu.memory_space<vmem>> -> memref<128xi32, #tpu.memory_space<vmem>>
        %dma_start3A_565 = arith.constant 0 : i32
        %dma_start3A_566 = arith.constant 0 : i32
        %dma_start3A_567 = tpu.memref_slice %arg3[%dma_start3A_565, %dma_start3A_566] : memref<1024000x32xf32, #tpu.memory_space<hbm>> -> memref<1024000x32xf32, #tpu.memory_space<hbm>>
        tpu.enqueue_indirect_dma source(%dma_start3A_567 : memref<1024000x32xf32, #tpu.memory_space<hbm>>) target(%dma_start3A_563 : memref<128x32xf32, #tpu.memory_space<vmem>>) offsets(%dma_start3A_564 : memref<128xi32, #tpu.memory_space<vmem>>) semaphore(%arg20 : memref<!tpu.dma_semaphore, #tpu.memory_space<semaphore_mem>>)
        %add3A_568 = arith.constant 128 : i32
        %add3A_569 = arith.addi %add3A_558, %add3A_568 : i32
        %dma_start3A_570 = arith.constant 128 : i32
        %dma_start3A_571 = arith.constant 0 : i32
        %dma_start3A_572 = tpu.memref_slice %arg11[%dma_start3A_570, %dma_start3A_571] : memref<200x32xf32, #tpu.memory_space<vmem>> -> memref<72x32xf32, #tpu.memory_space<vmem>>
        %dma_start3A_573 = tpu.memref_slice %arg5[%add3A_569] : memref<25600xi32, #tpu.memory_space<vmem>> -> memref<72xi32, #tpu.memory_space<vmem>>
        %dma_start3A_574 = arith.constant 0 : i32
        %dma_start3A_575 = arith.constant 0 : i32
        %dma_start3A_576 = tpu.memref_slice %arg3[%dma_start3A_574, %dma_start3A_575] : memref<1024000x32xf32, #tpu.memory_space<hbm>> -> memref<1024000x32xf32, #tpu.memory_space<hbm>>
        tpu.enqueue_indirect_dma source(%dma_start3A_576 : memref<1024000x32xf32, #tpu.memory_space<hbm>>) target(%dma_start3A_572 : memref<72x32xf32, #tpu.memory_space<vmem>>) offsets(%dma_start3A_573 : memref<72xi32, #tpu.memory_space<vmem>>) semaphore(%arg20 : memref<!tpu.dma_semaphore, #tpu.memory_space<semaphore_mem>>)
      } else {
      }
      %swap3A_444 = arith.index_cast %add3A_406 : i32 to index
      %swap3A_445 = arith.constant 0 : index
      %swap3A_446 = tpu.vector_load %arg14[%swap3A_444, %swap3A_445] {strides = array<i32>} : memref<128x32xf32, #tpu.memory_space<vmem>>, vector<1x16xf32>,
      %swap3A_447 = vector.shape_cast %swap3A_446 : vector<1x16xf32> to vector<16xf32>
      %swap3A_448 = vector.shape_cast %add3A_435 : vector<16xf32> to vector<1x16xf32>
      tpu.vector_store %arg14[%swap3A_444, %swap3A_445], %swap3A_448 {strides = array<i32>} : memref<128x32xf32, #tpu.memory_space<vmem>>, vector<1x16xf32>,
      %swap3A_449 = arith.index_cast %add3A_406 : i32 to index
      %swap3A_450 = arith.constant 16 : index
      %swap3A_451 = tpu.vector_load %arg14[%swap3A_449, %swap3A_450] {strides = array<i32>} : memref<128x32xf32, #tpu.memory_space<vmem>>, vector<1x16xf32>,
      %swap3A_452 = vector.shape_cast %swap3A_451 : vector<1x16xf32> to vector<16xf32>
      %swap3A_453 = vector.shape_cast %add3A_436 : vector<16xf32> to vector<1x16xf32>
      tpu.vector_store %arg14[%swap3A_449, %swap3A_450], %swap3A_453 {strides = array<i32>} : memref<128x32xf32, #tpu.memory_space<vmem>>, vector<1x16xf32>,
      %mul3A_454 = arith.constant 8 : i32
      %mul3A_455 = arith.muli %scan3A_145, %mul3A_454 : i32
      %add3A_456 = arith.constant 6 : i32
      %add3A_457 = arith.addi %mul3A_455, %add3A_456 : i32
      %mul3A_458 = arith.constant 200 : i32
      %mul3A_459 = arith.muli %add3A_457, %mul3A_458 : i32
      %add3A_460 = arith.constant 0 : i32
      %add3A_461 = arith.addi %mul3A_459, %add3A_460 : i32
      %dma_wait3A_462 = arith.constant 0 : i32
      %dma_wait3A_463 = arith.constant 0 : i32
      %dma_wait3A_464 = tpu.memref_slice %arg12[%dma_wait3A_462, %dma_wait3A_463] : memref<200x32xf32, #tpu.memory_space<vmem>> -> memref<128x32xf32, #tpu.memory_space<vmem>>
      %dma_wait3A_465 = tpu.memref_slice %arg5[%add3A_461] : memref<25600xi32, #tpu.memory_space<vmem>> -> memref<128xi32, #tpu.memory_space<vmem>>
      %dma_wait3A_466 = arith.constant 0 : i32
      %dma_wait3A_467 = arith.constant 0 : i32
      %dma_wait3A_468 = tpu.memref_slice %arg3[%dma_wait3A_466, %dma_wait3A_467] : memref<1024000x32xf32, #tpu.memory_space<hbm>> -> memref<1024000x32xf32, #tpu.memory_space<hbm>>
      tpu.wait_indirect_dma semaphore(%arg21 : memref<!tpu.dma_semaphore, #tpu.memory_space<semaphore_mem>>) src(%dma_wait3A_468 : memref<1024000x32xf32, #tpu.memory_space<hbm>>) dst(%dma_wait3A_464 : memref<128x32xf32, #tpu.memory_space<vmem>>)
      %add3A_469 = arith.constant 128 : i32
      %add3A_470 = arith.addi %mul3A_459, %add3A_469 : i32
      %dma_wait3A_471 = arith.constant 128 : i32
      %dma_wait3A_472 = arith.constant 0 : i32
      %dma_wait3A_473 = tpu.memref_slice %arg12[%dma_wait3A_471, %dma_wait3A_472] : memref<200x32xf32, #tpu.memory_space<vmem>> -> memref<72x32xf32, #tpu.memory_space<vmem>>
      %dma_wait3A_474 = tpu.memref_slice %arg5[%add3A_470] : memref<25600xi32, #tpu.memory_space<vmem>> -> memref<72xi32, #tpu.memory_space<vmem>>
      %dma_wait3A_475 = arith.constant 0 : i32
      %dma_wait3A_476 = arith.constant 0 : i32
      %dma_wait3A_477 = tpu.memref_slice %arg3[%dma_wait3A_475, %dma_wait3A_476] : memref<1024000x32xf32, #tpu.memory_space<hbm>> -> memref<1024000x32xf32, #tpu.memory_space<hbm>>
      tpu.wait_indirect_dma semaphore(%arg21 : memref<!tpu.dma_semaphore, #tpu.memory_space<semaphore_mem>>) src(%dma_wait3A_477 : memref<1024000x32xf32, #tpu.memory_space<hbm>>) dst(%dma_wait3A_473 : memref<72x32xf32, #tpu.memory_space<vmem>>)
      %broadcast_in_dim3A_478 = arith.constant 0.000000e+00 : f32
      %broadcast_in_dim3A_479 = vector.broadcast %broadcast_in_dim3A_478 : f32 to vector<16xf32>
      %scan3A_480 = arith.constant 0 : i32
      %scan3A_481 = arith.constant 25 : i32
      %scan3A_482 = arith.addi %scan3A_480, %scan3A_481 : i32
      %scan3A_483 = arith.constant 1 : i32
      %scan3A_484:4 = scf.for %scan3A_557 = %scan3A_480 to %scan3A_482 step %scan3A_483 iter_args(%scan3A_558 = %broadcast_in_dim3A_479, %scan3A_559 = %broadcast_in_dim3A_479, %scan3A_560 = %broadcast_in_dim3A_479, %scan3A_561 = %broadcast_in_dim3A_479) -> (vector<16xf32>, vector<16xf32>, vector<16xf32>, vector<16xf32>)  : i32 {
        %mul3A_562 = arith.constant 8 : i32
        %mul3A_563 = arith.muli %scan3A_557, %mul3A_562 : i32
        %add3A_564 = arith.constant 0 : i32
        %add3A_565 = arith.addi %mul3A_563, %add3A_564 : i32
        %get3A = arith.index_cast %add3A_565 : i32 to index
        %get3A_566 = arith.constant 0 : index
        %get3A_567 = tpu.vector_load %arg12[%get3A, %get3A_566] {strides = array<i32>} : memref<200x32xf32, #tpu.memory_space<vmem>>, vector<1x16xf32>,
        %get3A_568 = vector.shape_cast %get3A_567 : vector<1x16xf32> to vector<16xf32>
        %add3A_569 = arith.addf %scan3A_558, %get3A_568 : vector<16xf32>
        %add3A_570 = arith.constant 0 : i32
        %add3A_571 = arith.addi %mul3A_563, %add3A_570 : i32
        %get3A_572 = arith.index_cast %add3A_571 : i32 to index
        %get3A_573 = arith.constant 16 : index
        %get3A_574 = tpu.vector_load %arg12[%get3A_572, %get3A_573] {strides = array<i32>} : memref<200x32xf32, #tpu.memory_space<vmem>>, vector<1x16xf32>,
        %get3A_575 = vector.shape_cast %get3A_574 : vector<1x16xf32> to vector<16xf32>
        %add3A_576 = arith.addf %scan3A_559, %get3A_575 : vector<16xf32>
        %add3A_577 = arith.constant 0 : i32
        %add3A_578 = arith.addi %mul3A_563, %add3A_577 : i32
        %add3A_579 = arith.constant 1 : i32
        %add3A_580 = arith.addi %add3A_578, %add3A_579 : i32
        %get3A_581 = arith.index_cast %add3A_580 : i32 to index
        %get3A_582 = arith.constant 0 : index
        %get3A_583 = tpu.vector_load %arg12[%get3A_581, %get3A_582] {strides = array<i32>} : memref<200x32xf32, #tpu.memory_space<vmem>>, vector<1x16xf32>,
        %get3A_584 = vector.shape_cast %get3A_583 : vector<1x16xf32> to vector<16xf32>
        %add3A_585 = arith.addf %scan3A_560, %get3A_584 : vector<16xf32>
        %add3A_586 = arith.constant 0 : i32
        %add3A_587 = arith.addi %mul3A_563, %add3A_586 : i32
        %add3A_588 = arith.constant 1 : i32
        %add3A_589 = arith.addi %add3A_587, %add3A_588 : i32
        %get3A_590 = arith.index_cast %add3A_589 : i32 to index
        %get3A_591 = arith.constant 16 : index
        %get3A_592 = tpu.vector_load %arg12[%get3A_590, %get3A_591] {strides = array<i32>} : memref<200x32xf32, #tpu.memory_space<vmem>>, vector<1x16xf32>,
        %get3A_593 = vector.shape_cast %get3A_592 : vector<1x16xf32> to vector<16xf32>
        %add3A_594 = arith.addf %scan3A_561, %get3A_593 : vector<16xf32>
        %add3A_595 = arith.constant 2 : i32
        %add3A_596 = arith.addi %mul3A_563, %add3A_595 : i32
        %get3A_597 = arith.index_cast %add3A_596 : i32 to index
        %get3A_598 = arith.constant 0 : index
        %get3A_599 = tpu.vector_load %arg12[%get3A_597, %get3A_598] {strides = array<i32>} : memref<200x32xf32, #tpu.memory_space<vmem>>, vector<1x16xf32>,
        %get3A_600 = vector.shape_cast %get3A_599 : vector<1x16xf32> to vector<16xf32>
        %add3A_601 = arith.addf %add3A_569, %get3A_600 : vector<16xf32>
        %add3A_602 = arith.constant 2 : i32
        %add3A_603 = arith.addi %mul3A_563, %add3A_602 : i32
        %get3A_604 = arith.index_cast %add3A_603 : i32 to index
        %get3A_605 = arith.constant 16 : index
        %get3A_606 = tpu.vector_load %arg12[%get3A_604, %get3A_605] {strides = array<i32>} : memref<200x32xf32, #tpu.memory_space<vmem>>, vector<1x16xf32>,
        %get3A_607 = vector.shape_cast %get3A_606 : vector<1x16xf32> to vector<16xf32>
        %add3A_608 = arith.addf %add3A_576, %get3A_607 : vector<16xf32>
        %add3A_609 = arith.constant 2 : i32
        %add3A_610 = arith.addi %mul3A_563, %add3A_609 : i32
        %add3A_611 = arith.constant 1 : i32
        %add3A_612 = arith.addi %add3A_610, %add3A_611 : i32
        %get3A_613 = arith.index_cast %add3A_612 : i32 to index
        %get3A_614 = arith.constant 0 : index
        %get3A_615 = tpu.vector_load %arg12[%get3A_613, %get3A_614] {strides = array<i32>} : memref<200x32xf32, #tpu.memory_space<vmem>>, vector<1x16xf32>,
        %get3A_616 = vector.shape_cast %get3A_615 : vector<1x16xf32> to vector<16xf32>
        %add3A_617 = arith.addf %add3A_585, %get3A_616 : vector<16xf32>
        %add3A_618 = arith.constant 2 : i32
        %add3A_619 = arith.addi %mul3A_563, %add3A_618 : i32
        %add3A_620 = arith.constant 1 : i32
        %add3A_621 = arith.addi %add3A_619, %add3A_620 : i32
        %get3A_622 = arith.index_cast %add3A_621 : i32 to index
        %get3A_623 = arith.constant 16 : index
        %get3A_624 = tpu.vector_load %arg12[%get3A_622, %get3A_623] {strides = array<i32>} : memref<200x32xf32, #tpu.memory_space<vmem>>, vector<1x16xf32>,
        %get3A_625 = vector.shape_cast %get3A_624 : vector<1x16xf32> to vector<16xf32>
        %add3A_626 = arith.addf %add3A_594, %get3A_625 : vector<16xf32>
        %add3A_627 = arith.constant 4 : i32
        %add3A_628 = arith.addi %mul3A_563, %add3A_627 : i32
        %get3A_629 = arith.index_cast %add3A_628 : i32 to index
        %get3A_630 = arith.constant 0 : index
        %get3A_631 = tpu.vector_load %arg12[%get3A_629, %get3A_630] {strides = array<i32>} : memref<200x32xf32, #tpu.memory_space<vmem>>, vector<1x16xf32>,
        %get3A_632 = vector.shape_cast %get3A_631 : vector<1x16xf32> to vector<16xf32>
        %add3A_633 = arith.addf %add3A_601, %get3A_632 : vector<16xf32>
        %add3A_634 = arith.constant 4 : i32
        %add3A_635 = arith.addi %mul3A_563, %add3A_634 : i32
        %get3A_636 = arith.index_cast %add3A_635 : i32 to index
        %get3A_637 = arith.constant 16 : index
        %get3A_638 = tpu.vector_load %arg12[%get3A_636, %get3A_637] {strides = array<i32>} : memref<200x32xf32, #tpu.memory_space<vmem>>, vector<1x16xf32>,
        %get3A_639 = vector.shape_cast %get3A_638 : vector<1x16xf32> to vector<16xf32>
        %add3A_640 = arith.addf %add3A_608, %get3A_639 : vector<16xf32>
        %add3A_641 = arith.constant 4 : i32
        %add3A_642 = arith.addi %mul3A_563, %add3A_641 : i32
        %add3A_643 = arith.constant 1 : i32
        %add3A_644 = arith.addi %add3A_642, %add3A_643 : i32
        %get3A_645 = arith.index_cast %add3A_644 : i32 to index
        %get3A_646 = arith.constant 0 : index
        %get3A_647 = tpu.vector_load %arg12[%get3A_645, %get3A_646] {strides = array<i32>} : memref<200x32xf32, #tpu.memory_space<vmem>>, vector<1x16xf32>,
        %get3A_648 = vector.shape_cast %get3A_647 : vector<1x16xf32> to vector<16xf32>
        %add3A_649 = arith.addf %add3A_617, %get3A_648 : vector<16xf32>
        %add3A_650 = arith.constant 4 : i32
        %add3A_651 = arith.addi %mul3A_563, %add3A_650 : i32
        %add3A_652 = arith.constant 1 : i32
        %add3A_653 = arith.addi %add3A_651, %add3A_652 : i32
        %get3A_654 = arith.index_cast %add3A_653 : i32 to index
        %get3A_655 = arith.constant 16 : index
        %get3A_656 = tpu.vector_load %arg12[%get3A_654, %get3A_655] {strides = array<i32>} : memref<200x32xf32, #tpu.memory_space<vmem>>, vector<1x16xf32>,
        %get3A_657 = vector.shape_cast %get3A_656 : vector<1x16xf32> to vector<16xf32>
        %add3A_658 = arith.addf %add3A_626, %get3A_657 : vector<16xf32>
        %add3A_659 = arith.constant 6 : i32
        %add3A_660 = arith.addi %mul3A_563, %add3A_659 : i32
        %get3A_661 = arith.index_cast %add3A_660 : i32 to index
        %get3A_662 = arith.constant 0 : index
        %get3A_663 = tpu.vector_load %arg12[%get3A_661, %get3A_662] {strides = array<i32>} : memref<200x32xf32, #tpu.memory_space<vmem>>, vector<1x16xf32>,
        %get3A_664 = vector.shape_cast %get3A_663 : vector<1x16xf32> to vector<16xf32>
        %add3A_665 = arith.addf %add3A_633, %get3A_664 : vector<16xf32>
        %add3A_666 = arith.constant 6 : i32
        %add3A_667 = arith.addi %mul3A_563, %add3A_666 : i32
        %get3A_668 = arith.index_cast %add3A_667 : i32 to index
        %get3A_669 = arith.constant 16 : index
        %get3A_670 = tpu.vector_load %arg12[%get3A_668, %get3A_669] {strides = array<i32>} : memref<200x32xf32, #tpu.memory_space<vmem>>, vector<1x16xf32>,
        %get3A_671 = vector.shape_cast %get3A_670 : vector<1x16xf32> to vector<16xf32>
        %add3A_672 = arith.addf %add3A_640, %get3A_671 : vector<16xf32>
        %add3A_673 = arith.constant 6 : i32
        %add3A_674 = arith.addi %mul3A_563, %add3A_673 : i32
        %add3A_675 = arith.constant 1 : i32
        %add3A_676 = arith.addi %add3A_674, %add3A_675 : i32
        %get3A_677 = arith.index_cast %add3A_676 : i32 to index
        %get3A_678 = arith.constant 0 : index
        %get3A_679 = tpu.vector_load %arg12[%get3A_677, %get3A_678] {strides = array<i32>} : memref<200x32xf32, #tpu.memory_space<vmem>>, vector<1x16xf32>,
        %get3A_680 = vector.shape_cast %get3A_679 : vector<1x16xf32> to vector<16xf32>
        %add3A_681 = arith.addf %add3A_649, %get3A_680 : vector<16xf32>
        %add3A_682 = arith.constant 6 : i32
        %add3A_683 = arith.addi %mul3A_563, %add3A_682 : i32
        %add3A_684 = arith.constant 1 : i32
        %add3A_685 = arith.addi %add3A_683, %add3A_684 : i32
        %get3A_686 = arith.index_cast %add3A_685 : i32 to index
        %get3A_687 = arith.constant 16 : index
        %get3A_688 = tpu.vector_load %arg12[%get3A_686, %get3A_687] {strides = array<i32>} : memref<200x32xf32, #tpu.memory_space<vmem>>, vector<1x16xf32>,
        %get3A_689 = vector.shape_cast %get3A_688 : vector<1x16xf32> to vector<16xf32>
        %add3A_690 = arith.addf %add3A_658, %get3A_689 : vector<16xf32>
        scf.yield %add3A_665, %add3A_672, %add3A_681, %add3A_690 : vector<16xf32>, vector<16xf32>, vector<16xf32>, vector<16xf32>
      }
      %scan3A_485 = arith.constant 25 : i32
      %add3A_486 = arith.addf %scan3A_484#0, %scan3A_484#2 : vector<16xf32>
      %add3A_487 = arith.addf %scan3A_484#1, %scan3A_484#3 : vector<16xf32>
      %add3A_488 = arith.constant 8 : i32
      %add3A_489 = arith.addi %add3A_457, %add3A_488 : i32
      %lt3A_490 = arith.constant 128 : i32
      %lt3A_491 = arith.cmpi slt, %add3A_489, %lt3A_490 : i32
      %convert_element_type3A_492 = arith.extui %lt3A_491 : i1 to i32
      %cond3A_493 = arith.constant 0 : i32
      %cond3A_494 = arith.cmpi ne, %convert_element_type3A_492, %cond3A_493 : i32
      scf.if %cond3A_494 {
        %add3A_557 = arith.constant 1600 : i32
        %add3A_558 = arith.addi %mul3A_459, %add3A_557 : i32
        %add3A_559 = arith.constant 0 : i32
        %add3A_560 = arith.addi %add3A_558, %add3A_559 : i32
        %dma_start3A_561 = arith.constant 0 : i32
        %dma_start3A_562 = arith.constant 0 : i32
        %dma_start3A_563 = tpu.memref_slice %arg12[%dma_start3A_561, %dma_start3A_562] : memref<200x32xf32, #tpu.memory_space<vmem>> -> memref<128x32xf32, #tpu.memory_space<vmem>>
        %dma_start3A_564 = tpu.memref_slice %arg5[%add3A_560] : memref<25600xi32, #tpu.memory_space<vmem>> -> memref<128xi32, #tpu.memory_space<vmem>>
        %dma_start3A_565 = arith.constant 0 : i32
        %dma_start3A_566 = arith.constant 0 : i32
        %dma_start3A_567 = tpu.memref_slice %arg3[%dma_start3A_565, %dma_start3A_566] : memref<1024000x32xf32, #tpu.memory_space<hbm>> -> memref<1024000x32xf32, #tpu.memory_space<hbm>>
        tpu.enqueue_indirect_dma source(%dma_start3A_567 : memref<1024000x32xf32, #tpu.memory_space<hbm>>) target(%dma_start3A_563 : memref<128x32xf32, #tpu.memory_space<vmem>>) offsets(%dma_start3A_564 : memref<128xi32, #tpu.memory_space<vmem>>) semaphore(%arg21 : memref<!tpu.dma_semaphore, #tpu.memory_space<semaphore_mem>>)
        %add3A_568 = arith.constant 128 : i32
        %add3A_569 = arith.addi %add3A_558, %add3A_568 : i32
        %dma_start3A_570 = arith.constant 128 : i32
        %dma_start3A_571 = arith.constant 0 : i32
        %dma_start3A_572 = tpu.memref_slice %arg12[%dma_start3A_570, %dma_start3A_571] : memref<200x32xf32, #tpu.memory_space<vmem>> -> memref<72x32xf32, #tpu.memory_space<vmem>>
        %dma_start3A_573 = tpu.memref_slice %arg5[%add3A_569] : memref<25600xi32, #tpu.memory_space<vmem>> -> memref<72xi32, #tpu.memory_space<vmem>>
        %dma_start3A_574 = arith.constant 0 : i32
        %dma_start3A_575 = arith.constant 0 : i32
        %dma_start3A_576 = tpu.memref_slice %arg3[%dma_start3A_574, %dma_start3A_575] : memref<1024000x32xf32, #tpu.memory_space<hbm>> -> memref<1024000x32xf32, #tpu.memory_space<hbm>>
        tpu.enqueue_indirect_dma source(%dma_start3A_576 : memref<1024000x32xf32, #tpu.memory_space<hbm>>) target(%dma_start3A_572 : memref<72x32xf32, #tpu.memory_space<vmem>>) offsets(%dma_start3A_573 : memref<72xi32, #tpu.memory_space<vmem>>) semaphore(%arg21 : memref<!tpu.dma_semaphore, #tpu.memory_space<semaphore_mem>>)
      } else {
      }
      %swap3A_495 = arith.index_cast %add3A_457 : i32 to index
      %swap3A_496 = arith.constant 0 : index
      %swap3A_497 = tpu.vector_load %arg14[%swap3A_495, %swap3A_496] {strides = array<i32>} : memref<128x32xf32, #tpu.memory_space<vmem>>, vector<1x16xf32>,
      %swap3A_498 = vector.shape_cast %swap3A_497 : vector<1x16xf32> to vector<16xf32>
      %swap3A_499 = vector.shape_cast %add3A_486 : vector<16xf32> to vector<1x16xf32>
      tpu.vector_store %arg14[%swap3A_495, %swap3A_496], %swap3A_499 {strides = array<i32>} : memref<128x32xf32, #tpu.memory_space<vmem>>, vector<1x16xf32>,
      %swap3A_500 = arith.index_cast %add3A_457 : i32 to index
      %swap3A_501 = arith.constant 16 : index
      %swap3A_502 = tpu.vector_load %arg14[%swap3A_500, %swap3A_501] {strides = array<i32>} : memref<128x32xf32, #tpu.memory_space<vmem>>, vector<1x16xf32>,
      %swap3A_503 = vector.shape_cast %swap3A_502 : vector<1x16xf32> to vector<16xf32>
      %swap3A_504 = vector.shape_cast %add3A_487 : vector<16xf32> to vector<1x16xf32>
      tpu.vector_store %arg14[%swap3A_500, %swap3A_501], %swap3A_504 {strides = array<i32>} : memref<128x32xf32, #tpu.memory_space<vmem>>, vector<1x16xf32>,
      %mul3A_505 = arith.constant 8 : i32
      %mul3A_506 = arith.muli %scan3A_145, %mul3A_505 : i32
      %add3A_507 = arith.constant 7 : i32
      %add3A_508 = arith.addi %mul3A_506, %add3A_507 : i32
      %mul3A_509 = arith.constant 200 : i32
      %mul3A_510 = arith.muli %add3A_508, %mul3A_509 : i32
      %add3A_511 = arith.constant 0 : i32
      %add3A_512 = arith.addi %mul3A_510, %add3A_511 : i32
      %dma_wait3A_513 = arith.constant 0 : i32
      %dma_wait3A_514 = arith.constant 0 : i32
      %dma_wait3A_515 = tpu.memref_slice %arg13[%dma_wait3A_513, %dma_wait3A_514] : memref<200x32xf32, #tpu.memory_space<vmem>> -> memref<128x32xf32, #tpu.memory_space<vmem>>
      %dma_wait3A_516 = tpu.memref_slice %arg5[%add3A_512] : memref<25600xi32, #tpu.memory_space<vmem>> -> memref<128xi32, #tpu.memory_space<vmem>>
      %dma_wait3A_517 = arith.constant 0 : i32
      %dma_wait3A_518 = arith.constant 0 : i32
      %dma_wait3A_519 = tpu.memref_slice %arg3[%dma_wait3A_517, %dma_wait3A_518] : memref<1024000x32xf32, #tpu.memory_space<hbm>> -> memref<1024000x32xf32, #tpu.memory_space<hbm>>
      tpu.wait_indirect_dma semaphore(%arg22 : memref<!tpu.dma_semaphore, #tpu.memory_space<semaphore_mem>>) src(%dma_wait3A_519 : memref<1024000x32xf32, #tpu.memory_space<hbm>>) dst(%dma_wait3A_515 : memref<128x32xf32, #tpu.memory_space<vmem>>)
      %add3A_520 = arith.constant 128 : i32
      %add3A_521 = arith.addi %mul3A_510, %add3A_520 : i32
      %dma_wait3A_522 = arith.constant 128 : i32
      %dma_wait3A_523 = arith.constant 0 : i32
      %dma_wait3A_524 = tpu.memref_slice %arg13[%dma_wait3A_522, %dma_wait3A_523] : memref<200x32xf32, #tpu.memory_space<vmem>> -> memref<72x32xf32, #tpu.memory_space<vmem>>
      %dma_wait3A_525 = tpu.memref_slice %arg5[%add3A_521] : memref<25600xi32, #tpu.memory_space<vmem>> -> memref<72xi32, #tpu.memory_space<vmem>>
      %dma_wait3A_526 = arith.constant 0 : i32
      %dma_wait3A_527 = arith.constant 0 : i32
      %dma_wait3A_528 = tpu.memref_slice %arg3[%dma_wait3A_526, %dma_wait3A_527] : memref<1024000x32xf32, #tpu.memory_space<hbm>> -> memref<1024000x32xf32, #tpu.memory_space<hbm>>
      tpu.wait_indirect_dma semaphore(%arg22 : memref<!tpu.dma_semaphore, #tpu.memory_space<semaphore_mem>>) src(%dma_wait3A_528 : memref<1024000x32xf32, #tpu.memory_space<hbm>>) dst(%dma_wait3A_524 : memref<72x32xf32, #tpu.memory_space<vmem>>)
      %broadcast_in_dim3A_529 = arith.constant 0.000000e+00 : f32
      %broadcast_in_dim3A_530 = vector.broadcast %broadcast_in_dim3A_529 : f32 to vector<16xf32>
      %scan3A_531 = arith.constant 0 : i32
      %scan3A_532 = arith.constant 25 : i32
      %scan3A_533 = arith.addi %scan3A_531, %scan3A_532 : i32
      %scan3A_534 = arith.constant 1 : i32
      %scan3A_535:4 = scf.for %scan3A_557 = %scan3A_531 to %scan3A_533 step %scan3A_534 iter_args(%scan3A_558 = %broadcast_in_dim3A_530, %scan3A_559 = %broadcast_in_dim3A_530, %scan3A_560 = %broadcast_in_dim3A_530, %scan3A_561 = %broadcast_in_dim3A_530) -> (vector<16xf32>, vector<16xf32>, vector<16xf32>, vector<16xf32>)  : i32 {
        %mul3A_562 = arith.constant 8 : i32
        %mul3A_563 = arith.muli %scan3A_557, %mul3A_562 : i32
        %add3A_564 = arith.constant 0 : i32
        %add3A_565 = arith.addi %mul3A_563, %add3A_564 : i32
        %get3A = arith.index_cast %add3A_565 : i32 to index
        %get3A_566 = arith.constant 0 : index
        %get3A_567 = tpu.vector_load %arg13[%get3A, %get3A_566] {strides = array<i32>} : memref<200x32xf32, #tpu.memory_space<vmem>>, vector<1x16xf32>,
        %get3A_568 = vector.shape_cast %get3A_567 : vector<1x16xf32> to vector<16xf32>
        %add3A_569 = arith.addf %scan3A_558, %get3A_568 : vector<16xf32>
        %add3A_570 = arith.constant 0 : i32
        %add3A_571 = arith.addi %mul3A_563, %add3A_570 : i32
        %get3A_572 = arith.index_cast %add3A_571 : i32 to index
        %get3A_573 = arith.constant 16 : index
        %get3A_574 = tpu.vector_load %arg13[%get3A_572, %get3A_573] {strides = array<i32>} : memref<200x32xf32, #tpu.memory_space<vmem>>, vector<1x16xf32>,
        %get3A_575 = vector.shape_cast %get3A_574 : vector<1x16xf32> to vector<16xf32>
        %add3A_576 = arith.addf %scan3A_559, %get3A_575 : vector<16xf32>
        %add3A_577 = arith.constant 0 : i32
        %add3A_578 = arith.addi %mul3A_563, %add3A_577 : i32
        %add3A_579 = arith.constant 1 : i32
        %add3A_580 = arith.addi %add3A_578, %add3A_579 : i32
        %get3A_581 = arith.index_cast %add3A_580 : i32 to index
        %get3A_582 = arith.constant 0 : index
        %get3A_583 = tpu.vector_load %arg13[%get3A_581, %get3A_582] {strides = array<i32>} : memref<200x32xf32, #tpu.memory_space<vmem>>, vector<1x16xf32>,
        %get3A_584 = vector.shape_cast %get3A_583 : vector<1x16xf32> to vector<16xf32>
        %add3A_585 = arith.addf %scan3A_560, %get3A_584 : vector<16xf32>
        %add3A_586 = arith.constant 0 : i32
        %add3A_587 = arith.addi %mul3A_563, %add3A_586 : i32
        %add3A_588 = arith.constant 1 : i32
        %add3A_589 = arith.addi %add3A_587, %add3A_588 : i32
        %get3A_590 = arith.index_cast %add3A_589 : i32 to index
        %get3A_591 = arith.constant 16 : index
        %get3A_592 = tpu.vector_load %arg13[%get3A_590, %get3A_591] {strides = array<i32>} : memref<200x32xf32, #tpu.memory_space<vmem>>, vector<1x16xf32>,
        %get3A_593 = vector.shape_cast %get3A_592 : vector<1x16xf32> to vector<16xf32>
        %add3A_594 = arith.addf %scan3A_561, %get3A_593 : vector<16xf32>
        %add3A_595 = arith.constant 2 : i32
        %add3A_596 = arith.addi %mul3A_563, %add3A_595 : i32
        %get3A_597 = arith.index_cast %add3A_596 : i32 to index
        %get3A_598 = arith.constant 0 : index
        %get3A_599 = tpu.vector_load %arg13[%get3A_597, %get3A_598] {strides = array<i32>} : memref<200x32xf32, #tpu.memory_space<vmem>>, vector<1x16xf32>,
        %get3A_600 = vector.shape_cast %get3A_599 : vector<1x16xf32> to vector<16xf32>
        %add3A_601 = arith.addf %add3A_569, %get3A_600 : vector<16xf32>
        %add3A_602 = arith.constant 2 : i32
        %add3A_603 = arith.addi %mul3A_563, %add3A_602 : i32
        %get3A_604 = arith.index_cast %add3A_603 : i32 to index
        %get3A_605 = arith.constant 16 : index
        %get3A_606 = tpu.vector_load %arg13[%get3A_604, %get3A_605] {strides = array<i32>} : memref<200x32xf32, #tpu.memory_space<vmem>>, vector<1x16xf32>,
        %get3A_607 = vector.shape_cast %get3A_606 : vector<1x16xf32> to vector<16xf32>
        %add3A_608 = arith.addf %add3A_576, %get3A_607 : vector<16xf32>
        %add3A_609 = arith.constant 2 : i32
        %add3A_610 = arith.addi %mul3A_563, %add3A_609 : i32
        %add3A_611 = arith.constant 1 : i32
        %add3A_612 = arith.addi %add3A_610, %add3A_611 : i32
        %get3A_613 = arith.index_cast %add3A_612 : i32 to index
        %get3A_614 = arith.constant 0 : index
        %get3A_615 = tpu.vector_load %arg13[%get3A_613, %get3A_614] {strides = array<i32>} : memref<200x32xf32, #tpu.memory_space<vmem>>, vector<1x16xf32>,
        %get3A_616 = vector.shape_cast %get3A_615 : vector<1x16xf32> to vector<16xf32>
        %add3A_617 = arith.addf %add3A_585, %get3A_616 : vector<16xf32>
        %add3A_618 = arith.constant 2 : i32
        %add3A_619 = arith.addi %mul3A_563, %add3A_618 : i32
        %add3A_620 = arith.constant 1 : i32
        %add3A_621 = arith.addi %add3A_619, %add3A_620 : i32
        %get3A_622 = arith.index_cast %add3A_621 : i32 to index
        %get3A_623 = arith.constant 16 : index
        %get3A_624 = tpu.vector_load %arg13[%get3A_622, %get3A_623] {strides = array<i32>} : memref<200x32xf32, #tpu.memory_space<vmem>>, vector<1x16xf32>,
        %get3A_625 = vector.shape_cast %get3A_624 : vector<1x16xf32> to vector<16xf32>
        %add3A_626 = arith.addf %add3A_594, %get3A_625 : vector<16xf32>
        %add3A_627 = arith.constant 4 : i32
        %add3A_628 = arith.addi %mul3A_563, %add3A_627 : i32
        %get3A_629 = arith.index_cast %add3A_628 : i32 to index
        %get3A_630 = arith.constant 0 : index
        %get3A_631 = tpu.vector_load %arg13[%get3A_629, %get3A_630] {strides = array<i32>} : memref<200x32xf32, #tpu.memory_space<vmem>>, vector<1x16xf32>,
        %get3A_632 = vector.shape_cast %get3A_631 : vector<1x16xf32> to vector<16xf32>
        %add3A_633 = arith.addf %add3A_601, %get3A_632 : vector<16xf32>
        %add3A_634 = arith.constant 4 : i32
        %add3A_635 = arith.addi %mul3A_563, %add3A_634 : i32
        %get3A_636 = arith.index_cast %add3A_635 : i32 to index
        %get3A_637 = arith.constant 16 : index
        %get3A_638 = tpu.vector_load %arg13[%get3A_636, %get3A_637] {strides = array<i32>} : memref<200x32xf32, #tpu.memory_space<vmem>>, vector<1x16xf32>,
        %get3A_639 = vector.shape_cast %get3A_638 : vector<1x16xf32> to vector<16xf32>
        %add3A_640 = arith.addf %add3A_608, %get3A_639 : vector<16xf32>
        %add3A_641 = arith.constant 4 : i32
        %add3A_642 = arith.addi %mul3A_563, %add3A_641 : i32
        %add3A_643 = arith.constant 1 : i32
        %add3A_644 = arith.addi %add3A_642, %add3A_643 : i32
        %get3A_645 = arith.index_cast %add3A_644 : i32 to index
        %get3A_646 = arith.constant 0 : index
        %get3A_647 = tpu.vector_load %arg13[%get3A_645, %get3A_646] {strides = array<i32>} : memref<200x32xf32, #tpu.memory_space<vmem>>, vector<1x16xf32>,
        %get3A_648 = vector.shape_cast %get3A_647 : vector<1x16xf32> to vector<16xf32>
        %add3A_649 = arith.addf %add3A_617, %get3A_648 : vector<16xf32>
        %add3A_650 = arith.constant 4 : i32
        %add3A_651 = arith.addi %mul3A_563, %add3A_650 : i32
        %add3A_652 = arith.constant 1 : i32
        %add3A_653 = arith.addi %add3A_651, %add3A_652 : i32
        %get3A_654 = arith.index_cast %add3A_653 : i32 to index
        %get3A_655 = arith.constant 16 : index
        %get3A_656 = tpu.vector_load %arg13[%get3A_654, %get3A_655] {strides = array<i32>} : memref<200x32xf32, #tpu.memory_space<vmem>>, vector<1x16xf32>,
        %get3A_657 = vector.shape_cast %get3A_656 : vector<1x16xf32> to vector<16xf32>
        %add3A_658 = arith.addf %add3A_626, %get3A_657 : vector<16xf32>
        %add3A_659 = arith.constant 6 : i32
        %add3A_660 = arith.addi %mul3A_563, %add3A_659 : i32
        %get3A_661 = arith.index_cast %add3A_660 : i32 to index
        %get3A_662 = arith.constant 0 : index
        %get3A_663 = tpu.vector_load %arg13[%get3A_661, %get3A_662] {strides = array<i32>} : memref<200x32xf32, #tpu.memory_space<vmem>>, vector<1x16xf32>,
        %get3A_664 = vector.shape_cast %get3A_663 : vector<1x16xf32> to vector<16xf32>
        %add3A_665 = arith.addf %add3A_633, %get3A_664 : vector<16xf32>
        %add3A_666 = arith.constant 6 : i32
        %add3A_667 = arith.addi %mul3A_563, %add3A_666 : i32
        %get3A_668 = arith.index_cast %add3A_667 : i32 to index
        %get3A_669 = arith.constant 16 : index
        %get3A_670 = tpu.vector_load %arg13[%get3A_668, %get3A_669] {strides = array<i32>} : memref<200x32xf32, #tpu.memory_space<vmem>>, vector<1x16xf32>,
        %get3A_671 = vector.shape_cast %get3A_670 : vector<1x16xf32> to vector<16xf32>
        %add3A_672 = arith.addf %add3A_640, %get3A_671 : vector<16xf32>
        %add3A_673 = arith.constant 6 : i32
        %add3A_674 = arith.addi %mul3A_563, %add3A_673 : i32
        %add3A_675 = arith.constant 1 : i32
        %add3A_676 = arith.addi %add3A_674, %add3A_675 : i32
        %get3A_677 = arith.index_cast %add3A_676 : i32 to index
        %get3A_678 = arith.constant 0 : index
        %get3A_679 = tpu.vector_load %arg13[%get3A_677, %get3A_678] {strides = array<i32>} : memref<200x32xf32, #tpu.memory_space<vmem>>, vector<1x16xf32>,
        %get3A_680 = vector.shape_cast %get3A_679 : vector<1x16xf32> to vector<16xf32>
        %add3A_681 = arith.addf %add3A_649, %get3A_680 : vector<16xf32>
        %add3A_682 = arith.constant 6 : i32
        %add3A_683 = arith.addi %mul3A_563, %add3A_682 : i32
        %add3A_684 = arith.constant 1 : i32
        %add3A_685 = arith.addi %add3A_683, %add3A_684 : i32
        %get3A_686 = arith.index_cast %add3A_685 : i32 to index
        %get3A_687 = arith.constant 16 : index
        %get3A_688 = tpu.vector_load %arg13[%get3A_686, %get3A_687] {strides = array<i32>} : memref<200x32xf32, #tpu.memory_space<vmem>>, vector<1x16xf32>,
        %get3A_689 = vector.shape_cast %get3A_688 : vector<1x16xf32> to vector<16xf32>
        %add3A_690 = arith.addf %add3A_658, %get3A_689 : vector<16xf32>
        scf.yield %add3A_665, %add3A_672, %add3A_681, %add3A_690 : vector<16xf32>, vector<16xf32>, vector<16xf32>, vector<16xf32>
      }
      %scan3A_536 = arith.constant 25 : i32
      %add3A_537 = arith.addf %scan3A_535#0, %scan3A_535#2 : vector<16xf32>
      %add3A_538 = arith.addf %scan3A_535#1, %scan3A_535#3 : vector<16xf32>
      %add3A_539 = arith.constant 8 : i32
      %add3A_540 = arith.addi %add3A_508, %add3A_539 : i32
      %lt3A_541 = arith.constant 128 : i32
      %lt3A_542 = arith.cmpi slt, %add3A_540, %lt3A_541 : i32
      %convert_element_type3A_543 = arith.extui %lt3A_542 : i1 to i32
      %cond3A_544 = arith.constant 0 : i32
      %cond3A_545 = arith.cmpi ne, %convert_element_type3A_543, %cond3A_544 : i32
      scf.if %cond3A_545 {
        %add3A_557 = arith.constant 1600 : i32
        %add3A_558 = arith.addi %mul3A_510, %add3A_557 : i32
        %add3A_559 = arith.constant 0 : i32
        %add3A_560 = arith.addi %add3A_558, %add3A_559 : i32
        %dma_start3A_561 = arith.constant 0 : i32
        %dma_start3A_562 = arith.constant 0 : i32
        %dma_start3A_563 = tpu.memref_slice %arg13[%dma_start3A_561, %dma_start3A_562] : memref<200x32xf32, #tpu.memory_space<vmem>> -> memref<128x32xf32, #tpu.memory_space<vmem>>
        %dma_start3A_564 = tpu.memref_slice %arg5[%add3A_560] : memref<25600xi32, #tpu.memory_space<vmem>> -> memref<128xi32, #tpu.memory_space<vmem>>
        %dma_start3A_565 = arith.constant 0 : i32
        %dma_start3A_566 = arith.constant 0 : i32
        %dma_start3A_567 = tpu.memref_slice %arg3[%dma_start3A_565, %dma_start3A_566] : memref<1024000x32xf32, #tpu.memory_space<hbm>> -> memref<1024000x32xf32, #tpu.memory_space<hbm>>
        tpu.enqueue_indirect_dma source(%dma_start3A_567 : memref<1024000x32xf32, #tpu.memory_space<hbm>>) target(%dma_start3A_563 : memref<128x32xf32, #tpu.memory_space<vmem>>) offsets(%dma_start3A_564 : memref<128xi32, #tpu.memory_space<vmem>>) semaphore(%arg22 : memref<!tpu.dma_semaphore, #tpu.memory_space<semaphore_mem>>)
        %add3A_568 = arith.constant 128 : i32
        %add3A_569 = arith.addi %add3A_558, %add3A_568 : i32
        %dma_start3A_570 = arith.constant 128 : i32
        %dma_start3A_571 = arith.constant 0 : i32
        %dma_start3A_572 = tpu.memref_slice %arg13[%dma_start3A_570, %dma_start3A_571] : memref<200x32xf32, #tpu.memory_space<vmem>> -> memref<72x32xf32, #tpu.memory_space<vmem>>
        %dma_start3A_573 = tpu.memref_slice %arg5[%add3A_569] : memref<25600xi32, #tpu.memory_space<vmem>> -> memref<72xi32, #tpu.memory_space<vmem>>
        %dma_start3A_574 = arith.constant 0 : i32
        %dma_start3A_575 = arith.constant 0 : i32
        %dma_start3A_576 = tpu.memref_slice %arg3[%dma_start3A_574, %dma_start3A_575] : memref<1024000x32xf32, #tpu.memory_space<hbm>> -> memref<1024000x32xf32, #tpu.memory_space<hbm>>
        tpu.enqueue_indirect_dma source(%dma_start3A_576 : memref<1024000x32xf32, #tpu.memory_space<hbm>>) target(%dma_start3A_572 : memref<72x32xf32, #tpu.memory_space<vmem>>) offsets(%dma_start3A_573 : memref<72xi32, #tpu.memory_space<vmem>>) semaphore(%arg22 : memref<!tpu.dma_semaphore, #tpu.memory_space<semaphore_mem>>)
      } else {
      }
      %swap3A_546 = arith.index_cast %add3A_508 : i32 to index
      %swap3A_547 = arith.constant 0 : index
      %swap3A_548 = tpu.vector_load %arg14[%swap3A_546, %swap3A_547] {strides = array<i32>} : memref<128x32xf32, #tpu.memory_space<vmem>>, vector<1x16xf32>,
      %swap3A_549 = vector.shape_cast %swap3A_548 : vector<1x16xf32> to vector<16xf32>
      %swap3A_550 = vector.shape_cast %add3A_537 : vector<16xf32> to vector<1x16xf32>
      tpu.vector_store %arg14[%swap3A_546, %swap3A_547], %swap3A_550 {strides = array<i32>} : memref<128x32xf32, #tpu.memory_space<vmem>>, vector<1x16xf32>,
      %swap3A_551 = arith.index_cast %add3A_508 : i32 to index
      %swap3A_552 = arith.constant 16 : index
      %swap3A_553 = tpu.vector_load %arg14[%swap3A_551, %swap3A_552] {strides = array<i32>} : memref<128x32xf32, #tpu.memory_space<vmem>>, vector<1x16xf32>,
      %swap3A_554 = vector.shape_cast %swap3A_553 : vector<1x16xf32> to vector<16xf32>
      %swap3A_555 = vector.shape_cast %add3A_538 : vector<16xf32> to vector<1x16xf32>
      tpu.vector_store %arg14[%swap3A_551, %swap3A_552], %swap3A_555 {strides = array<i32>} : memref<128x32xf32, #tpu.memory_space<vmem>>, vector<1x16xf32>,
      %scan3A_556 = arith.constant 0 : i32
      scf.yield %scan3A_556 : i32
    }
    %scan3A_142 = arith.constant 16 : i32
    %mul3A_143 = arith.constant 128 : i32
    %mul3A_144 = arith.muli %add3A, %mul3A_143 : i32
    "tpu.region"() ({
      %run_scoped3A = tpu.sem_alloc : memref<!tpu.dma_semaphore, #tpu.memory_space<semaphore_mem>>
      %dma_start3A_145 = arith.constant 0 : i32
      %dma_start3A_146 = tpu.memref_slice %arg4[%mul3A_144, %dma_start3A_145] : memref<4096x32xf32, #tpu.memory_space<hbm>> -> memref<128x32xf32, #tpu.memory_space<hbm>>
      %dma_start3A_147 = arith.constant 0 : i32
      %dma_start3A_148 = tpu.memref_slice %arg4[%mul3A_144, %dma_start3A_147] : memref<4096x32xf32, #tpu.memory_space<hbm>> -> memref<128x32xf32, #tpu.memory_space<hbm>>
      tpu.enqueue_dma source(%arg14 : memref<128x32xf32, #tpu.memory_space<vmem>>) target(%dma_start3A_148 : memref<128x32xf32, #tpu.memory_space<hbm>>) target_semaphore(%run_scoped3A : memref<!tpu.dma_semaphore, #tpu.memory_space<semaphore_mem>>)
      %dma_wait3A = arith.constant 0 : i32
      %dma_wait3A_149 = tpu.memref_slice %arg4[%mul3A_144, %dma_wait3A] : memref<4096x32xf32, #tpu.memory_space<hbm>> -> memref<128x32xf32, #tpu.memory_space<hbm>>
      %dma_wait3A_150 = arith.constant 0 : i32
      %dma_wait3A_151 = tpu.memref_slice %arg4[%mul3A_144, %dma_wait3A_150] : memref<4096x32xf32, #tpu.memory_space<hbm>> -> memref<128x32xf32, #tpu.memory_space<hbm>>
      tpu.wait_dma2 semaphore(%run_scoped3A : memref<!tpu.dma_semaphore, #tpu.memory_space<semaphore_mem>>) src(%arg14 : memref<128x32xf32, #tpu.memory_space<vmem>>) dst(%dma_wait3A_151 : memref<128x32xf32, #tpu.memory_space<hbm>>)
      tpu.yield
    }) : () -> ()
    return
  }
}

module attributes {stable_mosaic.version = 14 : i64} {
  func.func @_retile_body(%arg0: i32, %arg1: memref<32x12800xf32, #tpu.memory_space<vmem>>, %arg2: memref<32x12800xf32, #tpu.memory_space<vmem>>, %arg3: memref<32x12800xf32, #tpu.memory_space<vmem>>, %arg4: memref<32x12800xf32, #tpu.memory_space<vmem>>, %arg5: memref<12800x128xf32, #tpu.memory_space<vmem>>) attributes {dimension_semantics = [#tpu.dimension_semantics<arbitrary>], iteration_bounds = array<i64: 20>, scalar_prefetch = 0 : i64, scratch_operands = 0 : i64, tpu.core_type = #tpu.core_type<tc>, window_params = [{transform_indices = @transform_0, window_bounds = array<i64: 32, 12800>}, {transform_indices = @transform_1, window_bounds = array<i64: 32, 12800>}, {transform_indices = @transform_2, window_bounds = array<i64: 32, 12800>}, {transform_indices = @transform_3, window_bounds = array<i64: 32, 12800>}, {transform_indices = @transform_4, window_bounds = array<i64: 12800, 128>}]} {
    %get3A = arith.constant 0 : index
    %get3A_0 = arith.constant 0 : index
    %get3A_1 = vector.load %arg1[%get3A, %get3A_0] : memref<32x12800xf32, #tpu.memory_space<vmem>>, vector<32x12800xf32>
    %get3A_2 = arith.constant 0 : index
    %get3A_3 = arith.constant 0 : index
    %get3A_4 = vector.load %arg2[%get3A_2, %get3A_3] : memref<32x12800xf32, #tpu.memory_space<vmem>>, vector<32x12800xf32>
    %get3A_5 = arith.constant 0 : index
    %get3A_6 = arith.constant 0 : index
    %get3A_7 = vector.load %arg3[%get3A_5, %get3A_6] : memref<32x12800xf32, #tpu.memory_space<vmem>>, vector<32x12800xf32>
    %get3A_8 = arith.constant 0 : index
    %get3A_9 = arith.constant 0 : index
    %get3A_10 = vector.load %arg4[%get3A_8, %get3A_9] : memref<32x12800xf32, #tpu.memory_space<vmem>>, vector<32x12800xf32>
    %concatenate3A = tpu.concatenate %get3A_1, %get3A_4, %get3A_7, %get3A_10 in 0 : vector<32x12800xf32>, vector<32x12800xf32>, vector<32x12800xf32>, vector<32x12800xf32> -> vector<128x12800xf32>
    %iota3A = tpu.iota {dimensions = array<i32: 0>} : vector<128x128xi32>
    %iota3A_11 = tpu.iota {dimensions = array<i32: 1>} : vector<128x128xi32>
    %eq3A = arith.cmpi eq, %iota3A, %iota3A_11 : vector<128x128xi32>
    %convert_element_type3A = arith.extui %eq3A : vector<128x128xi1> to vector<128x128xi32>
    %convert_element_type3A_12 = arith.sitofp %convert_element_type3A : vector<128x128xi32> to vector<128x128xf32>
    %dot_general3A = arith.constant dense<0.000000e+00> : vector<12800x128xf32>
    %dot_general3A_13 = tpu.matmul %concatenate3A, %convert_element_type3A_12, %dot_general3A {dimension_numbers = #tpu.dot_dimension_numbers<[0], [0], [1], [1], [0, 1, 1, 1], [], []>, transpose_lhs_hint = true} : vector<128x12800xf32>, vector<128x128xf32>, vector<12800x128xf32> -> vector<12800x128xf32>
    %swap3A = arith.constant 0 : index
    %swap3A_14 = arith.constant 0 : index
    %swap3A_15 = vector.load %arg5[%swap3A, %swap3A_14] : memref<12800x128xf32, #tpu.memory_space<vmem>>, vector<12800x128xf32>
    tpu.vector_store %arg5[%swap3A, %swap3A_14], %dot_general3A_13 {strides = array<i32>} : memref<12800x128xf32, #tpu.memory_space<vmem>>, vector<12800x128xf32>,
    return
  }
  func.func @transform_0(%arg0: i32) -> (i32, i32) {
    %add3A = arith.constant 0 : i32
    %add3A_0 = arith.addi %add3A, %arg0 : i32
    %min3A = arith.constant 78 : i32
    %min3A_1 = arith.minsi %add3A_0, %min3A : i32
    %c0_i32 = arith.constant 0 : i32
    %c0_i32_2 = arith.constant 0 : i32
    return %c0_i32, %min3A_1 : i32, i32
  }
  func.func @transform_1(%arg0: i32) -> (i32, i32) {
    %add3A = arith.constant 20 : i32
    %add3A_0 = arith.addi %add3A, %arg0 : i32
    %min3A = arith.constant 78 : i32
    %min3A_1 = arith.minsi %add3A_0, %min3A : i32
    %c0_i32 = arith.constant 0 : i32
    %c0_i32_2 = arith.constant 0 : i32
    return %c0_i32, %min3A_1 : i32, i32
  }
  func.func @transform_2(%arg0: i32) -> (i32, i32) {
    %add3A = arith.constant 40 : i32
    %add3A_0 = arith.addi %add3A, %arg0 : i32
    %min3A = arith.constant 78 : i32
    %min3A_1 = arith.minsi %add3A_0, %min3A : i32
    %c0_i32 = arith.constant 0 : i32
    %c0_i32_2 = arith.constant 0 : i32
    return %c0_i32, %min3A_1 : i32, i32
  }
  func.func @transform_3(%arg0: i32) -> (i32, i32) {
    %add3A = arith.constant 60 : i32
    %add3A_0 = arith.addi %add3A, %arg0 : i32
    %min3A = arith.constant 78 : i32
    %min3A_1 = arith.minsi %add3A_0, %min3A : i32
    %c0_i32 = arith.constant 0 : i32
    %c0_i32_2 = arith.constant 0 : i32
    return %c0_i32, %min3A_1 : i32, i32
  }
  func.func @transform_4(%arg0: i32) -> (i32, i32) {
    %c0_i32 = arith.constant 0 : i32
    %c0_i32_0 = arith.constant 0 : i32
    return %arg0, %c0_i32 : i32, i32
  }
}

module attributes {stable_mosaic.version = 14 : i64} {
  func.func @_finish_body(%arg0: memref<4096x200xi32, #tpu.memory_space<vmem>>, %arg1: memref<4096x32xf32, #tpu.memory_space<vmem>>, %arg2: memref<1x32xf32, #tpu.memory_space<vmem>>, %arg3: memref<1x1xf32, #tpu.memory_space<vmem>>, %arg4: memref<4096x1xf32, #tpu.memory_space<vmem>>, %arg5: memref<32x4096xf32, #tpu.memory_space<vmem>>) attributes {dimension_semantics = [], scalar_prefetch = 0 : i64, scratch_operands = 0 : i64, tpu.core_type = #tpu.core_type<tc>} {
    %get3A = arith.constant 0 : index
    %get3A_0 = arith.constant 0 : index
    %get3A_1 = vector.load %arg0[%get3A, %get3A_0] : memref<4096x200xi32, #tpu.memory_space<vmem>>, vector<4096x200xi32>
    %ne3A = arith.constant 0 : i32
    %ne3A_2 = vector.broadcast %ne3A : i32 to vector<4096x200xi32>
    %ne3A_3 = arith.cmpi ne, %get3A_1, %ne3A_2 : vector<4096x200xi32>
    %convert_element_type3A = arith.extui %ne3A_3 : vector<4096x200xi1> to vector<4096x200xi32>
    %convert_element_type3A_4 = arith.sitofp %convert_element_type3A : vector<4096x200xi32> to vector<4096x200xf32>
    %reduce_sum3A = arith.constant dense<0.000000e+00> : vector<4096xf32>
    %reduce_sum3A_5 = vector.multi_reduction <add>, %convert_element_type3A_4, %reduce_sum3A [1] : vector<4096x200xf32> to vector<4096xf32>
    %broadcast_in_dim3A = vector.shape_cast %reduce_sum3A_5 : vector<4096xf32> to vector<4096x1xf32>
    %max3A = arith.constant 1.000000e+00 : f32
    %max3A_6 = vector.broadcast %max3A : f32 to vector<4096x1xf32>
    %max3A_7 = arith.maximumf %broadcast_in_dim3A, %max3A_6 : vector<4096x1xf32>
    %get3A_8 = arith.constant 0 : index
    %get3A_9 = arith.constant 0 : index
    %get3A_10 = vector.load %arg1[%get3A_8, %get3A_9] : memref<4096x32xf32, #tpu.memory_space<vmem>>, vector<4096x32xf32>
    %div3A = vector.broadcast %max3A_7 : vector<4096x1xf32> to vector<4096x32xf32>
    %div3A_11 = arith.divf %get3A_10, %div3A : vector<4096x32xf32>
    %iota3A = tpu.iota {dimensions = array<i32: 0>} : vector<32x32xi32>
    %iota3A_12 = tpu.iota {dimensions = array<i32: 1>} : vector<32x32xi32>
    %eq3A = arith.cmpi eq, %iota3A, %iota3A_12 : vector<32x32xi32>
    %convert_element_type3A_13 = arith.extui %eq3A : vector<32x32xi1> to vector<32x32xi32>
    %convert_element_type3A_14 = arith.sitofp %convert_element_type3A_13 : vector<32x32xi32> to vector<32x32xf32>
    %dot_general3A = arith.constant dense<0.000000e+00> : vector<32x4096xf32>
    %dot_general3A_15 = tpu.matmul %convert_element_type3A_14, %div3A_11, %dot_general3A {dimension_numbers = #tpu.dot_dimension_numbers<[1], [1], [0], [0], [0, 0, 1, 0], [], []>, transpose_lhs_hint = false} : vector<32x32xf32>, vector<4096x32xf32>, vector<32x4096xf32> -> vector<32x4096xf32>
    %swap3A = arith.constant 0 : index
    %swap3A_16 = arith.constant 0 : index
    %swap3A_17 = vector.load %arg5[%swap3A, %swap3A_16] : memref<32x4096xf32, #tpu.memory_space<vmem>>, vector<32x4096xf32>
    tpu.vector_store %arg5[%swap3A, %swap3A_16], %dot_general3A_15 {strides = array<i32>} : memref<32x4096xf32, #tpu.memory_space<vmem>>, vector<32x4096xf32>,
    %get3A_18 = arith.constant 0 : index
    %get3A_19 = arith.constant 0 : index
    %get3A_20 = vector.load %arg2[%get3A_18, %get3A_19] : memref<1x32xf32, #tpu.memory_space<vmem>>, vector<1x32xf32>
    %mul3A = vector.broadcast %get3A_20 : vector<1x32xf32> to vector<4096x32xf32>
    %mul3A_21 = arith.mulf %div3A_11, %mul3A : vector<4096x32xf32>
    %reduce_sum3A_22 = arith.constant dense<0.000000e+00> : vector<4096xf32>
    %reduce_sum3A_23 = vector.multi_reduction <add>, %mul3A_21, %reduce_sum3A_22 [1] : vector<4096x32xf32> to vector<4096xf32>
    %broadcast_in_dim3A_24 = vector.shape_cast %reduce_sum3A_23 : vector<4096xf32> to vector<4096x1xf32>
    %get3A_25 = arith.constant 0 : index
    %get3A_26 = arith.constant 0 : index
    %get3A_27 = vector.load %arg3[%get3A_25, %get3A_26] : memref<1x1xf32, #tpu.memory_space<vmem>>, vector<1x1xf32>
    %add3A = vector.broadcast %get3A_27 : vector<1x1xf32> to vector<4096x1xf32>
    %add3A_28 = arith.addf %broadcast_in_dim3A_24, %add3A : vector<4096x1xf32>
    %swap3A_29 = arith.constant 0 : index
    %swap3A_30 = arith.constant 0 : index
    %swap3A_31 = vector.load %arg4[%swap3A_29, %swap3A_30] : memref<4096x1xf32, #tpu.memory_space<vmem>>, vector<4096x1xf32>
    tpu.vector_store %arg4[%swap3A_29, %swap3A_30], %add3A_28 {strides = array<i32>} : memref<4096x1xf32, #tpu.memory_space<vmem>>, vector<4096x1xf32>,
    return
  }
}

</mosaic_0001>

<sc_bundles>
// kernel: kernel.5.cloned.1.call-start
scs
__scs_entry_jumppad:
0x0: {  	(pc) =	sbr.rel $0x88, $3  }
0x1: {  	(tag) =	ssettag $0x0;
	lr =	simm.s32 $0x1  }
0x2: {  	[smem:$0x3F9D] =	sst lr;
	_ =	strace $0xD0000000  }
0x3: {  	_ = 	snop  }
0x4: {  	_ = 	snop  }
0x5: {  	_ = 	snop  }
0x6: {  	_ = 	snop  }
0x7: {  	_ = 	snop  }
__scs_overlays_trampoline_lowered:
0x8: {  	[smem:$0x3FAC] =	sst s0  }
0x9: {  	[smem:$0x3FAD] =	sst s1  }
0xa: {  	[smem:$0x3FAE] =	sst s2  }
0xb: {  	[smem:$0x3FAF] =	sst s3  }
0xc: {  	[smem:$0x3FB0] =	sst s4  }
0xd: {  	[smem:$0x3FB1] =	sst s5  }
0xe: {  	[smem:$0x3FB2] =	sst s6  }
0xf: {  	[smem:$0x3FB3] =	sst s7  }
0x10: {  	[smem:$0x3FB4] =	sst s8  }
0x11: {  	[smem:$0x3FB5] =	sst s9;
	s0 =	simm.s32 @!p0 $0x0  }
0x12: {  	s1 =	sld [smem:$0x3F9B];
	s0 =	simm.s32 @p0 $0x1  }
0x13: {  	[smem:$0x3FB6] =	sst s0;
	s0 =	simm.s32 @!p1 $0x0  }
0x14: {  	s2 =	sld [smem:$0x3F9A];
	s0 =	simm.s32 @p1 $0x1  }
0x15: {  	[smem:$0x3FB7] =	sst s0;
	s0 =	simm.s32 @!p2 $0x0  }
0x16: {  	s3 =	sld [smem:$0x3FDB];
	s0 =	simm.s32 @p2 $0x1  }
0x17: {  	s4 =	simm.s32 $0x1BF5;
	[smem:$0x3FB9] =	sst s0  }
0x18: {  	s0 =	sld [smem:$0x3F9C];
	_ =	swait.ge [sflag:s4], $0x0  }
0x19: {  	s7 =	sld [smem:$0x3F9D]  }
0x1a: {  	s8 =	sadd.s32 $0xFFFFE003, lr  }
0x1b: {  	s9 =	sadd.s32 $0xFFFFFEF7, lr;
	s5 =	simm.s32 $0xFFFFFFFF;
	p2 =	slt.u32 s8, $0xFFFFF086  }
0x1c: {  	p1 =	slt.u32 s9, $0xF7A;
	s5 =	simm.s32 @!p2 $0x0  }
0x1d: {  	s5 =	simm.s32 @p1 $0x1;
	p0 =	seq.s32 s7, s2  }
0x1e: {  	s7 =	smul.u32 @!p0 $0xF7A, s2;
	p2 =	seq.s32 @!p0 s5, $0x0  }
0x1f: {  	s9 =	smul.u32 $0xF7A, s1;
	s8 =	simm.s32 @!p0 $0x1BF5;
	p2 =	por !p2, p0  }
0x20: {  	[sflag:s8] =	ssyncset.s32 @!p0 $0xFFFFF086;
	s6 =	sadd.s32 @!p0 s3, s7;
	s7 =	simm.s32 @!p0 $0x108  }
0x21: {  	s3 =	sadd.s32 s3, s9;
	s6 =	sadd.s32 @!p0 $0x88, s6;
	s7 =	simm.s32 @p2 $0x1082  }
0x22: {  	[simem:s7], [sflag:s8] =	dma.local @!p0 [hbm:s6], $0xF7A  }
0x23: {  	s9 =	sor.u32 $0xD0000000, s2;
	s6 =	simm.s32 $0x108;
	_ =	swait.ge @!p0 [sflag:s8], $0x0  }
0x24: {  	s3 =	sadd.s32 $0x88, s3;
	s6 =	simm.s32 @!p1 $0x1082;
	[sflag:s4] =	ssyncset.s32 $0xFFFFF086  }
0x25: {  	[simem:s6], [sflag:s4] =	dma.local [hbm:s3], $0xF7A  }
0x26: {  	[smem:$0x3F9D] =	sst s1;
	(tag) =	ssettag s2;
	_ =	strace s9  }
0x27: {  	s1 =	sld [smem:$0x3FAD]  }
0x28: {  	s2 =	sld [smem:$0x3FAE]  }
0x29: {  	s4 =	sld [smem:$0x3FB0]  }
0x2a: {  	p0 =	seq.s32 s5, $0x0;
	s5 =	sld [smem:$0x3FB1]  }
0x2b: {  	s6 =	sld [smem:$0x3FB2]  }
0x2c: {  	s7 =	sld [smem:$0x3FB3]  }
0x2d: {  	s3 =	simm.s32 $0x108;
	s8 =	sld [smem:$0x3FB4]  }
0x2e: {  	s3 =	simm.s32 @!p0 $0x1082;
	s9 =	sld [smem:$0x3FB5]  }
0x2f: {  	lr =	sadd.s32 s0, s3;
	s0 =	sld [smem:$0x3FAC]  }
0x30: {  	s3 =	sld [smem:$0x3FAF]  }
0x31: {  	[smem:$0x3FB8] =	sst s10  }
0x32: {  	s10 =	sld [smem:$0x3FB6];
	_ =	sdelay $0x3  }
0x33: {  	p0 =	seq.s32 s10, $0x1;
	s10 =	sld [smem:$0x3FB8];
	_ =	sdelay $0x3  }
0x34: {  	[smem:$0x3FB8] =	sst s10  }
0x35: {  	s10 =	sld [smem:$0x3FB7];
	_ =	sdelay $0x3  }
0x36: {  	p1 =	seq.s32 s10, $0x1;
	s10 =	sld [smem:$0x3FB8];
	_ =	sdelay $0x3  }
0x37: {  	[smem:$0x3FB8] =	sst s10  }
0x38: {  	s10 =	sld [smem:$0x3FB9]  }
0x39: {  	_ = 	snop;
	(pc) =	sbr.ind lr, $3  }
0x3a: {  	_ = 	snop  }
0x3b: {  	_ = 	snop  }
0x3c: {  	p2 =	seq.s32 s10, $0x1;
	s10 =	sld [smem:$0x3FB8]  }
0x3d: {  	_ =	shalt  }
0x3e: {  	_ =	shalt  }
0x3f: {  	_ =	shalt  }
0x40: {  	_ =	shalt  }
0x41: {  	_ =	shalt  }
0x42: {  	_ =	shalt  }
0x43: {  	_ =	shalt  }
0x44: {  	_ =	shalt  }
0x45: {  	_ =	shalt  }
0x46: {  	_ =	shalt  }
0x47: {  	_ =	shalt  }
0x48: {  	_ =	shalt  }
0x49: {  	_ =	shalt  }
0x4a: {  	_ =	shalt  }
0x4b: {  	_ =	shalt  }
0x4c: {  	_ =	shalt  }
0x4d: {  	_ =	shalt  }
0x4e: {  	_ =	shalt  }
0x4f: {  	_ =	shalt  }
0x50: {  	_ =	shalt  }
0x51: {  	_ =	shalt  }
0x52: {  	_ =	shalt  }
0x53: {  	_ =	shalt  }
0x54: {  	_ =	shalt  }
0x55: {  	_ =	shalt  }
0x56: {  	_ =	shalt  }
0x57: {  	_ =	shalt  }
0x58: {  	_ =	shalt  }
0x59: {  	_ =	shalt  }
0x5a: {  	_ =	shalt  }
0x5b: {  	_ =	shalt  }
0x5c: {  	_ =	shalt  }
0x5d: {  	_ =	shalt  }
0x5e: {  	_ =	shalt  }
0x5f: {  	_ =	shalt  }
0x60: {  	_ =	shalt  }
0x61: {  	_ =	shalt  }
0x62: {  	_ =	shalt  }
0x63: {  	_ =	shalt  }
0x64: {  	_ =	shalt  }
0x65: {  	_ =	shalt  }
0x66: {  	_ =	shalt  }
0x67: {  	_ =	shalt  }
0x68: {  	_ =	shalt  }
0x69: {  	_ =	shalt  }
0x6a: {  	_ =	shalt  }
0x6b: {  	_ =	shalt  }
0x6c: {  	_ =	shalt  }
0x6d: {  	_ =	shalt  }
0x6e: {  	_ =	shalt  }
0x6f: {  	_ =	shalt  }
0x70: {  	_ =	shalt  }
0x71: {  	_ =	shalt  }
0x72: {  	_ =	shalt  }
0x73: {  	_ =	shalt  }
0x74: {  	_ =	shalt  }
0x75: {  	_ =	shalt  }
0x76: {  	_ =	shalt  }
0x77: {  	_ =	shalt  }
0x78: {  	_ =	shalt  }
0x79: {  	_ =	shalt  }
0x7a: {  	_ =	shalt  }
0x7b: {  	_ =	shalt  }
0x7c: {  	_ =	shalt  }
0x7d: {  	_ =	shalt  }
0x7e: {  	_ =	shalt  }
0x7f: {  	_ =	shalt  }
0x80: {  	_ =	shalt  }
0x81: {  	_ =	shalt  }
0x82: {  	_ =	shalt  }
0x83: {  	_ =	shalt  }
0x84: {  	_ =	shalt  }
0x85: {  	_ =	shalt  }
0x86: {  	_ =	shalt  }
0x87: {  	_ =	shalt  }
.Lfunc_end0:
.L_simem_size_0:
called_computation_lowered:
.L_overlay_start_0:
0x88: {  	s2 =	sld [smem:$0x3FD9]  }
0x89: {  	s3 =	sld [smem:$0x3FFE];
	_ =	sdelay $0x1  }
0x8a: {  	s1 =	srdreg.scid  }
0x8b: {  	s0 =	sand.u32 $0x1, s1  }
0x8c: {  	s14 =	sshll.u32 s0, $0xA;
	s2 =	sadd.s32 s3, s2  }
0x8d: {  	s2 =	sadd.s32 s2, s14  }
0x8e: {  	[smem:$0x3FC4] =	sst s2  }
0x8f: {  	_ = 	snop  }
0x90: {  	s2 =	sld [smem:$0x3FD0];
	_ =	sdelay $0x2  }
0x91: {  	s15 =	simm.s32 $0xA;
	s4 =	simm.s32 $0x10  }
0x92: {  	[smem:s4], [sflag:s15] =	dma.local [hbm:s2], $0x1  }
0x93: {  	_ =	swait.eq [sflag:s15], $0x1  }
0x94: {  	[sflag:s15] =	ssyncset.done $0x0  }
0x95: {  	[sflag:s15] =	ssyncadd.s32 $0xFFFFFFFF  }
0x96: {  	s16 =	sld [smem:$0x11];
	(tm) =	ssettm $0x1  }
0x97: {  	s17 =	sld [smem:$0x3FFB];
	_ =	sdelay $0x3  }
0x98: {  	_ =	strace s17  }
0x99: {  	s3 =	sld [smem:$0x3FFC];
	_ =	sdelay $0x3  }
0x9a: {  	_ =	strace s3  }
0x9b: {  	s3 =	sld [smem:$0x3FFD];
	_ =	sdelay $0x3  }
0x9c: {  	_ =	strace s3  }
0x9d: {  	_ =	strace $0x8FFFFFFF  }
0x9e: {  	s18 =	sld [smem:$0x3FDB];
	_ =	sdelay $0x1  }
0x9f: {  	s19 =	simm.s32 $_scs_section_size  }
0xa0: {  	s5 =	simm.s32 $_size__tile_overlayer_lowered;
	s6 =	simm.s32 $_tile_overlayer_lowered  }
0xa1: {  	s22 =	simm.s32 $0x1BFF;
	s21 =	sshll.u32 s6, $0x1;
	s3 =	sadd.s32 s19, s18  }
0xa2: {  	s7 =	simm.s32 $0x0;
	s20 =	sshll.u32 s5, $0x1;
	s5 =	sadd.s32 s21, s3  }
0xa3: {  	[timem:s7], [sflag:s22] =	dma.local [hbm:s5], s20  }
0xa4: {  	_ =	swait.ge [sflag:s22], s20  }
0xa5: {  	s4 =	ssub.s32 $0x0, s20;
	[sflag:s22] =	ssyncset.done $0x0  }
0xa6: {  	[sflag:s22] =	ssyncadd.s32 s4;
	_ =	sdelay $0x1  }
0xa7: {  	s23 =	simm.s32 $0x1B8B  }
0xa8: {  	_ =	swait.ge [sflag:s23], $0x1  }
0xa9: {  	[sflag:s23] =	ssyncset.done $0x0  }
0xaa: {  	s25 =	simm.s32 $0x1B8E;
	s24 =	sld [smem:$0x3FFE];
	[sflag:s23] =	ssyncadd.s32 $0xFFFFFFFF  }
0xab: {  	s26 =	simm.s32 $execute0_lowered;
	[smem:$0x3FD2] =	sst s25  }
0xac: {  	s5 =	sshll.u32 s26, $0x1;
	_ =	strace $0x80000046;
	[dreg:$0x1] =	wrdreg $0xFFFFFFFF  }
0xad: {  	s28 =	simm.s32 $_size_execute0_lowered;
	s3 =	sadd.s32 s3, s5;
	[dreg:$0x0] =	wrdreg $0x0  }
0xae: {  	s5 =	sshll.u32 s28, $0x1;
	[dreg:$0x2] =	wrdreg s3  }
0xaf: {  	[dreg:$0x3] =	wrdreg s5  }
0xb0: {  	[dreg:$0x4] =	wrdreg $0xC0  }
0xb1: {  	_ =	task [dreg:s7], $0x5FFFF  }
0xb2: {  	[dreg:$0x1] =	wrdreg $0xFFFFFFFF  }
0xb3: {  	[dreg:$0x0] =	wrdreg $0x60  }
0xb4: {  	[dreg:$0x2] =	wrdreg s24  }
0xb5: {  	[dreg:$0x3] =	wrdreg s16  }
0xb6: {  	[dreg:$0x4] =	wrdreg $0x9  }
0xb7: {  	_ =	task.clear_ibuf [dreg:s7], $0x5FFFF;
	_ =	strace $0x90000046  }
0xb8: {  	s29 =	simm.s32 $0x9;
	_ =	strace $0x80000048  }
0xb9: {  	_ =	swait.ge [sflag:s29], $0x1  }
0xba: {  	[sflag:s29] =	ssyncadd.s32 $0xFFFFFFFF  }
0xbb: {  	_ =	strace $0x90000048  }
0xbc: {  	_ =	sfence  }
0xbd: {  	s30 =	sld [smem:$0x0];
	_ =	sdelay $0x2  }
0xbe: {  	s31 =	sshll.u32 s1, $0xD;
	s1 =	sshrl.u32 s1, $0x2  }
0xbf: {  	s3 =	sand.u32 $0x4000, s31;
	s1 =	sadd.s32 s1, s30  }
0xc0: {  	s0 =	sor.u32 s3, s0;
	s1 =	sshll.u32 s1, $0x11  }
0xc1: {  	s0 =	sor.u32 s1, s0  }
0xc2: {  	s0 =	sadd.s32 $0x8F2B, s0  }
0xc3: {  	[sflag:s0] =	ssyncadd.remote.s32 $0x1  }
0xc4: {  	_ =	sfence.sel $0xFFFF  }
0xc5: {  	[dreg:$0x0] =	wrdreg $0xFFFFFFFF;
	(pc) =	sbr.abs _section_cstart, $3  }
0xc6: {  	[dreg:$0x1] =	wrdreg $0xFFFFFFFF  }
0xc7: {  	_ =	task.clear_ibuf [dreg:s7], $0x2FFFF;
	_ =	strace $0x9FFFFFFF  }
0xc8: {  	(tm) =	ssettm $0x7FFFFFFF  }
0xc9: {  	_ =	shalt  }
tec
execute0_lowered:
.L_overlay_start_1:
0x0: {  	(tag) =	ssettag $0x1  }
0x1: {  	s0 =	rddreg [dreg:$0x0];
	s1 =	srdreg.scid  }
0x2: {  	s2 =	stileid.u32;
	s5 =	rddreg [dreg:$0x1];
	s7 =	simm.s32 $0x9  }
0x3: {  	s8 =	simm.s32 $0x80;
	s10 =	simm.s32 $0x48;
	s14 =	simm.s32 $0x11300  }
0x4: {  	s15 =	simm.s32 $0x5F8;
	s16 =	simm.s32 $0x12300;
	s17 =	simm.s32 $0x1  }
0x5: {  	s18 =	simm.s32 $0x2;
	s19 =	simm.s32 $0x3;
	s20 =	simm.s32 $0x4  }
0x6: {  	s21 =	simm.s32 $0x5;
	s22 =	simm.s32 $0x6;
	s23 =	simm.s32 $0x7  }
0x7: {  	s24 =	simm.s32 $0x8;
	s25 =	simm.s32 $0x12C00;
	s26 =	simm.s32 $0x0  }
0x8: {  	s28 =	simm.s32 $0x0;
	s1 =	sand.u32 $0x1, s1;
	s3 =	sshll.u32 s2, $0x1  }
.Ltmp0:
0x9: {  	s2 =	simm.s32 $0x0;
	s6 =	sor.u32 s1, s3;
	(pc) =	sbr.rel .LBB2_1-.Ltmp0, $4  }
0xa: {  	[smem:$0x7FF] =	sst s2;
	s1 =	ssub.s32 $0x2, s1;
	s3 =	smul.u32 $0xC80, s6  }
0xb: {  	_ =	strace $0x80000047;
	s30 =	sshrl.u32 s1, $0x1;
	s31 =	sshll.u32 s6, $0x9  }
0xc: {  	s4 =	sadd.s32 s3, s0;
	s3 =	sadd.s32 $0x39800, s0;
	s0 =	ssub.s32 s1, s30  }
0xd: {  	s5 =	sadd.s32 s5, s31;
	s4 =	sadd.s32 $0x20800, s4;
	s6 =	smax.u32 s0, $0x1  }
.LBB2_25:
0xe: {  	[tilespmem:$0x13BE0] =	vst v1  }
0xf: {  	[tilespmem:$0x13BF0] =	vst v0  }
.LBB2_27:
0x10: {  	s26 =	sadd.s32 $0x1, s26  }
0x11: {  	p0 =	sne.s32 s26, s6  }
.Ltmp1:
0x12: {  	_ = 	snop;
	(pc) =	sbr.rel @!p0 .LBB2_28-.Ltmp1, $4  }
0x13: {  	[hbm4b:s5+s2] =	stream.linear.scatter [tilespmem:s25], [sflag:$0x9], $0x1000, $0x38;
	[tilespmem:$0x13C00] =	vst v63  }
0x14: {  	_ =	swait.ge [sflag:s7], $0x1000  }
0x15: {  	[sflag:s7] =	ssyncset.done $0x0  }
0x16: {  	[sflag:s7] =	ssyncadd.s32 $0xFFFFF000  }
.LBB2_1:
0x17: {  	[tilespmem:s2], [sflag:$0x9] =	stream.linear.gather [hbm4b:s4+s2], $0x6400, $0x38;
	[tilespmem:$0x13C00] =	vst v63  }
0x18: {  	_ =	swait.ge [sflag:s7], $0x6400  }
0x19: {  	[sflag:s7] =	ssyncset.done $0x0  }
0x1a: {  	s0 =	simm.s32 $0x0;
	s1 =	simm.s32 $0x40;
	[sflag:s7] =	ssyncadd.s32 $0xFFFF9C00  }
.LBB2_2:
0x1b: {  	p0 =	sne.s32 s1, $0x18C0;
	v0 =	vld [tilespmem:s0+$0x0];
	_ =	sdelay $0x4  }
0x1c: {  	v1 =	vshll.u32 v0, $0x2  }
0x1d: {  	vm0 =	vgt.s32 v0, $0x3E7FF;
	v2 =	vadd.s32 $0xFFF06001, v1  }
0x1e: {  	v1 =	vsel vm0, v2, v1  }
.Ltmp2:
0x1f: {  	vm0 =	vgt.s32 v0, $0x7CFFF;
	v2 =	vadd.s32 $0xFFF06001, v1;
	(pc) =	sbr.rel @p0 .LBB2_2-.Ltmp2, $4  }
0x20: {  	v1 =	vsel vm0, v2, v1  }
0x21: {  	vm0 =	vgt.s32 v0, $0xBB7FF;
	v0 =	vadd.s32 $0xFFF06001, v1  }
0x22: {  	v0 =	vsel vm0, v0, v1  }
0x23: {  	[tilespmem:s0+$0x0] =	vst v0;
	s0 =	sshra.s32 s1, $0x2;
	s1 =	sadd.s32 $0x40, s1  }
0x24: {  	v0 =	vld [tilespmem:s0+$0x0];
	_ =	sdelay $0x4  }
0x25: {  	v1 =	vshll.u32 v0, $0x2  }
0x26: {  	vm0 =	vgt.s32 v0, $0x3E7FF;
	v2 =	vadd.s32 $0xFFF06001, v1  }
0x27: {  	v1 =	vsel vm0, v2, v1  }
0x28: {  	vm14 =	vgt.s32 v0, $0x7CFFF;
	v2 =	vadd.s32 $0xFFF06001, v1  }
0x29: {  	v1 =	vsel vm14, v2, v1  }
0x2a: {  	vm15 =	vgt.s32 v0, $0xBB7FF;
	v63 =	vadd.s32 $0xFFF06001, v1  }
0x2b: {  	v0 =	vsel vm15, v63, v1  }
0x2c: {  	s12 =	simm.s32 $0x6400;
	[tilespmem:s0+$0x0] =	vst v0  }
0x2d: {  	[tilespmem:s12], [sflag:$0x1] =	stream.indirect.gather [hbm4b:s3+s8], $0x20, s28, s8, $0xb8;
	[tilespmem:$0x13C00] =	vst v63  }
0x2e: {  	s13 =	simm.s32 $0x7400  }
0x2f: {  	[tilespmem:s13], [sflag:$0x1] =	stream.indirect.gather [hbm4b:s3+s10], $0x20, s8, s10, $0xb8;
	[tilespmem:$0x13C00] =	vst v63  }
0x30: {  	s31 =	simm.s32 $0xC8;
	s1 =	simm.s32 $0x7D00  }
0x31: {  	[tilespmem:s1], [sflag:$0x2] =	stream.indirect.gather [hbm4b:s3+s8], $0x20, s31, s8, $0xb8;
	[tilespmem:$0x13C00] =	vst v63  }
0x32: {  	s9 =	simm.s32 $0x8D00;
	s1 =	simm.s32 $0x148  }
0x33: {  	[tilespmem:s9], [sflag:$0x2] =	stream.indirect.gather [hbm4b:s3+s10], $0x20, s1, s10, $0xb8;
	[tilespmem:$0x13C00] =	vst v63  }
0x34: {  	s11 =	simm.s32 $0x190;
	s12 =	simm.s32 $0x9600  }
0x35: {  	[tilespmem:s12], [sflag:$0x3] =	stream.indirect.gather [hbm4b:s3+s8], $0x20, s11, s8, $0xb8;
	[tilespmem:$0x13C00] =	vst v63  }
0x36: {  	s13 =	simm.s32 $0x210;
	s31 =	simm.s32 $0xA600  }
0x37: {  	[tilespmem:s31], [sflag:$0x3] =	stream.indirect.gather [hbm4b:s3+s10], $0x20, s13, s10, $0xb8;
	[tilespmem:$0x13C00] =	vst v63  }
0x38: {  	s1 =	simm.s32 $0x258;
	s9 =	simm.s32 $0xAF00  }
0x39: {  	[tilespmem:s9], [sflag:$0x4] =	stream.indirect.gather [hbm4b:s3+s8], $0x20, s1, s8, $0xb8;
	[tilespmem:$0x13C00] =	vst v63  }
0x3a: {  	s11 =	simm.s32 $0x2D8;
	s12 =	simm.s32 $0xBF00  }
0x3b: {  	[tilespmem:s12], [sflag:$0x4] =	stream.indirect.gather [hbm4b:s3+s10], $0x20, s11, s10, $0xb8;
	[tilespmem:$0x13C00] =	vst v63  }
0x3c: {  	s13 =	simm.s32 $0x320;
	s31 =	simm.s32 $0xC800  }
0x3d: {  	[tilespmem:s31], [sflag:$0x5] =	stream.indirect.gather [hbm4b:s3+s8], $0x20, s13, s8, $0xb8;
	[tilespmem:$0x13C00] =	vst v63  }
0x3e: {  	s1 =	simm.s32 $0x3A0;
	s9 =	simm.s32 $0xD800  }
0x3f: {  	[tilespmem:s9], [sflag:$0x5] =	stream.indirect.gather [hbm4b:s3+s10], $0x20, s1, s10, $0xb8;
	[tilespmem:$0x13C00] =	vst v63  }
0x40: {  	s11 =	simm.s32 $0x3E8;
	s12 =	simm.s32 $0xE100  }
0x41: {  	[tilespmem:s12], [sflag:$0x6] =	stream.indirect.gather [hbm4b:s3+s8], $0x20, s11, s8, $0xb8;
	[tilespmem:$0x13C00] =	vst v63  }
0x42: {  	s13 =	simm.s32 $0x468;
	s31 =	simm.s32 $0xF100  }
0x43: {  	[tilespmem:s31], [sflag:$0x6] =	stream.indirect.gather [hbm4b:s3+s10], $0x20, s13, s10, $0xb8;
	[tilespmem:$0x13C00] =	vst v63  }
0x44: {  	s9 =	simm.s32 $0x4B0;
	s11 =	simm.s32 $0xFA00  }
0x45: {  	[tilespmem:s11], [sflag:$0x7] =	stream.indirect.gather [hbm4b:s3+s8], $0x20, s9, s8, $0xb8;
	[tilespmem:$0x13C00] =	vst v63  }
0x46: {  	s12 =	simm.s32 $0x530;
	s13 =	simm.s32 $0x10A00  }
0x47: {  	[tilespmem:s13], [sflag:$0x7] =	stream.indirect.gather [hbm4b:s3+s10], $0x20, s12, s10, $0xb8;
	[tilespmem:$0x13C00] =	vst v63  }
0x48: {  	s31 =	simm.s32 $0x578  }
0x49: {  	[tilespmem:s14], [sflag:$0x8] =	stream.indirect.gather [hbm4b:s3+s8], $0x20, s31, s8, $0xb8;
	[tilespmem:$0x13C00] =	vst v63  }
0x4a: {  	s29 =	simm.s32 $0x640;
	s30 =	simm.s32 $0x0  }
0x4b: {  	[tilespmem:s16], [sflag:$0x8] =	stream.indirect.gather [hbm4b:s3+s10], $0x20, s15, s10, $0xb8;
	[tilespmem:$0x13C00] =	vst v63  }
.LBB2_4:
0x4c: {  	p0 =	seq.s32 s30, $0xF  }
.Ltmp3:
0x4d: {  	_ = 	snop;
	(pc) =	sbr.rel @p0 .LBB2_8-.Ltmp3, $1  }
0x4e: {  	_ =	sdelay $0x3  }
0x4f: {  	s0 =	sshra.s32 s28, $0x2  }
0x50: {  	s0 =	sadd.s32 s0, s29  }
0x51: {  	v0 =	vld [tilespmem:s0+$0x0];
	_ =	sdelay $0x4  }
0x52: {  	v1 =	vshll.u32 v0, $0x2  }
0x53: {  	vm0 =	vgt.s32 v0, $0x3E7FF;
	v2 =	vadd.s32 $0xFFF06001, v1  }
0x54: {  	v1 =	vsel vm0, v2, v1  }
0x55: {  	vm14 =	vgt.s32 v0, $0x7CFFF;
	v2 =	vadd.s32 $0xFFF06001, v1  }
0x56: {  	v1 =	vsel vm14, v2, v1  }
0x57: {  	s1 =	sadd.s32 $0x40, s28;
	vm15 =	vgt.s32 v0, $0xBB7FF;
	v0 =	vadd.s32 $0xFFF06001, v1  }
0x58: {  	s9 =	sshra.s32 s1, $0x2;
	s1 =	sadd.s32 $0x40, s1;
	v0 =	vsel vm15, v0, v1  }
.LBB2_6:
0x59: {  	p1 =	sne.s32 s1, $0x18C0;
	[tilespmem:s0+$0x0] =	vst v0;
	s0 =	sadd.s32 s9, s29  }
0x5a: {  	v0 =	vld [tilespmem:s0+$0x0];
	_ =	sdelay $0x4  }
0x5b: {  	v1 =	vshll.u32 v0, $0x2  }
0x5c: {  	vm0 =	vgt.s32 v0, $0x3E7FF;
	v2 =	vadd.s32 $0xFFF06001, v1  }
.Ltmp4:
0x5d: {  	v1 =	vsel vm0, v2, v1;
	(pc) =	sbr.rel @p1 .LBB2_6-.Ltmp4, $4  }
0x5e: {  	vm0 =	vgt.s32 v0, $0x7CFFF;
	v2 =	vadd.s32 $0xFFF06001, v1  }
0x5f: {  	v1 =	vsel vm0, v2, v1  }
0x60: {  	vm0 =	vgt.s32 v0, $0xBB7FF;
	v0 =	vadd.s32 $0xFFF06001, v1  }
0x61: {  	s9 =	sshra.s32 s1, $0x2;
	s1 =	sadd.s32 $0x40, s1;
	v0 =	vsel vm0, v0, v1  }
0x62: {  	s1 =	sadd.s32 s9, s29;
	[tilespmem:s0+$0x0] =	vst v0  }
0x63: {  	v0 =	vld [tilespmem:s1+$0x0];
	_ =	sdelay $0x4  }
0x64: {  	v1 =	vshll.u32 v0, $0x2  }
0x65: {  	vm0 =	vgt.s32 v0, $0x3E7FF;
	v2 =	vadd.s32 $0xFFF06001, v1  }
0x66: {  	v1 =	vsel vm0, v2, v1  }
0x67: {  	vm14 =	vgt.s32 v0, $0x7CFFF;
	v2 =	vadd.s32 $0xFFF06001, v1  }
0x68: {  	v1 =	vsel vm14, v2, v1  }
0x69: {  	vm15 =	vgt.s32 v0, $0xBB7FF;
	v63 =	vadd.s32 $0xFFF06001, v1  }
0x6a: {  	v0 =	vsel vm15, v63, v1  }
0x6b: {  	[tilespmem:s1+$0x0] =	vst v0  }
.LBB2_8:
0x6c: {  	_ =	swait.ge [sflag:s17], $0x1000  }
0x6d: {  	[sflag:s17] =	ssyncset.done $0x0  }
0x6e: {  	[sflag:s17] =	ssyncadd.s32 $0xFFFFF000  }
0x6f: {  	_ =	swait.ge [sflag:s17], $0x900  }
0x70: {  	[sflag:s17] =	ssyncset.done $0x0  }
0x71: {  	s0 =	simm.s32 $0x0;
	[sflag:s17] =	ssyncadd.s32 $0xFFFFF700  }
0x72: {  	v1 =	vld [tilespmem:s0+$0x64C0]  }
0x73: {  	v0 =	vld [tilespmem:s0+$0x64D0]  }
0x74: {  	v3 =	vld [tilespmem:s0+$0x6480]  }
0x75: {  	v2 =	vld [tilespmem:s0+$0x6490]  }
0x76: {  	v4 =	vld [tilespmem:s0+$0x6440]  }
0x77: {  	v5 =	vld [tilespmem:s0+$0x6450]  }
0x78: {  	v10 =	vld [tilespmem:s0+$0x6400]  }
0x79: {  	v6 =	vimm.f32 $0.0e+00;
	v11 =	vld [tilespmem:s0+$0x6410]  }
0x7a: {  	s31 =	sadd.s32 $0x1, s30;
	s1 =	simm.s32 $0x400;
	v7 =	vimm.f32 $0.0e+00;
	v9 =	vimm.f32 $0.0e+00;
	v8 =	vimm.f32 $0.0e+00;
	v12 =	vld [tilespmem:s0+$0x6420]  }
.LBB2_9:
0x7b: {  	p1 =	sne.s32 s1, $0x6000;
	v13 =	vld [tilespmem:s0+$0x6430]  }
0x7c: {  	v14 =	vld [tilespmem:s0+$0x6460]  }
0x7d: {  	v15 =	vld [tilespmem:s0+$0x6470]  }
0x7e: {  	v16 =	vld [tilespmem:s0+$0x64A0]  }
0x7f: {  	v6 =	vadd.f32 v10, v6;
	v7 =	vadd.f32 v11, v7;
	v10 =	vld [tilespmem:s0+$0x64B0]  }
0x80: {  	v9 =	vadd.f32 v12, v9;
	v8 =	vadd.f32 v13, v8;
	v11 =	vld [tilespmem:s0+$0x64E0]  }
0x81: {  	v4 =	vadd.f32 v4, v6;
	v5 =	vadd.f32 v5, v7;
	v12 =	vld [tilespmem:s0+$0x64F0];
	s0 =	sshra.s32 s1, $0x2  }
0x82: {  	v6 =	vadd.f32 v14, v9;
	v13 =	vld [tilespmem:s0+$0x64C0];
	v7 =	vadd.f32 v15, v8  }
0x83: {  	v4 =	vadd.f32 v3, v4;
	v5 =	vadd.f32 v2, v5;
	v14 =	vld [tilespmem:s0+$0x64D0]  }
0x84: {  	v8 =	vadd.f32 v16, v6;
	v3 =	vld [tilespmem:s0+$0x6480];
	v10 =	vadd.f32 v10, v7  }
0x85: {  	v6 =	vadd.f32 v1, v4;
	v7 =	vadd.f32 v0, v5;
	v2 =	vld [tilespmem:s0+$0x6490]  }
.Ltmp5:
0x86: {  	v9 =	vadd.f32 v11, v8;
	v4 =	vld [tilespmem:s0+$0x6440];
	v8 =	vadd.f32 v12, v10;
	(pc) =	sbr.rel @p1 .LBB2_9-.Ltmp5, $4  }
0x87: {  	v5 =	vld [tilespmem:s0+$0x6450];
	v1 =	vmov v13  }
0x88: {  	v10 =	vld [tilespmem:s0+$0x6400];
	v0 =	vmov v14  }
0x89: {  	v11 =	vld [tilespmem:s0+$0x6410]  }
0x8a: {  	s1 =	sadd.s32 $0x400, s1;
	v12 =	vld [tilespmem:s0+$0x6420]  }
0x8b: {  	v13 =	vld [tilespmem:s0+$0x6430]  }
0x8c: {  	v14 =	vld [tilespmem:s0+$0x6460]  }
0x8d: {  	v15 =	vld [tilespmem:s0+$0x6470]  }
0x8e: {  	v16 =	vld [tilespmem:s0+$0x64A0]  }
0x8f: {  	v6 =	vadd.f32 v10, v6;
	v10 =	vld [tilespmem:s0+$0x64B0];
	v9 =	vadd.f32 v12, v9  }
0x90: {  	v7 =	vadd.f32 v11, v7;
	v11 =	vld [tilespmem:s0+$0x64E0];
	v8 =	vadd.f32 v13, v8  }
0x91: {  	s1 =	smul.u32 @!p0 $0x1900, s30;
	v4 =	vadd.f32 v4, v6;
	v6 =	vld [tilespmem:s0+$0x64F0];
	v9 =	vadd.f32 v14, v9  }
0x92: {  	v5 =	vadd.f32 v5, v7;
	v7 =	vadd.f32 v15, v8  }
0x93: {  	s9 =	simm.s32 @!p0 $0x80;
	s0 =	sshra.s32 @!p0 s1, $0x2;
	v3 =	vadd.f32 v3, v4;
	v4 =	vadd.f32 v16, v9  }
0x94: {  	s11 =	simm.s32 @!p0 $0x6400;
	s13 =	sshll.u32 s30, $0x8;
	s1 =	sadd.s32 @!p0 $0x640, s0;
	v2 =	vadd.f32 v2, v5;
	v5 =	vadd.f32 v10, v7  }
0x95: {  	[tilespmem:s11], [sflag:$0x1] =	stream.indirect.gather @!p0 [hbm4b:s3+s9], $0x20, s1, s9, $0xb8;
	v1 =	vadd.f32 v1, v3;
	v3 =	vadd.f32 v11, v4;
	[tilespmem:$0x13C00] =	vst v63  }
0x96: {  	s0 =	sadd.s32 @!p0 $0x6C0, s0;
	s1 =	simm.s32 @!p0 $0x48;
	s9 =	simm.s32 @!p0 $0x7400;
	v0 =	vadd.f32 v0, v2;
	v2 =	vadd.f32 v6, v5  }
0x97: {  	[tilespmem:s9], [sflag:$0x1] =	stream.indirect.gather @!p0 [hbm4b:s3+s1], $0x20, s0, s1, $0xb8;
	v1 =	vadd.f32 v3, v1;
	[tilespmem:$0x13C00] =	vst v63  }
0x98: {  	s0 =	sand.u32 $0x3FFFFF00, s13;
	v0 =	vadd.f32 v2, v0  }
0x99: {  	[tilespmem:s0+$0x12C00] =	vst v1  }
0x9a: {  	[tilespmem:s0+$0x12C10] =	vst v0  }
0x9b: {  	_ =	swait.ge [sflag:s18], $0x1000  }
0x9c: {  	[sflag:s18] =	ssyncset.done $0x0  }
0x9d: {  	[sflag:s18] =	ssyncadd.s32 $0xFFFFF000  }
0x9e: {  	_ =	swait.ge [sflag:s18], $0x900  }
0x9f: {  	[sflag:s18] =	ssyncset.done $0x0  }
0xa0: {  	s0 =	simm.s32 $0x0;
	[sflag:s18] =	ssyncadd.s32 $0xFFFFF700  }
0xa1: {  	v1 =	vld [tilespmem:s0+$0x7DC0]  }
0xa2: {  	v0 =	vld [tilespmem:s0+$0x7DD0]  }
0xa3: {  	v3 =	vld [tilespmem:s0+$0x7D80]  }
0xa4: {  	v2 =	vld [tilespmem:s0+$0x7D90]  }
0xa5: {  	v4 =	vld [tilespmem:s0+$0x7D40]  }
0xa6: {  	v5 =	vld [tilespmem:s0+$0x7D50]  }
0xa7: {  	v10 =	vld [tilespmem:s0+$0x7D00]  }
0xa8: {  	v8 =	vimm.f32 $0.0e+00;
	v11 =	vld [tilespmem:s0+$0x7D10]  }
0xa9: {  	s1 =	sshll.u32 s30, $0x3;
	s9 =	simm.s32 $0x400;
	v9 =	vimm.f32 $0.0e+00;
	v7 =	vimm.f32 $0.0e+00;
	v6 =	vimm.f32 $0.0e+00;
	v12 =	vld [tilespmem:s0+$0x7D20]  }
.LBB2_11:
0xaa: {  	p1 =	sne.s32 s9, $0x6000;
	v13 =	vld [tilespmem:s0+$0x7D30]  }
0xab: {  	v14 =	vld [tilespmem:s0+$0x7D60]  }
0xac: {  	v15 =	vld [tilespmem:s0+$0x7D70]  }
0xad: {  	v16 =	vld [tilespmem:s0+$0x7DA0]  }
0xae: {  	v6 =	vadd.f32 v10, v6;
	v7 =	vadd.f32 v11, v7;
	v10 =	vld [tilespmem:s0+$0x7DB0]  }
0xaf: {  	v9 =	vadd.f32 v12, v9;
	v8 =	vadd.f32 v13, v8;
	v11 =	vld [tilespmem:s0+$0x7DE0]  }
0xb0: {  	v4 =	vadd.f32 v4, v6;
	v5 =	vadd.f32 v5, v7;
	v12 =	vld [tilespmem:s0+$0x7DF0];
	s0 =	sshra.s32 s9, $0x2  }
0xb1: {  	v6 =	vadd.f32 v14, v9;
	v13 =	vld [tilespmem:s0+$0x7DC0];
	v7 =	vadd.f32 v15, v8  }
0xb2: {  	v4 =	vadd.f32 v3, v4;
	v5 =	vadd.f32 v2, v5;
	v14 =	vld [tilespmem:s0+$0x7DD0]  }
0xb3: {  	v8 =	vadd.f32 v16, v6;
	v3 =	vld [tilespmem:s0+$0x7D80];
	v10 =	vadd.f32 v10, v7  }
0xb4: {  	v6 =	vadd.f32 v1, v4;
	v7 =	vadd.f32 v0, v5;
	v2 =	vld [tilespmem:s0+$0x7D90]  }
.Ltmp6:
0xb5: {  	v9 =	vadd.f32 v11, v8;
	v4 =	vld [tilespmem:s0+$0x7D40];
	v8 =	vadd.f32 v12, v10;
	(pc) =	sbr.rel @p1 .LBB2_11-.Ltmp6, $4  }
0xb6: {  	v5 =	vld [tilespmem:s0+$0x7D50];
	v1 =	vmov v13  }
0xb7: {  	v10 =	vld [tilespmem:s0+$0x7D00];
	v0 =	vmov v14  }
0xb8: {  	v11 =	vld [tilespmem:s0+$0x7D10]  }
0xb9: {  	s9 =	sadd.s32 $0x400, s9;
	v12 =	vld [tilespmem:s0+$0x7D20]  }
0xba: {  	v13 =	vld [tilespmem:s0+$0x7D30]  }
0xbb: {  	v14 =	vld [tilespmem:s0+$0x7D60]  }
0xbc: {  	v15 =	vld [tilespmem:s0+$0x7D70]  }
0xbd: {  	v16 =	vld [tilespmem:s0+$0x7DA0]  }
0xbe: {  	v6 =	vadd.f32 v10, v6;
	v10 =	vld [tilespmem:s0+$0x7DB0];
	v9 =	vadd.f32 v12, v9  }
0xbf: {  	s9 =	sor.u32 $0x1, s1;
	v7 =	vadd.f32 v11, v7;
	v11 =	vld [tilespmem:s0+$0x7DE0];
	v8 =	vadd.f32 v13, v8  }
0xc0: {  	s11 =	smul.u32 @!p0 $0x320, s9;
	v4 =	vadd.f32 v4, v6;
	v6 =	vld [tilespmem:s0+$0x7DF0];
	v9 =	vadd.f32 v14, v9  }
0xc1: {  	v5 =	vadd.f32 v5, v7;
	v7 =	vadd.f32 v15, v8  }
0xc2: {  	s12 =	simm.s32 @!p0 $0x80;
	s0 =	sshra.s32 @!p0 s11, $0x2;
	v3 =	vadd.f32 v3, v4;
	v4 =	vadd.f32 v16, v9  }
0xc3: {  	s13 =	simm.s32 @!p0 $0x7D00;
	s11 =	sadd.s32 @!p0 $0x640, s0;
	s0 =	sadd.s32 @!p0 $0x6C0, s0;
	v2 =	vadd.f32 v2, v5;
	v5 =	vadd.f32 v10, v7  }
0xc4: {  	[tilespmem:s13], [sflag:$0x2] =	stream.indirect.gather @!p0 [hbm4b:s3+s12], $0x20, s11, s12, $0xb8;
	v1 =	vadd.f32 v1, v3;
	v3 =	vadd.f32 v11, v4;
	[tilespmem:$0x13C00] =	vst v63  }
0xc5: {  	s11 =	simm.s32 @!p0 $0x48;
	s12 =	simm.s32 @!p0 $0x8D00;
	s13 =	sshll.u32 s9, $0x5;
	v0 =	vadd.f32 v0, v2;
	v2 =	vadd.f32 v6, v5  }
0xc6: {  	[tilespmem:s12], [sflag:$0x2] =	stream.indirect.gather @!p0 [hbm4b:s3+s11], $0x20, s0, s11, $0xb8;
	v1 =	vadd.f32 v3, v1;
	[tilespmem:$0x13C00] =	vst v63  }
0xc7: {  	s0 =	sand.u32 $0x3FFFFFE0, s13;
	v0 =	vadd.f32 v2, v0  }
0xc8: {  	[tilespmem:s0+$0x12C00] =	vst v1  }
0xc9: {  	[tilespmem:s0+$0x12C10] =	vst v0  }
0xca: {  	_ =	swait.ge [sflag:s19], $0x1000  }
0xcb: {  	[sflag:s19] =	ssyncset.done $0x0  }
0xcc: {  	[sflag:s19] =	ssyncadd.s32 $0xFFFFF000  }
0xcd: {  	_ =	swait.ge [sflag:s19], $0x900  }
0xce: {  	[sflag:s19] =	ssyncset.done $0x0  }
0xcf: {  	s0 =	simm.s32 $0x0;
	[sflag:s19] =	ssyncadd.s32 $0xFFFFF700  }
0xd0: {  	v1 =	vld [tilespmem:s0+$0x96C0]  }
0xd1: {  	v0 =	vld [tilespmem:s0+$0x96D0]  }
0xd2: {  	v3 =	vld [tilespmem:s0+$0x9680]  }
0xd3: {  	v2 =	vld [tilespmem:s0+$0x9690]  }
0xd4: {  	v4 =	vld [tilespmem:s0+$0x9640]  }
0xd5: {  	v5 =	vld [tilespmem:s0+$0x9650]  }
0xd6: {  	v10 =	vld [tilespmem:s0+$0x9600]  }
0xd7: {  	v8 =	vimm.f32 $0.0e+00;
	v11 =	vld [tilespmem:s0+$0x9610]  }
0xd8: {  	s9 =	simm.s32 $0x400;
	v9 =	vimm.f32 $0.0e+00;
	v7 =	vimm.f32 $0.0e+00;
	v6 =	vimm.f32 $0.0e+00;
	v12 =	vld [tilespmem:s0+$0x9620]  }
.LBB2_13:
0xd9: {  	p1 =	sne.s32 s9, $0x6000;
	v13 =	vld [tilespmem:s0+$0x9630]  }
0xda: {  	v14 =	vld [tilespmem:s0+$0x9660]  }
0xdb: {  	v15 =	vld [tilespmem:s0+$0x9670]  }
0xdc: {  	v16 =	vld [tilespmem:s0+$0x96A0]  }
0xdd: {  	v6 =	vadd.f32 v10, v6;
	v7 =	vadd.f32 v11, v7;
	v10 =	vld [tilespmem:s0+$0x96B0]  }
0xde: {  	v9 =	vadd.f32 v12, v9;
	v8 =	vadd.f32 v13, v8;
	v11 =	vld [tilespmem:s0+$0x96E0]  }
0xdf: {  	v4 =	vadd.f32 v4, v6;
	v5 =	vadd.f32 v5, v7;
	v12 =	vld [tilespmem:s0+$0x96F0];
	s0 =	sshra.s32 s9, $0x2  }
0xe0: {  	v6 =	vadd.f32 v14, v9;
	v13 =	vld [tilespmem:s0+$0x96C0];
	v7 =	vadd.f32 v15, v8  }
0xe1: {  	v4 =	vadd.f32 v3, v4;
	v5 =	vadd.f32 v2, v5;
	v14 =	vld [tilespmem:s0+$0x96D0]  }
0xe2: {  	v8 =	vadd.f32 v16, v6;
	v3 =	vld [tilespmem:s0+$0x9680];
	v10 =	vadd.f32 v10, v7  }
0xe3: {  	v6 =	vadd.f32 v1, v4;
	v7 =	vadd.f32 v0, v5;
	v2 =	vld [tilespmem:s0+$0x9690]  }
.Ltmp7:
0xe4: {  	v9 =	vadd.f32 v11, v8;
	v4 =	vld [tilespmem:s0+$0x9640];
	v8 =	vadd.f32 v12, v10;
	(pc) =	sbr.rel @p1 .LBB2_13-.Ltmp7, $4  }
0xe5: {  	v5 =	vld [tilespmem:s0+$0x9650];
	v1 =	vmov v13  }
0xe6: {  	v10 =	vld [tilespmem:s0+$0x9600];
	v0 =	vmov v14  }
0xe7: {  	v11 =	vld [tilespmem:s0+$0x9610]  }
0xe8: {  	s9 =	sadd.s32 $0x400, s9;
	v12 =	vld [tilespmem:s0+$0x9620]  }
0xe9: {  	v13 =	vld [tilespmem:s0+$0x9630]  }
0xea: {  	v14 =	vld [tilespmem:s0+$0x9660]  }
0xeb: {  	v15 =	vld [tilespmem:s0+$0x9670]  }
0xec: {  	v16 =	vld [tilespmem:s0+$0x96A0]  }
0xed: {  	v6 =	vadd.f32 v10, v6;
	v10 =	vld [tilespmem:s0+$0x96B0];
	v9 =	vadd.f32 v12, v9  }
0xee: {  	s9 =	sor.u32 $0x2, s1;
	v7 =	vadd.f32 v11, v7;
	v11 =	vld [tilespmem:s0+$0x96E0];
	v8 =	vadd.f32 v13, v8  }
0xef: {  	s11 =	smul.u32 @!p0 $0x320, s9;
	v4 =	vadd.f32 v4, v6;
	v6 =	vld [tilespmem:s0+$0x96F0];
	v9 =	vadd.f32 v14, v9  }
0xf0: {  	v5 =	vadd.f32 v5, v7;
	v7 =	vadd.f32 v15, v8  }
0xf1: {  	s12 =	simm.s32 @!p0 $0x80;
	s0 =	sshra.s32 @!p0 s11, $0x2;
	v3 =	vadd.f32 v3, v4;
	v4 =	vadd.f32 v16, v9  }
0xf2: {  	s13 =	simm.s32 @!p0 $0x9600;
	s11 =	sadd.s32 @!p0 $0x640, s0;
	s0 =	sadd.s32 @!p0 $0x6C0, s0;
	v2 =	vadd.f32 v2, v5;
	v5 =	vadd.f32 v10, v7  }
0xf3: {  	[tilespmem:s13], [sflag:$0x3] =	stream.indirect.gather @!p0 [hbm4b:s3+s12], $0x20, s11, s12, $0xb8;
	v1 =	vadd.f32 v1, v3;
	v3 =	vadd.f32 v11, v4;
	[tilespmem:$0x13C00] =	vst v63  }
0xf4: {  	s11 =	simm.s32 @!p0 $0x48;
	s12 =	simm.s32 @!p0 $0xA600;
	s13 =	sshll.u32 s9, $0x5;
	v0 =	vadd.f32 v0, v2;
	v2 =	vadd.f32 v6, v5  }
0xf5: {  	[tilespmem:s12], [sflag:$0x3] =	stream.indirect.gather @!p0 [hbm4b:s3+s11], $0x20, s0, s11, $0xb8;
	v1 =	vadd.f32 v3, v1;
	[tilespmem:$0x13C00] =	vst v63  }
0xf6: {  	s0 =	sand.u32 $0x3FFFFFE0, s13;
	v0 =	vadd.f32 v2, v0  }
0xf7: {  	[tilespmem:s0+$0x12C00] =	vst v1  }
0xf8: {  	[tilespmem:s0+$0x12C10] =	vst v0  }
0xf9: {  	_ =	swait.ge [sflag:s20], $0x1000  }
0xfa: {  	[sflag:s20] =	ssyncset.done $0x0  }
0xfb: {  	[sflag:s20] =	ssyncadd.s32 $0xFFFFF000  }
0xfc: {  	_ =	swait.ge [sflag:s20], $0x900  }
0xfd: {  	[sflag:s20] =	ssyncset.done $0x0  }
0xfe: {  	s0 =	simm.s32 $0x0;
	[sflag:s20] =	ssyncadd.s32 $0xFFFFF700  }
0xff: {  	v1 =	vld [tilespmem:s0+$0xAFC0]  }
0x100: {  	v0 =	vld [tilespmem:s0+$0xAFD0]  }
0x101: {  	v3 =	vld [tilespmem:s0+$0xAF80]  }
0x102: {  	v2 =	vld [tilespmem:s0+$0xAF90]  }
0x103: {  	v4 =	vld [tilespmem:s0+$0xAF40]  }
0x104: {  	v5 =	vld [tilespmem:s0+$0xAF50]  }
0x105: {  	v10 =	vld [tilespmem:s0+$0xAF00]  }
0x106: {  	v8 =	vimm.f32 $0.0e+00;
	v11 =	vld [tilespmem:s0+$0xAF10]  }
0x107: {  	s9 =	simm.s32 $0x400;
	v9 =	vimm.f32 $0.0e+00;
	v7 =	vimm.f32 $0.0e+00;
	v6 =	vimm.f32 $0.0e+00;
	v12 =	vld [tilespmem:s0+$0xAF20]  }
.LBB2_15:
0x108: {  	p1 =	sne.s32 s9, $0x6000;
	v13 =	vld [tilespmem:s0+$0xAF30]  }
0x109: {  	v14 =	vld [tilespmem:s0+$0xAF60]  }
0x10a: {  	v15 =	vld [tilespmem:s0+$0xAF70]  }
0x10b: {  	v16 =	vld [tilespmem:s0+$0xAFA0]  }
0x10c: {  	v6 =	vadd.f32 v10, v6;
	v7 =	vadd.f32 v11, v7;
	v10 =	vld [tilespmem:s0+$0xAFB0]  }
0x10d: {  	v9 =	vadd.f32 v12, v9;
	v8 =	vadd.f32 v13, v8;
	v11 =	vld [tilespmem:s0+$0xAFE0]  }
0x10e: {  	v4 =	vadd.f32 v4, v6;
	v5 =	vadd.f32 v5, v7;
	v12 =	vld [tilespmem:s0+$0xAFF0];
	s0 =	sshra.s32 s9, $0x2  }
0x10f: {  	v6 =	vadd.f32 v14, v9;
	v13 =	vld [tilespmem:s0+$0xAFC0];
	v7 =	vadd.f32 v15, v8  }
0x110: {  	v4 =	vadd.f32 v3, v4;
	v5 =	vadd.f32 v2, v5;
	v14 =	vld [tilespmem:s0+$0xAFD0]  }
0x111: {  	v8 =	vadd.f32 v16, v6;
	v3 =	vld [tilespmem:s0+$0xAF80];
	v10 =	vadd.f32 v10, v7  }
0x112: {  	v6 =	vadd.f32 v1, v4;
	v7 =	vadd.f32 v0, v5;
	v2 =	vld [tilespmem:s0+$0xAF90]  }
.Ltmp8:
0x113: {  	v9 =	vadd.f32 v11, v8;
	v4 =	vld [tilespmem:s0+$0xAF40];
	v8 =	vadd.f32 v12, v10;
	(pc) =	sbr.rel @p1 .LBB2_15-.Ltmp8, $4  }
0x114: {  	v5 =	vld [tilespmem:s0+$0xAF50];
	v1 =	vmov v13  }
0x115: {  	v10 =	vld [tilespmem:s0+$0xAF00];
	v0 =	vmov v14  }
0x116: {  	v11 =	vld [tilespmem:s0+$0xAF10]  }
0x117: {  	s9 =	sadd.s32 $0x400, s9;
	v12 =	vld [tilespmem:s0+$0xAF20]  }
0x118: {  	v13 =	vld [tilespmem:s0+$0xAF30]  }
0x119: {  	v14 =	vld [tilespmem:s0+$0xAF60]  }
0x11a: {  	v15 =	vld [tilespmem:s0+$0xAF70]  }
0x11b: {  	v16 =	vld [tilespmem:s0+$0xAFA0]  }
0x11c: {  	v6 =	vadd.f32 v10, v6;
	v10 =	vld [tilespmem:s0+$0xAFB0];
	v9 =	vadd.f32 v12, v9  }
0x11d: {  	s9 =	sor.u32 $0x3, s1;
	v7 =	vadd.f32 v11, v7;
	v11 =	vld [tilespmem:s0+$0xAFE0];
	v8 =	vadd.f32 v13, v8  }
0x11e: {  	s11 =	smul.u32 @!p0 $0x320, s9;
	v4 =	vadd.f32 v4, v6;
	v6 =	vld [tilespmem:s0+$0xAFF0];
	v9 =	vadd.f32 v14, v9  }
0x11f: {  	v5 =	vadd.f32 v5, v7;
	v7 =	vadd.f32 v15, v8  }
0x120: {  	s12 =	simm.s32 @!p0 $0x80;
	s0 =	sshra.s32 @!p0 s11, $0x2;
	v3 =	vadd.f32 v3, v4;
	v4 =	vadd.f32 v16, v9  }
0x121: {  	s13 =	simm.s32 @!p0 $0xAF00;
	s11 =	sadd.s32 @!p0 $0x640, s0;
	s0 =	sadd.s32 @!p0 $0x6C0, s0;
	v2 =	vadd.f32 v2, v5;
	v5 =	vadd.f32 v10, v7  }
0x122: {  	[tilespmem:s13], [sflag:$0x4] =	stream.indirect.gather @!p0 [hbm4b:s3+s12], $0x20, s11, s12, $0xb8;
	v1 =	vadd.f32 v1, v3;
	v3 =	vadd.f32 v11, v4;
	[tilespmem:$0x13C00] =	vst v63  }
0x123: {  	s11 =	simm.s32 @!p0 $0x48;
	s12 =	simm.s32 @!p0 $0xBF00;
	s13 =	sshll.u32 s9, $0x5;
	v0 =	vadd.f32 v0, v2;
	v2 =	vadd.f32 v6, v5  }
0x124: {  	[tilespmem:s12], [sflag:$0x4] =	stream.indirect.gather @!p0 [hbm4b:s3+s11], $0x20, s0, s11, $0xb8;
	v1 =	vadd.f32 v3, v1;
	[tilespmem:$0x13C00] =	vst v63  }
0x125: {  	s0 =	sand.u32 $0x3FFFFFE0, s13;
	v0 =	vadd.f32 v2, v0  }
0x126: {  	[tilespmem:s0+$0x12C00] =	vst v1  }
0x127: {  	[tilespmem:s0+$0x12C10] =	vst v0  }
0x128: {  	_ =	swait.ge [sflag:s21], $0x1000  }
0x129: {  	[sflag:s21] =	ssyncset.done $0x0  }
0x12a: {  	[sflag:s21] =	ssyncadd.s32 $0xFFFFF000  }
0x12b: {  	_ =	swait.ge [sflag:s21], $0x900  }
0x12c: {  	[sflag:s21] =	ssyncset.done $0x0  }
0x12d: {  	s0 =	simm.s32 $0x0;
	[sflag:s21] =	ssyncadd.s32 $0xFFFFF700  }
0x12e: {  	v1 =	vld [tilespmem:s0+$0xC8C0]  }
0x12f: {  	v0 =	vld [tilespmem:s0+$0xC8D0]  }
0x130: {  	v3 =	vld [tilespmem:s0+$0xC880]  }
0x131: {  	v2 =	vld [tilespmem:s0+$0xC890]  }
0x132: {  	v4 =	vld [tilespmem:s0+$0xC840]  }
0x133: {  	v5 =	vld [tilespmem:s0+$0xC850]  }
0x134: {  	v10 =	vld [tilespmem:s0+$0xC800]  }
0x135: {  	v8 =	vimm.f32 $0.0e+00;
	v11 =	vld [tilespmem:s0+$0xC810]  }
0x136: {  	s9 =	simm.s32 $0x400;
	v9 =	vimm.f32 $0.0e+00;
	v7 =	vimm.f32 $0.0e+00;
	v6 =	vimm.f32 $0.0e+00;
	v12 =	vld [tilespmem:s0+$0xC820]  }
.LBB2_17:
0x137: {  	p1 =	sne.s32 s9, $0x6000;
	v13 =	vld [tilespmem:s0+$0xC830]  }
0x138: {  	v14 =	vld [tilespmem:s0+$0xC860]  }
0x139: {  	v15 =	vld [tilespmem:s0+$0xC870]  }
0x13a: {  	v16 =	vld [tilespmem:s0+$0xC8A0]  }
0x13b: {  	v6 =	vadd.f32 v10, v6;
	v7 =	vadd.f32 v11, v7;
	v10 =	vld [tilespmem:s0+$0xC8B0]  }
0x13c: {  	v9 =	vadd.f32 v12, v9;
	v8 =	vadd.f32 v13, v8;
	v11 =	vld [tilespmem:s0+$0xC8E0]  }
0x13d: {  	v4 =	vadd.f32 v4, v6;
	v5 =	vadd.f32 v5, v7;
	v12 =	vld [tilespmem:s0+$0xC8F0];
	s0 =	sshra.s32 s9, $0x2  }
0x13e: {  	v6 =	vadd.f32 v14, v9;
	v13 =	vld [tilespmem:s0+$0xC8C0];
	v7 =	vadd.f32 v15, v8  }
0x13f: {  	v4 =	vadd.f32 v3, v4;
	v5 =	vadd.f32 v2, v5;
	v14 =	vld [tilespmem:s0+$0xC8D0]  }
0x140: {  	v8 =	vadd.f32 v16, v6;
	v3 =	vld [tilespmem:s0+$0xC880];
	v10 =	vadd.f32 v10, v7  }
0x141: {  	v6 =	vadd.f32 v1, v4;
	v7 =	vadd.f32 v0, v5;
	v2 =	vld [tilespmem:s0+$0xC890]  }
.Ltmp9:
0x142: {  	v9 =	vadd.f32 v11, v8;
	v4 =	vld [tilespmem:s0+$0xC840];
	v8 =	vadd.f32 v12, v10;
	(pc) =	sbr.rel @p1 .LBB2_17-.Ltmp9, $4  }
0x143: {  	v5 =	vld [tilespmem:s0+$0xC850];
	v1 =	vmov v13  }
0x144: {  	v10 =	vld [tilespmem:s0+$0xC800];
	v0 =	vmov v14  }
0x145: {  	v11 =	vld [tilespmem:s0+$0xC810]  }
0x146: {  	s9 =	sadd.s32 $0x400, s9;
	v12 =	vld [tilespmem:s0+$0xC820]  }
0x147: {  	v13 =	vld [tilespmem:s0+$0xC830]  }
0x148: {  	v14 =	vld [tilespmem:s0+$0xC860]  }
0x149: {  	v15 =	vld [tilespmem:s0+$0xC870]  }
0x14a: {  	v16 =	vld [tilespmem:s0+$0xC8A0]  }
0x14b: {  	v6 =	vadd.f32 v10, v6;
	v10 =	vld [tilespmem:s0+$0xC8B0];
	v9 =	vadd.f32 v12, v9  }
0x14c: {  	s9 =	sor.u32 $0x4, s1;
	v7 =	vadd.f32 v11, v7;
	v11 =	vld [tilespmem:s0+$0xC8E0];
	v8 =	vadd.f32 v13, v8  }
0x14d: {  	s11 =	smul.u32 @!p0 $0x320, s9;
	v4 =	vadd.f32 v4, v6;
	v6 =	vld [tilespmem:s0+$0xC8F0];
	v9 =	vadd.f32 v14, v9  }
0x14e: {  	v5 =	vadd.f32 v5, v7;
	v7 =	vadd.f32 v15, v8  }
0x14f: {  	s12 =	simm.s32 @!p0 $0x80;
	s0 =	sshra.s32 @!p0 s11, $0x2;
	v3 =	vadd.f32 v3, v4;
	v4 =	vadd.f32 v16, v9  }
0x150: {  	s13 =	simm.s32 @!p0 $0xC800;
	s11 =	sadd.s32 @!p0 $0x640, s0;
	s0 =	sadd.s32 @!p0 $0x6C0, s0;
	v2 =	vadd.f32 v2, v5;
	v5 =	vadd.f32 v10, v7  }
0x151: {  	[tilespmem:s13], [sflag:$0x5] =	stream.indirect.gather @!p0 [hbm4b:s3+s12], $0x20, s11, s12, $0xb8;
	v1 =	vadd.f32 v1, v3;
	v3 =	vadd.f32 v11, v4;
	[tilespmem:$0x13C00] =	vst v63  }
0x152: {  	s11 =	simm.s32 @!p0 $0x48;
	s12 =	simm.s32 @!p0 $0xD800;
	s13 =	sshll.u32 s9, $0x5;
	v0 =	vadd.f32 v0, v2;
	v2 =	vadd.f32 v6, v5  }
0x153: {  	[tilespmem:s12], [sflag:$0x5] =	stream.indirect.gather @!p0 [hbm4b:s3+s11], $0x20, s0, s11, $0xb8;
	v1 =	vadd.f32 v3, v1;
	[tilespmem:$0x13C00] =	vst v63  }
0x154: {  	s0 =	sand.u32 $0x3FFFFFE0, s13;
	v0 =	vadd.f32 v2, v0  }
0x155: {  	[tilespmem:s0+$0x12C00] =	vst v1  }
0x156: {  	[tilespmem:s0+$0x12C10] =	vst v0  }
0x157: {  	_ =	swait.ge [sflag:s22], $0x1000  }
0x158: {  	[sflag:s22] =	ssyncset.done $0x0  }
0x159: {  	[sflag:s22] =	ssyncadd.s32 $0xFFFFF000  }
0x15a: {  	_ =	swait.ge [sflag:s22], $0x900  }
0x15b: {  	[sflag:s22] =	ssyncset.done $0x0  }
0x15c: {  	s0 =	simm.s32 $0x0;
	[sflag:s22] =	ssyncadd.s32 $0xFFFFF700  }
0x15d: {  	v1 =	vld [tilespmem:s0+$0xE1C0]  }
0x15e: {  	v0 =	vld [tilespmem:s0+$0xE1D0]  }
0x15f: {  	v3 =	vld [tilespmem:s0+$0xE180]  }
0x160: {  	v2 =	vld [tilespmem:s0+$0xE190]  }
0x161: {  	v4 =	vld [tilespmem:s0+$0xE140]  }
0x162: {  	v5 =	vld [tilespmem:s0+$0xE150]  }
0x163: {  	v10 =	vld [tilespmem:s0+$0xE100]  }
0x164: {  	v8 =	vimm.f32 $0.0e+00;
	v11 =	vld [tilespmem:s0+$0xE110]  }
0x165: {  	s9 =	simm.s32 $0x400;
	v9 =	vimm.f32 $0.0e+00;
	v7 =	vimm.f32 $0.0e+00;
	v6 =	vimm.f32 $0.0e+00;
	v12 =	vld [tilespmem:s0+$0xE120]  }
.LBB2_19:
0x166: {  	p1 =	sne.s32 s9, $0x6000;
	v13 =	vld [tilespmem:s0+$0xE130]  }
0x167: {  	v14 =	vld [tilespmem:s0+$0xE160]  }
0x168: {  	v15 =	vld [tilespmem:s0+$0xE170]  }
0x169: {  	v16 =	vld [tilespmem:s0+$0xE1A0]  }
0x16a: {  	v6 =	vadd.f32 v10, v6;
	v7 =	vadd.f32 v11, v7;
	v10 =	vld [tilespmem:s0+$0xE1B0]  }
0x16b: {  	v9 =	vadd.f32 v12, v9;
	v8 =	vadd.f32 v13, v8;
	v11 =	vld [tilespmem:s0+$0xE1E0]  }
0x16c: {  	v4 =	vadd.f32 v4, v6;
	v5 =	vadd.f32 v5, v7;
	v12 =	vld [tilespmem:s0+$0xE1F0];
	s0 =	sshra.s32 s9, $0x2  }
0x16d: {  	v6 =	vadd.f32 v14, v9;
	v13 =	vld [tilespmem:s0+$0xE1C0];
	v7 =	vadd.f32 v15, v8  }
0x16e: {  	v4 =	vadd.f32 v3, v4;
	v5 =	vadd.f32 v2, v5;
	v14 =	vld [tilespmem:s0+$0xE1D0]  }
0x16f: {  	v8 =	vadd.f32 v16, v6;
	v3 =	vld [tilespmem:s0+$0xE180];
	v10 =	vadd.f32 v10, v7  }
0x170: {  	v6 =	vadd.f32 v1, v4;
	v7 =	vadd.f32 v0, v5;
	v2 =	vld [tilespmem:s0+$0xE190]  }
.Ltmp10:
0x171: {  	v9 =	vadd.f32 v11, v8;
	v4 =	vld [tilespmem:s0+$0xE140];
	v8 =	vadd.f32 v12, v10;
	(pc) =	sbr.rel @p1 .LBB2_19-.Ltmp10, $4  }
0x172: {  	v5 =	vld [tilespmem:s0+$0xE150];
	v1 =	vmov v13  }
0x173: {  	v10 =	vld [tilespmem:s0+$0xE100];
	v0 =	vmov v14  }
0x174: {  	v11 =	vld [tilespmem:s0+$0xE110]  }
0x175: {  	s9 =	sadd.s32 $0x400, s9;
	v12 =	vld [tilespmem:s0+$0xE120]  }
0x176: {  	v13 =	vld [tilespmem:s0+$0xE130]  }
0x177: {  	v14 =	vld [tilespmem:s0+$0xE160]  }
0x178: {  	v15 =	vld [tilespmem:s0+$0xE170]  }
0x179: {  	v16 =	vld [tilespmem:s0+$0xE1A0]  }
0x17a: {  	v6 =	vadd.f32 v10, v6;
	v10 =	vld [tilespmem:s0+$0xE1B0];
	v9 =	vadd.f32 v12, v9  }
0x17b: {  	s9 =	sor.u32 $0x5, s1;
	v7 =	vadd.f32 v11, v7;
	v11 =	vld [tilespmem:s0+$0xE1E0];
	v8 =	vadd.f32 v13, v8  }
0x17c: {  	s11 =	smul.u32 @!p0 $0x320, s9;
	v4 =	vadd.f32 v4, v6;
	v6 =	vld [tilespmem:s0+$0xE1F0];
	v9 =	vadd.f32 v14, v9  }
0x17d: {  	v5 =	vadd.f32 v5, v7;
	v7 =	vadd.f32 v15, v8  }
0x17e: {  	s12 =	simm.s32 @!p0 $0x80;
	s0 =	sshra.s32 @!p0 s11, $0x2;
	v3 =	vadd.f32 v3, v4;
	v4 =	vadd.f32 v16, v9  }
0x17f: {  	s13 =	simm.s32 @!p0 $0xE100;
	s11 =	sadd.s32 @!p0 $0x640, s0;
	s0 =	sadd.s32 @!p0 $0x6C0, s0;
	v2 =	vadd.f32 v2, v5;
	v5 =	vadd.f32 v10, v7  }
0x180: {  	[tilespmem:s13], [sflag:$0x6] =	stream.indirect.gather @!p0 [hbm4b:s3+s12], $0x20, s11, s12, $0xb8;
	v1 =	vadd.f32 v1, v3;
	v3 =	vadd.f32 v11, v4;
	[tilespmem:$0x13C00] =	vst v63  }
0x181: {  	s11 =	simm.s32 @!p0 $0x48;
	s12 =	simm.s32 @!p0 $0xF100;
	s13 =	sshll.u32 s9, $0x5;
	v0 =	vadd.f32 v0, v2;
	v2 =	vadd.f32 v6, v5  }
0x182: {  	[tilespmem:s12], [sflag:$0x6] =	stream.indirect.gather @!p0 [hbm4b:s3+s11], $0x20, s0, s11, $0xb8;
	v1 =	vadd.f32 v3, v1;
	[tilespmem:$0x13C00] =	vst v63  }
0x183: {  	s0 =	sand.u32 $0x3FFFFFE0, s13;
	v0 =	vadd.f32 v2, v0  }
0x184: {  	[tilespmem:s0+$0x12C00] =	vst v1  }
0x185: {  	[tilespmem:s0+$0x12C10] =	vst v0  }
0x186: {  	_ =	swait.ge [sflag:s23], $0x1000  }
0x187: {  	[sflag:s23] =	ssyncset.done $0x0  }
0x188: {  	[sflag:s23] =	ssyncadd.s32 $0xFFFFF000  }
0x189: {  	_ =	swait.ge [sflag:s23], $0x900  }
0x18a: {  	[sflag:s23] =	ssyncset.done $0x0  }
0x18b: {  	s0 =	simm.s32 $0x0;
	[sflag:s23] =	ssyncadd.s32 $0xFFFFF700  }
0x18c: {  	v1 =	vld [tilespmem:s0+$0xFAC0]  }
0x18d: {  	v0 =	vld [tilespmem:s0+$0xFAD0]  }
0x18e: {  	v3 =	vld [tilespmem:s0+$0xFA80]  }
0x18f: {  	v2 =	vld [tilespmem:s0+$0xFA90]  }
0x190: {  	v4 =	vld [tilespmem:s0+$0xFA40]  }
0x191: {  	v5 =	vld [tilespmem:s0+$0xFA50]  }
0x192: {  	v10 =	vld [tilespmem:s0+$0xFA00]  }
0x193: {  	v8 =	vimm.f32 $0.0e+00;
	v11 =	vld [tilespmem:s0+$0xFA10]  }
0x194: {  	s9 =	simm.s32 $0x400;
	v9 =	vimm.f32 $0.0e+00;
	v7 =	vimm.f32 $0.0e+00;
	v6 =	vimm.f32 $0.0e+00;
	v12 =	vld [tilespmem:s0+$0xFA20]  }
.LBB2_21:
0x195: {  	p1 =	sne.s32 s9, $0x6000;
	v13 =	vld [tilespmem:s0+$0xFA30]  }
0x196: {  	v14 =	vld [tilespmem:s0+$0xFA60]  }
0x197: {  	v15 =	vld [tilespmem:s0+$0xFA70]  }
0x198: {  	v16 =	vld [tilespmem:s0+$0xFAA0]  }
0x199: {  	v6 =	vadd.f32 v10, v6;
	v7 =	vadd.f32 v11, v7;
	v10 =	vld [tilespmem:s0+$0xFAB0]  }
0x19a: {  	v9 =	vadd.f32 v12, v9;
	v8 =	vadd.f32 v13, v8;
	v11 =	vld [tilespmem:s0+$0xFAE0]  }
0x19b: {  	v4 =	vadd.f32 v4, v6;
	v5 =	vadd.f32 v5, v7;
	v12 =	vld [tilespmem:s0+$0xFAF0];
	s0 =	sshra.s32 s9, $0x2  }
0x19c: {  	v6 =	vadd.f32 v14, v9;
	v13 =	vld [tilespmem:s0+$0xFAC0];
	v7 =	vadd.f32 v15, v8  }
0x19d: {  	v4 =	vadd.f32 v3, v4;
	v5 =	vadd.f32 v2, v5;
	v14 =	vld [tilespmem:s0+$0xFAD0]  }
0x19e: {  	v8 =	vadd.f32 v16, v6;
	v3 =	vld [tilespmem:s0+$0xFA80];
	v10 =	vadd.f32 v10, v7  }
0x19f: {  	v6 =	vadd.f32 v1, v4;
	v7 =	vadd.f32 v0, v5;
	v2 =	vld [tilespmem:s0+$0xFA90]  }
.Ltmp11:
0x1a0: {  	v9 =	vadd.f32 v11, v8;
	v4 =	vld [tilespmem:s0+$0xFA40];
	v8 =	vadd.f32 v12, v10;
	(pc) =	sbr.rel @p1 .LBB2_21-.Ltmp11, $4  }
0x1a1: {  	v5 =	vld [tilespmem:s0+$0xFA50];
	v1 =	vmov v13  }
0x1a2: {  	v10 =	vld [tilespmem:s0+$0xFA00];
	v0 =	vmov v14  }
0x1a3: {  	v11 =	vld [tilespmem:s0+$0xFA10]  }
0x1a4: {  	s9 =	sadd.s32 $0x400, s9;
	v12 =	vld [tilespmem:s0+$0xFA20]  }
0x1a5: {  	v13 =	vld [tilespmem:s0+$0xFA30]  }
0x1a6: {  	v14 =	vld [tilespmem:s0+$0xFA60]  }
0x1a7: {  	v15 =	vld [tilespmem:s0+$0xFA70]  }
0x1a8: {  	v16 =	vld [tilespmem:s0+$0xFAA0]  }
0x1a9: {  	v6 =	vadd.f32 v10, v6;
	v10 =	vld [tilespmem:s0+$0xFAB0];
	v9 =	vadd.f32 v12, v9  }
0x1aa: {  	s9 =	sor.u32 $0x6, s1;
	v7 =	vadd.f32 v11, v7;
	v11 =	vld [tilespmem:s0+$0xFAE0];
	v8 =	vadd.f32 v13, v8  }
0x1ab: {  	s11 =	smul.u32 @!p0 $0x320, s9;
	v4 =	vadd.f32 v4, v6;
	v6 =	vld [tilespmem:s0+$0xFAF0];
	v9 =	vadd.f32 v14, v9  }
0x1ac: {  	v5 =	vadd.f32 v5, v7;
	v7 =	vadd.f32 v15, v8  }
0x1ad: {  	s12 =	simm.s32 @!p0 $0x80;
	s0 =	sshra.s32 @!p0 s11, $0x2;
	v3 =	vadd.f32 v3, v4;
	v4 =	vadd.f32 v16, v9  }
0x1ae: {  	s13 =	simm.s32 @!p0 $0xFA00;
	s11 =	sadd.s32 @!p0 $0x640, s0;
	s0 =	sadd.s32 @!p0 $0x6C0, s0;
	v2 =	vadd.f32 v2, v5;
	v5 =	vadd.f32 v10, v7  }
0x1af: {  	[tilespmem:s13], [sflag:$0x7] =	stream.indirect.gather @!p0 [hbm4b:s3+s12], $0x20, s11, s12, $0xb8;
	v1 =	vadd.f32 v1, v3;
	v3 =	vadd.f32 v11, v4;
	[tilespmem:$0x13C00] =	vst v63  }
0x1b0: {  	s11 =	simm.s32 @!p0 $0x48;
	s12 =	simm.s32 @!p0 $0x10A00;
	s13 =	sshll.u32 s9, $0x5;
	v0 =	vadd.f32 v0, v2;
	v2 =	vadd.f32 v6, v5  }
0x1b1: {  	[tilespmem:s12], [sflag:$0x7] =	stream.indirect.gather @!p0 [hbm4b:s3+s11], $0x20, s0, s11, $0xb8;
	v1 =	vadd.f32 v3, v1;
	[tilespmem:$0x13C00] =	vst v63  }
0x1b2: {  	s0 =	sand.u32 $0x3FFFFFE0, s13;
	v0 =	vadd.f32 v2, v0  }
0x1b3: {  	[tilespmem:s0+$0x12C00] =	vst v1  }
0x1b4: {  	[tilespmem:s0+$0x12C10] =	vst v0  }
0x1b5: {  	_ =	swait.ge [sflag:s24], $0x1000  }
0x1b6: {  	[sflag:s24] =	ssyncset.done $0x0  }
0x1b7: {  	[sflag:s24] =	ssyncadd.s32 $0xFFFFF000  }
0x1b8: {  	_ =	swait.ge [sflag:s24], $0x900  }
0x1b9: {  	[sflag:s24] =	ssyncset.done $0x0  }
0x1ba: {  	s0 =	simm.s32 $0x0;
	[sflag:s24] =	ssyncadd.s32 $0xFFFFF700  }
0x1bb: {  	v0 =	vld [tilespmem:s0+$0x113C0]  }
0x1bc: {  	v2 =	vld [tilespmem:s0+$0x113D0]  }
0x1bd: {  	v1 =	vld [tilespmem:s0+$0x11380]  }
0x1be: {  	v3 =	vld [tilespmem:s0+$0x11390]  }
0x1bf: {  	v4 =	vld [tilespmem:s0+$0x11340]  }
0x1c0: {  	v5 =	vld [tilespmem:s0+$0x11350]  }
0x1c1: {  	v10 =	vld [tilespmem:s0+$0x11300]  }
0x1c2: {  	v8 =	vimm.f32 $0.0e+00;
	v12 =	vld [tilespmem:s0+$0x11310]  }
0x1c3: {  	s9 =	simm.s32 $0x400;
	v9 =	vimm.f32 $0.0e+00;
	v7 =	vimm.f32 $0.0e+00;
	v6 =	vimm.f32 $0.0e+00;
	v11 =	vld [tilespmem:s0+$0x11320]  }
.LBB2_23:
0x1c4: {  	p0 =	sne.s32 s9, $0x6000;
	v13 =	vld [tilespmem:s0+$0x11330]  }
0x1c5: {  	v14 =	vld [tilespmem:s0+$0x11360]  }
0x1c6: {  	v15 =	vld [tilespmem:s0+$0x11370]  }
0x1c7: {  	v16 =	vld [tilespmem:s0+$0x113A0]  }
0x1c8: {  	v6 =	vadd.f32 v10, v6;
	v9 =	vadd.f32 v12, v9;
	v10 =	vld [tilespmem:s0+$0x113B0]  }
0x1c9: {  	v7 =	vadd.f32 v11, v7;
	v8 =	vadd.f32 v13, v8;
	v11 =	vld [tilespmem:s0+$0x113E0]  }
0x1ca: {  	v4 =	vadd.f32 v4, v6;
	v5 =	vadd.f32 v5, v9;
	v12 =	vld [tilespmem:s0+$0x113F0];
	s0 =	sshra.s32 s9, $0x2  }
0x1cb: {  	v6 =	vadd.f32 v14, v7;
	v13 =	vld [tilespmem:s0+$0x113C0];
	v7 =	vadd.f32 v15, v8  }
0x1cc: {  	v4 =	vadd.f32 v1, v4;
	v5 =	vadd.f32 v3, v5;
	v14 =	vld [tilespmem:s0+$0x113D0]  }
0x1cd: {  	v8 =	vadd.f32 v16, v6;
	v1 =	vld [tilespmem:s0+$0x11380];
	v10 =	vadd.f32 v10, v7  }
0x1ce: {  	v6 =	vadd.f32 v0, v4;
	v9 =	vadd.f32 v2, v5;
	v3 =	vld [tilespmem:s0+$0x11390]  }
.Ltmp12:
0x1cf: {  	v7 =	vadd.f32 v11, v8;
	v4 =	vld [tilespmem:s0+$0x11340];
	v8 =	vadd.f32 v12, v10;
	(pc) =	sbr.rel @p0 .LBB2_23-.Ltmp12, $4  }
0x1d0: {  	v5 =	vld [tilespmem:s0+$0x11350];
	v0 =	vmov v13  }
0x1d1: {  	v10 =	vld [tilespmem:s0+$0x11300];
	v2 =	vmov v14  }
0x1d2: {  	v12 =	vld [tilespmem:s0+$0x11310]  }
0x1d3: {  	s9 =	sadd.s32 $0x400, s9;
	v11 =	vld [tilespmem:s0+$0x11320]  }
0x1d4: {  	v13 =	vld [tilespmem:s0+$0x11330]  }
0x1d5: {  	v14 =	vld [tilespmem:s0+$0x11360]  }
0x1d6: {  	v15 =	vld [tilespmem:s0+$0x11370]  }
0x1d7: {  	v16 =	vld [tilespmem:s0+$0x113A0]  }
0x1d8: {  	v59 =	vld [tilespmem:s0+$0x113B0];
	v6 =	vadd.f32 v10, v6;
	v7 =	vadd.f32 v11, v7  }
0x1d9: {  	v60 =	vld [tilespmem:s0+$0x113E0];
	v9 =	vadd.f32 v12, v9;
	v8 =	vadd.f32 v13, v8  }
0x1da: {  	v61 =	vld [tilespmem:s0+$0x113F0];
	v4 =	vadd.f32 v4, v6;
	v7 =	vadd.f32 v14, v7  }
0x1db: {  	v5 =	vadd.f32 v5, v9;
	v8 =	vadd.f32 v15, v8  }
0x1dc: {  	p0 =	sne.s32 s30, $0xF;
	v1 =	vadd.f32 v1, v4;
	v62 =	vadd.f32 v16, v7  }
.Ltmp13:
0x1dd: {  	v3 =	vadd.f32 v3, v5;
	v63 =	vadd.f32 v59, v8;
	(pc) =	sbr.rel @!p0 .LBB2_25-.Ltmp13, $4  }
0x1de: {  	v0 =	vadd.f32 v0, v1;
	v1 =	vadd.f32 v60, v62  }
0x1df: {  	v2 =	vadd.f32 v2, v3;
	v3 =	vadd.f32 v61, v63  }
0x1e0: {  	v1 =	vadd.f32 v1, v0  }
0x1e1: {  	v0 =	vadd.f32 v3, v2  }
0x1e2: {  	s0 =	sor.u32 $0x7, s1  }
0x1e3: {  	s1 =	smul.u32 $0x320, s0;
	_ =	sdelay $0x1  }
0x1e4: {  	s1 =	sshra.s32 s1, $0x2  }
0x1e5: {  	p0 =	sne.s32 s31, $0x10;
	s9 =	sadd.s32 $0x640, s1  }
0x1e6: {  	[tilespmem:s14], [sflag:$0x8] =	stream.indirect.gather [hbm4b:s3+s8], $0x20, s9, s8, $0xb8;
	[tilespmem:$0x13C00] =	vst v63  }
.Ltmp14:
0x1e7: {  	s0 =	sshll.u32 s0, $0x5;
	(pc) =	sbr.rel @p0 .LBB2_4-.Ltmp14, $4  }
.Ltmp15:
0x1e8: {  	s0 =	sand.u32 $0x3FFFFFE0, s0;
	s1 =	sadd.s32 $0x6C0, s1;
	(pc) =	sbr.rel @!p0 .LBB2_27-.Ltmp15, $4  }
0x1e9: {  	[tilespmem:s16], [sflag:$0x8] =	stream.indirect.gather [hbm4b:s3+s10], $0x20, s1, s10, $0xb8;
	[tilespmem:$0x13C00] =	vst v63  }
0x1ea: {  	[tilespmem:s0+$0x12C00] =	vst v1  }
0x1eb: {  	s29 =	sadd.s32 $0x640, s29;
	s30 =	smov.u32 s31;
	[tilespmem:s0+$0x12C10] =	vst v0  }
0x1ec: {  	_ = 	snop  }
.LBB2_28:
0x1ed: {  	_ =	sfence.sel $0x180000  }
0x1ee: {  	[bflag:$0x0] =	sbarrier.arrive $0xFFFF  }
0x1ef: {  	_ =	strace $0x90000047  }
0x1f0: {  	s0 =	stileid.u32;
	[bflag:$0x2] =	sbarrier.arrive $0xFFFF  }
0x1f1: {  	p0 =	sne.s32 s0, $0x0;
	s0 =	rddreg [dreg:$0x2]  }
0x1f2: {  	s0 =	sadd.s32 @!p0 $0x100000, s0  }
0x1f3: {  	[sflag:s0] =	ssyncadd.tile.s32 @!p0 $0x1;
	_ =	shalt  }
.Lfunc_end2:
_tile_overlayer_lowered:
.L_overlay_start_2:
0x1f4: {  	(tag) =	ssettag $0x2  }
0x1f5: {  	s0 =	rddreg [dreg:$0x0];
	s2 =	stileid.u32  }
0x1f6: {  	s1 =	rddreg [dreg:$0x1];
	p0 =	sne.s32 s2, $0x0  }
0x1f7: {  	s3 =	rddreg [dreg:$0x2];
	[bflag:$0x3] =	sbarrier.arrive $0xFFFF;
	s2 =	simm.s32 @!p0 $0x1C09  }
0x1f8: {  	[timem:s3], [sflag:s2] =	dma.local @!p0 [hbm:s0], s1  }
0x1f9: {  	s0 =	simm.s32 @!p0 $0x9  }
0x1fa: {  	_ =	swait.ge @!p0 [sflag:s0], s1  }
0x1fb: {  	s1 =	ssub.s32 @!p0 $0x0, s1;
	[sflag:s0] =	ssyncset.done @!p0 $0x0  }
0x1fc: {  	[sflag:s0] =	ssyncadd.s32 @!p0 s1  }
0x1fd: {  	[bflag:$0x3] =	sbarrier.arrive $0xFFFF  }
0x1fe: {  	_ =	shalt  }

</sc_bundles>
